<compile_context>
chip_gen: v7x
topology: tpu7x:2x2x1
jax: 0.10.2.dev20260603
libtpu: 0.0.44.dev20260713+nightly
codegen_flags: <defaults>
</compile_context>

<pallas_src>
import functools

import jax
import jax.numpy as jnp
import numpy as np
from jax import lax
from jax.experimental import pallas as pl
from jax.experimental.pallas import tpu as pltpu
from jax.experimental.pallas import tpu_sc as plsc

N_AG = 128
N_TASK = 2048
N_NODES = N_AG + N_TASK
N_EDGES = 262144
D = 512

SC_CORES = 2
SC_SUBCORES = 16
LANES = 16

EDGES_PER_TILE = N_EDGES // SC_SUBCORES
IDX_ROWS = EDGES_PER_TILE // 128
CHUNK_ROWS = N_NODES // 4
CHUNK = CHUNK_ROWS * N_NODES


def _threefry2x32(k1, k2, x0, x1):
    rot = ((13, 15, 26, 6), (17, 29, 16, 24))
    ks = (np.uint32(k1), np.uint32(k2),
          np.uint32(np.uint32(k1) ^ np.uint32(k2) ^ np.uint32(0x1BD11BDA)))
    x0 = (x0 + ks[0]).astype(np.uint32)
    x1 = (x1 + ks[1]).astype(np.uint32)
    for g in range(5):
        for r in rot[g % 2]:
            x0 = (x0 + x1).astype(np.uint32)
            x1 = ((x1 << np.uint32(r)) | (x1 >> np.uint32(32 - r))).astype(
                np.uint32)
            x1 = (x0 ^ x1).astype(np.uint32)
        x0 = (x0 + ks[(g + 1) % 3]).astype(np.uint32)
        x1 = (x1 + ks[(g + 2) % 3] + np.uint32(g + 1)).astype(np.uint32)
    return x0, x1


def _make_gumbel_table() -> np.ndarray:
    tiny = np.float32(np.finfo(np.float32).tiny)
    k1, k2 = np.uint32(0), np.uint32(42)
    rows = []
    for _ in range(N_AG):
        b1, b2 = _threefry2x32(k1, k2, np.zeros(2, np.uint32),
                               np.arange(2, dtype=np.uint32))
        k1, k2 = b1[0], b2[0]
        s1, s2 = b1[1], b2[1]
        r1, r2 = _threefry2x32(s1, s2, np.zeros(N_TASK, np.uint32),
                               np.arange(N_TASK, dtype=np.uint32))
        bits = (r1 ^ r2).astype(np.uint32)
        fb = ((bits >> np.uint32(9)) | np.uint32(0x3F800000)).astype(np.uint32)
        u = fb.view(np.float32) - np.float32(1.0)
        u = np.maximum(tiny, (u * (np.float32(1.0) - tiny) + tiny))
        g = -np.log(-np.log(u.astype(np.float64)))
        rows.append(g.astype(np.float32))
    return np.stack(rows)


_GUMBEL = _make_gumbel_table()


ACC_LEN = CHUNK + SC_SUBCORES * 128
INIT_SLICE = ACC_LEN // SC_SUBCORES
OUT_SLICE = CHUNK // SC_SUBCORES


def _build_counts(edge_src, edge_dst, zeros):
    mesh = plsc.VectorSubcoreMesh(core_axis_name="c", subcore_axis_name="s")

    @functools.partial(
        pl.kernel,
        mesh=mesh,
        out_type=jax.ShapeDtypeStruct((N_NODES * N_NODES,), jnp.float32),
        scratch_types=[
            pltpu.VMEM((EDGES_PER_TILE,), jnp.int32),
            pltpu.VMEM((EDGES_PER_TILE,), jnp.int32),
            pltpu.VMEM((IDX_ROWS, 128), jnp.int32),
            pltpu.VMEM((8, 128), jnp.float32),
            pltpu.VMEM((128,), jnp.float32),
            pltpu.VMEM_SHARED((ACC_LEN,), jnp.float32),
            pltpu.SemaphoreType.DMA,
        ],
    )
    def counts_kernel(src_hbm, dst_hbm, z_hbm, a_hbm, src_v, dst_v, flat_v,
                      ones_v, drain_v, acc, sem):
        c = lax.axis_index("c")
        s = lax.axis_index("s")
        pltpu.sync_copy(src_hbm.at[s], src_v)
        pltpu.sync_copy(dst_hbm.at[s], dst_v)

        for r in range(8):
            for q in range(128 // LANES):
                ones_v[r, pl.ds(q * LANES, LANES)] = jnp.full(
                    (LANES,), 1.0, jnp.float32)

        for k in range(2):
            chunk_id = c * 2 + k
            lo = chunk_id * CHUNK_ROWS

            base = s * INIT_SLICE
            pltpu.sync_copy(z_hbm.at[pl.ds(base, INIT_SLICE)],
                            acc.at[pl.ds(base, INIT_SLICE)])

            plsc.subcore_barrier()

            lane = lax.iota(jnp.int32, LANES)

            def row_body(r, _):
                for q in range(128 // LANES):
                    off = r * 128 + q * LANES
                    sv = src_v[pl.ds(off, LANES)]
                    dv = dst_v[pl.ds(off, LANES)]
                    rel = dv - lo
                    inr = (rel >= 0) & (rel < CHUNK_ROWS)
                    trash = CHUNK + s * 128 + q * LANES + lane
                    flat = jnp.where(inr, rel * N_NODES + sv, trash)
                    flat_v[r, pl.ds(q * LANES, LANES)] = flat
                return 0

            lax.fori_loop(0, IDX_ROWS, row_body, 0)

            def sc_body(j, _):
                descs = [
                    pltpu.async_copy(ones_v.at[t],
                                     acc.at[flat_v.at[j * 8 + t]], sem,
                                     add=True)
                    for t in range(8)
                ]
                for dsc in descs:
                    dsc.wait()
                return 0

            lax.fori_loop(0, IDX_ROWS // 8, sc_body, 0)
            for j in range(IDX_ROWS - 4, IDX_ROWS):
                pltpu.sync_copy(acc.at[flat_v.at[j]], drain_v)
            plsc.subcore_barrier()

            pl.delay(2000)
            obase = s * OUT_SLICE
            for t in range(4):
                pltpu.sync_copy(
                    acc.at[pl.ds(obase + t * 16384, 16384)],
                    a_hbm.at[pl.ds(chunk_id * CHUNK + obase + t * 16384,
                                   16384)])
            pltpu.sync_copy(
                acc.at[pl.ds(obase + 4 * 16384, 8448)],
                a_hbm.at[pl.ds(chunk_id * CHUNK + obase + 4 * 16384, 8448)])

            plsc.subcore_barrier()

    return counts_kernel(edge_src, edge_dst, zeros)


def _policy_sample(A, loc, W_embed, b_embed2d, W_self, W_nei, b_gnn2d, W_bi,
                   gum, ag_order, continuing, prev, interpret=False):
    nblk = N_NODES // 128

    def body(a_ref, loc_ref, we_ref, be_ref, ws_ref, wn_ref, bg_ref, wb_ref,
             gum_ref, ago_ref, cont_ref, prev_ref, out_ref, h_s, h2_s,
             lut_ref):
        i = pl.program_id(0)

        @pl.when(i == 0)
        def _embed_step():
            x0 = loc_ref[:, 0:1].astype(jnp.bfloat16).astype(jnp.float32)
            x1 = loc_ref[:, 1:2].astype(jnp.bfloat16).astype(jnp.float32)
            w0 = we_ref[0:1, :].astype(jnp.bfloat16).astype(jnp.float32)
            w1 = we_ref[1:2, :].astype(jnp.bfloat16).astype(jnp.float32)
            h_s[...] = (x0 * w0 + x1 * w1) + be_ref[...]

        @pl.when(i < nblk)
        def _gnn_step():
            a_blk = a_ref[...]
            deg = jnp.sum(a_blk, axis=1, keepdims=True)
            agg = jax.lax.dot_general(
                a_blk, h_s[...], (((1,), (0,)), ((), ())),
                precision=jax.lax.Precision.HIGHEST,
                preferred_element_type=jnp.float32)
            norm = agg / jnp.maximum(deg, 1.0)
            h_blk = h_s[pl.ds(i * 128, 128), :]
            pre = (jax.lax.dot_general(
                h_blk, ws_ref[...], (((1,), (0,)), ((), ())),
                preferred_element_type=jnp.float32) +
                   jax.lax.dot_general(
                norm, wn_ref[...], (((1,), (0,)), ((), ())),
                preferred_element_type=jnp.float32) + bg_ref[...])
            h2_s[pl.ds(i * 128, 128), :] = jnp.maximum(pre, 0.0) + h_blk

        @pl.when(i == nblk)
        def _sample_step():
            ag = h2_s[0:N_AG, :]
            tasks = h2_s[N_AG:N_NODES, :]
            t = jax.lax.dot_general(
                ag, wb_ref[...], (((1,), (0,)), ((), ())),
                preferred_element_type=jnp.float32)
            logits = jax.lax.dot_general(
                t, tasks, (((1,), (1,)), ((), ())),
                preferred_element_type=jnp.float32)
            m = jnp.max(logits, axis=1, keepdims=True)
            e = jnp.exp(logits - m)
            pol = e / jnp.sum(e, axis=1, keepdims=True)
            colid = lax.broadcasted_iota(jnp.int32, (N_AG, N_TASK), 1)
            pol = jnp.where(colid == N_TASK - 1, jnp.float32(1e-5), pol)
            lut_ref[...] = jnp.log(pol + 1e-12).reshape(N_AG * 8,
                                                        N_TASK // 8)
            log_masked = jnp.log(jnp.float32(1e-12))

            col2 = (lax.broadcasted_iota(jnp.int32, (8, N_TASK // 8), 0) *
                    (N_TASK // 8) +
                    lax.broadcasted_iota(jnp.int32, (8, N_TASK // 8), 1))
            outid = lax.broadcasted_iota(jnp.int32, (1, N_AG), 1)

            def step(itr, carry):
                mask, acts = carry
                a = ago_ref[itr]
                base = lut_ref[pl.ds(a * 8, 8), :]
                g = gum_ref[pl.ds(itr * 8, 8), :]
                scores = jnp.where(mask != 0, log_masked, base) + g
                mx = jnp.max(scores)
                action = jnp.min(
                    jnp.where(scores == mx, col2, N_TASK)).astype(jnp.int32)
                action = jnp.where(cont_ref[a] != 0, prev_ref[a], action)
                mask = mask | ((col2 == action) &
                               (action != N_TASK - 1)).astype(jnp.int32)
                acts = jnp.where(outid == itr, action, acts)
                return mask, acts

            mask0 = jnp.zeros((8, N_TASK // 8), jnp.int32)
            acts0 = jnp.zeros((1, N_AG), jnp.int32)
            _, acts = lax.fori_loop(0, N_AG, step, (mask0, acts0))
            out_ref[...] = acts

    return pl.pallas_call(
        body,
        grid=(nblk + 1,),
        in_specs=[
            pl.BlockSpec((128, N_NODES), lambda i: (jnp.minimum(i, 16), 0)),
            pl.BlockSpec((N_NODES, 2), lambda i: (0, 0)),
            pl.BlockSpec((2, D), lambda i: (0, 0)),
            pl.BlockSpec((1, D), lambda i: (0, 0)),
            pl.BlockSpec((D, D), lambda i: (0, 0)),
            pl.BlockSpec((D, D), lambda i: (0, 0)),
            pl.BlockSpec((1, D), lambda i: (0, 0)),
            pl.BlockSpec((D, D), lambda i: (0, 0)),
            pl.BlockSpec((N_AG * 8, N_TASK // 8), lambda i: (0, 0)),
            pl.BlockSpec(memory_space=pltpu.SMEM),
            pl.BlockSpec(memory_space=pltpu.SMEM),
            pl.BlockSpec(memory_space=pltpu.SMEM),
        ],
        out_specs=pl.BlockSpec((1, N_AG), lambda i: (0, 0)),
        out_shape=jax.ShapeDtypeStruct((1, N_AG), jnp.int32),
        scratch_shapes=[
            pltpu.VMEM((N_NODES, D), jnp.float32),
            pltpu.VMEM((N_NODES, D), jnp.float32),
            pltpu.VMEM((N_AG * 8, N_TASK // 8), jnp.float32),
        ],
        interpret=interpret,
    )(A, loc, W_embed, b_embed2d, W_self, W_nei, b_gnn2d, W_bi, gum,
      ag_order, continuing, prev)


def kernel(loc, W_embed, b_embed, W_self, W_nei, b_gnn, W_bi, edge_index,
           ag_order, continuing_ag, joint_action_prev):
    edge_src = edge_index[0].reshape(SC_SUBCORES, EDGES_PER_TILE)
    edge_dst = edge_index[1].reshape(SC_SUBCORES, EDGES_PER_TILE)
    zeros = jnp.zeros((ACC_LEN,), jnp.float32)
    a_flat = _build_counts(edge_src.astype(jnp.int32),
                           edge_dst.astype(jnp.int32), zeros)
    A = a_flat.reshape(N_NODES, N_NODES)
    acts = _policy_sample(A, loc, W_embed, b_embed.reshape(1, D), W_self,
                          W_nei, b_gnn.reshape(1, D), W_bi,
                          jnp.asarray(_GUMBEL).reshape(N_AG * 8, N_TASK // 8),
                          ag_order.astype(jnp.int32),
                          continuing_ag.astype(jnp.int32),
                          joint_action_prev.astype(jnp.int32))
    return acts.reshape(N_AG)

# --- scband reference (transcript-rebuilt; emitter-appended) ---
"""Pipeline reference for scband-agent-22084721836392 (READ-ONLY COPY).

The authoritative reference and input builder live on the scoring server;
editing this copy changes nothing except your own understanding.
"""

import jax, jax.numpy as jnp
import numpy as np

N_AG = 128
N_TASK = 2048
N_NODES = N_AG + N_TASK
N_EDGES = 262144
D = 512


def setup_inputs(seed: int = 0) -> dict:
    key = jax.random.key(seed)
    ks = jax.random.split(key, 10)
    loc = jax.random.normal(ks[0], (N_NODES, 2), dtype=jnp.float32)
    edge_index = jax.random.randint(ks[1], (2, N_EDGES), 0, N_NODES)
    ag_order = jax.random.permutation(ks[2], N_AG)
    continuing_ag = jnp.zeros((N_AG,), dtype=bool)
    joint_action_prev = jax.random.randint(ks[3], (N_AG,), 0, N_TASK)
    s = 1.0 / np.sqrt(D)
    W_embed = jax.random.normal(ks[4], (2, D), dtype=jnp.float32) * (1.0 / np.sqrt(2.0))
    b_embed = jnp.zeros((D,), dtype=jnp.float32)
    W_self = jax.random.normal(ks[5], (D, D), dtype=jnp.float32) * s
    W_nei = jax.random.normal(ks[6], (D, D), dtype=jnp.float32) * s
    b_gnn = jnp.zeros((D,), dtype=jnp.float32)
    W_bi = jax.random.normal(ks[7], (D, D), dtype=jnp.float32) * s
    return {
        'loc': loc,
        'W_embed': W_embed,
        'b_embed': b_embed,
        'W_self': W_self,
        'W_nei': W_nei,
        'b_gnn': b_gnn,
        'W_bi': W_bi,
        'edge_index': edge_index,
        'ag_order': ag_order,
        'continuing_ag': continuing_ag,
        'joint_action_prev': joint_action_prev,
    }


def _get_policy(loc, W_embed, b_embed, W_self, W_nei, b_gnn, W_bi, edge_index):
    # self.embedding = nn.Linear(2, embedding_dim)
    h = loc @ W_embed + b_embed  # [N, D]
    # 1-layer GNN with mean aggregation and residual connection
    src = edge_index[0]
    dst = edge_index[1]
    msg = jnp.take(h, src, axis=0)  # gather
    agg = jax.ops.segment_sum(msg, dst, num_segments=N_NODES)  # scatter-add
    deg = jax.ops.segment_sum(jnp.ones((N_EDGES,), dtype=h.dtype), dst, num_segments=N_NODES)
    agg = agg / jnp.clip(deg, 1.0, None)[:, None]
    h2 = jax.nn.relu(h @ W_self + agg @ W_nei + b_gnn) + h  # residual=True
    # Bipartite policy: agent nodes score task nodes, softmax over tasks
    ag_emb = h2[:N_AG]
    task_emb = h2[N_AG:]
    logits = (ag_emb @ W_bi) @ task_emb.T  # [n_ag, n_tasks]
    policy = jax.nn.softmax(logits, axis=-1)
    policy = policy.at[:, -1].set(1e-05)  # policy[:, -1] = 1e-05
    return policy


def reference(loc, W_embed, b_embed, W_self, W_nei, b_gnn, W_bi, edge_index, ag_order, continuing_ag, joint_action_prev):
    policy = _get_policy(loc, W_embed, b_embed, W_self, W_nei, b_gnn, W_bi, edge_index)
    pol = policy.reshape(N_AG, -1)
    key = jax.random.key(42)

    def body(carry, itr):
        pol, key = carry
        pol = pol.at[:, -1].set(1e-05)
        agent_idx = ag_order[itr]
        selected_ag_policy = pol[agent_idx]
        key, sk = jax.random.split(key)
        # torch.distributions.Categorical(probs).sample()
        action = jax.random.categorical(sk, jnp.log(selected_ag_policy + 1e-12))
        action = jnp.where(continuing_ag[agent_idx], joint_action_prev[agent_idx], action)
        pol = pol.at[:, action].set(0.0)  # mask chosen task for remaining agents
        return (pol, key), action

    _, out_action = jax.lax.scan(body, (pol, key), jnp.arange(N_AG))
    return out_action

if __name__ == "__main__":
    import jax
    _d = setup_inputs()
    print(jax.jit(kernel)(*tuple(_d.values())))

</pallas_src>

<mosaic_0001>
#map = affine_map<(d0, d1) -> (0, 0)>
#map1 = affine_map<(d0, d1) -> (0)>
module attributes {stable_mosaic.version = 14 : i64} {
  func.func @counts_kernel(%arg0: i32, %arg1: i32, %arg2: memref<16x16384xi32, #tpu.memory_space<hbm>>, %arg3: memref<16x16384xi32, #tpu.memory_space<hbm>>, %arg4: memref<1185792xf32, #tpu.memory_space<hbm>>, %arg5: memref<4734976xf32, #tpu.memory_space<hbm>>, %arg6: memref<16384xi32, #tpu.memory_space<vmem>>, %arg7: memref<16384xi32, #tpu.memory_space<vmem>>, %arg8: memref<128x128xi32, #tpu.memory_space<vmem>>, %arg9: memref<8x128xf32, #tpu.memory_space<vmem>>, %arg10: memref<128xf32, #tpu.memory_space<vmem>>, %arg11: memref<1185792xf32, #tpu.memory_space<vmem_shared>>, %arg12: memref<!tpu.dma_semaphore, #tpu.memory_space<semaphore_mem>>) attributes {dimension_semantics = [#tpu.dimension_semantics<core_parallel>, #tpu.dimension_semantics<subcore_parallel>], iteration_bounds = array<i64: 2, 16>, scalar_prefetch = 0 : i64, scratch_operands = 7 : i64, tpu.core_type = #tpu.core_type<sc_vector_subcore>, window_params = [{transform_indices = #map}, {transform_indices = #map}, {transform_indices = #map1}, {transform_indices = #map1}]} {
    "tpu.region"() ({
      %run_scoped3A_639 = tpu.sem_alloc : memref<!tpu.dma_semaphore, #tpu.memory_space<semaphore_mem>>
      %dma_start3A = arith.constant 0 : i32
      %dma_start3A_640 = tpu.memref_slice %arg2[%arg1, %dma_start3A] : memref<16x16384xi32, #tpu.memory_space<hbm>> -> memref<1x16384xi32, #tpu.memory_space<hbm>>
      %dma_start3A_641 = tpu.memref_squeeze %dma_start3A_640 : memref<1x16384xi32, #tpu.memory_space<hbm>> -> memref<16384xi32, #tpu.memory_space<hbm>>
      %dma_start3A_642 = arith.constant 0 : i32
      %dma_start3A_643 = tpu.memref_slice %arg2[%arg1, %dma_start3A_642] : memref<16x16384xi32, #tpu.memory_space<hbm>> -> memref<1x16384xi32, #tpu.memory_space<hbm>>
      %dma_start3A_644 = tpu.memref_squeeze %dma_start3A_643 : memref<1x16384xi32, #tpu.memory_space<hbm>> -> memref<16384xi32, #tpu.memory_space<hbm>>
      tpu.enqueue_dma source(%dma_start3A_644 : memref<16384xi32, #tpu.memory_space<hbm>>) target(%arg6 : memref<16384xi32, #tpu.memory_space<vmem>>) target_semaphore(%run_scoped3A_639 : memref<!tpu.dma_semaphore, #tpu.memory_space<semaphore_mem>>)
      %dma_wait3A = arith.constant 0 : i32
      %dma_wait3A_645 = tpu.memref_slice %arg2[%arg1, %dma_wait3A] : memref<16x16384xi32, #tpu.memory_space<hbm>> -> memref<1x16384xi32, #tpu.memory_space<hbm>>
      %dma_wait3A_646 = tpu.memref_squeeze %dma_wait3A_645 : memref<1x16384xi32, #tpu.memory_space<hbm>> -> memref<16384xi32, #tpu.memory_space<hbm>>
      %dma_wait3A_647 = arith.constant 0 : i32
      %dma_wait3A_648 = tpu.memref_slice %arg2[%arg1, %dma_wait3A_647] : memref<16x16384xi32, #tpu.memory_space<hbm>> -> memref<1x16384xi32, #tpu.memory_space<hbm>>
      %dma_wait3A_649 = tpu.memref_squeeze %dma_wait3A_648 : memref<1x16384xi32, #tpu.memory_space<hbm>> -> memref<16384xi32, #tpu.memory_space<hbm>>
      tpu.wait_dma2 semaphore(%run_scoped3A_639 : memref<!tpu.dma_semaphore, #tpu.memory_space<semaphore_mem>>) src(%dma_wait3A_649 : memref<16384xi32, #tpu.memory_space<hbm>>) dst(%arg6 : memref<16384xi32, #tpu.memory_space<vmem>>)
      tpu.yield
    }) : () -> ()
    "tpu.region"() ({
      %run_scoped3A_639 = tpu.sem_alloc : memref<!tpu.dma_semaphore, #tpu.memory_space<semaphore_mem>>
      %dma_start3A = arith.constant 0 : i32
      %dma_start3A_640 = tpu.memref_slice %arg3[%arg1, %dma_start3A] : memref<16x16384xi32, #tpu.memory_space<hbm>> -> memref<1x16384xi32, #tpu.memory_space<hbm>>
      %dma_start3A_641 = tpu.memref_squeeze %dma_start3A_640 : memref<1x16384xi32, #tpu.memory_space<hbm>> -> memref<16384xi32, #tpu.memory_space<hbm>>
      %dma_start3A_642 = arith.constant 0 : i32
      %dma_start3A_643 = tpu.memref_slice %arg3[%arg1, %dma_start3A_642] : memref<16x16384xi32, #tpu.memory_space<hbm>> -> memref<1x16384xi32, #tpu.memory_space<hbm>>
      %dma_start3A_644 = tpu.memref_squeeze %dma_start3A_643 : memref<1x16384xi32, #tpu.memory_space<hbm>> -> memref<16384xi32, #tpu.memory_space<hbm>>
      tpu.enqueue_dma source(%dma_start3A_644 : memref<16384xi32, #tpu.memory_space<hbm>>) target(%arg7 : memref<16384xi32, #tpu.memory_space<vmem>>) target_semaphore(%run_scoped3A_639 : memref<!tpu.dma_semaphore, #tpu.memory_space<semaphore_mem>>)
      %dma_wait3A = arith.constant 0 : i32
      %dma_wait3A_645 = tpu.memref_slice %arg3[%arg1, %dma_wait3A] : memref<16x16384xi32, #tpu.memory_space<hbm>> -> memref<1x16384xi32, #tpu.memory_space<hbm>>
      %dma_wait3A_646 = tpu.memref_squeeze %dma_wait3A_645 : memref<1x16384xi32, #tpu.memory_space<hbm>> -> memref<16384xi32, #tpu.memory_space<hbm>>
      %dma_wait3A_647 = arith.constant 0 : i32
      %dma_wait3A_648 = tpu.memref_slice %arg3[%arg1, %dma_wait3A_647] : memref<16x16384xi32, #tpu.memory_space<hbm>> -> memref<1x16384xi32, #tpu.memory_space<hbm>>
      %dma_wait3A_649 = tpu.memref_squeeze %dma_wait3A_648 : memref<1x16384xi32, #tpu.memory_space<hbm>> -> memref<16384xi32, #tpu.memory_space<hbm>>
      tpu.wait_dma2 semaphore(%run_scoped3A_639 : memref<!tpu.dma_semaphore, #tpu.memory_space<semaphore_mem>>) src(%dma_wait3A_649 : memref<16384xi32, #tpu.memory_space<hbm>>) dst(%arg7 : memref<16384xi32, #tpu.memory_space<vmem>>)
      tpu.yield
    }) : () -> ()
    %broadcast_in_dim3A = arith.constant 1.000000e+00 : f32
    %broadcast_in_dim3A_0 = vector.broadcast %broadcast_in_dim3A : f32 to vector<16xf32>
    %swap3A = arith.constant 0 : i32
    %swap3A_1 = arith.index_cast %swap3A : i32 to index
    %swap3A_2 = arith.constant 0 : index
    %swap3A_3 = tpu.vector_load %arg9[%swap3A_1, %swap3A_2] {strides = array<i32>} : memref<8x128xf32, #tpu.memory_space<vmem>>, vector<1x16xf32>,
    %swap3A_4 = vector.shape_cast %swap3A_3 : vector<1x16xf32> to vector<16xf32>
    %swap3A_5 = vector.shape_cast %broadcast_in_dim3A_0 : vector<16xf32> to vector<1x16xf32>
    tpu.vector_store %arg9[%swap3A_1, %swap3A_2], %swap3A_5 {strides = array<i32>} : memref<8x128xf32, #tpu.memory_space<vmem>>, vector<1x16xf32>,
    %broadcast_in_dim3A_6 = arith.constant 1.000000e+00 : f32
    %broadcast_in_dim3A_7 = vector.broadcast %broadcast_in_dim3A_6 : f32 to vector<16xf32>
    %swap3A_8 = arith.constant 0 : i32
    %swap3A_9 = arith.index_cast %swap3A_8 : i32 to index
    %swap3A_10 = arith.constant 16 : index
    %swap3A_11 = tpu.vector_load %arg9[%swap3A_9, %swap3A_10] {strides = array<i32>} : memref<8x128xf32, #tpu.memory_space<vmem>>, vector<1x16xf32>,
    %swap3A_12 = vector.shape_cast %swap3A_11 : vector<1x16xf32> to vector<16xf32>
    %swap3A_13 = vector.shape_cast %broadcast_in_dim3A_7 : vector<16xf32> to vector<1x16xf32>
    tpu.vector_store %arg9[%swap3A_9, %swap3A_10], %swap3A_13 {strides = array<i32>} : memref<8x128xf32, #tpu.memory_space<vmem>>, vector<1x16xf32>,
    %broadcast_in_dim3A_14 = arith.constant 1.000000e+00 : f32
    %broadcast_in_dim3A_15 = vector.broadcast %broadcast_in_dim3A_14 : f32 to vector<16xf32>
    %swap3A_16 = arith.constant 0 : i32
    %swap3A_17 = arith.index_cast %swap3A_16 : i32 to index
    %swap3A_18 = arith.constant 32 : index
    %swap3A_19 = tpu.vector_load %arg9[%swap3A_17, %swap3A_18] {strides = array<i32>} : memref<8x128xf32, #tpu.memory_space<vmem>>, vector<1x16xf32>,
    %swap3A_20 = vector.shape_cast %swap3A_19 : vector<1x16xf32> to vector<16xf32>
    %swap3A_21 = vector.shape_cast %broadcast_in_dim3A_15 : vector<16xf32> to vector<1x16xf32>
    tpu.vector_store %arg9[%swap3A_17, %swap3A_18], %swap3A_21 {strides = array<i32>} : memref<8x128xf32, #tpu.memory_space<vmem>>, vector<1x16xf32>,
    %broadcast_in_dim3A_22 = arith.constant 1.000000e+00 : f32
    %broadcast_in_dim3A_23 = vector.broadcast %broadcast_in_dim3A_22 : f32 to vector<16xf32>
    %swap3A_24 = arith.constant 0 : i32
    %swap3A_25 = arith.index_cast %swap3A_24 : i32 to index
    %swap3A_26 = arith.constant 48 : index
    %swap3A_27 = tpu.vector_load %arg9[%swap3A_25, %swap3A_26] {strides = array<i32>} : memref<8x128xf32, #tpu.memory_space<vmem>>, vector<1x16xf32>,
    %swap3A_28 = vector.shape_cast %swap3A_27 : vector<1x16xf32> to vector<16xf32>
    %swap3A_29 = vector.shape_cast %broadcast_in_dim3A_23 : vector<16xf32> to vector<1x16xf32>
    tpu.vector_store %arg9[%swap3A_25, %swap3A_26], %swap3A_29 {strides = array<i32>} : memref<8x128xf32, #tpu.memory_space<vmem>>, vector<1x16xf32>,
    %broadcast_in_dim3A_30 = arith.constant 1.000000e+00 : f32
    %broadcast_in_dim3A_31 = vector.broadcast %broadcast_in_dim3A_30 : f32 to vector<16xf32>
    %swap3A_32 = arith.constant 0 : i32
    %swap3A_33 = arith.index_cast %swap3A_32 : i32 to index
    %swap3A_34 = arith.constant 64 : index
    %swap3A_35 = tpu.vector_load %arg9[%swap3A_33, %swap3A_34] {strides = array<i32>} : memref<8x128xf32, #tpu.memory_space<vmem>>, vector<1x16xf32>,
    %swap3A_36 = vector.shape_cast %swap3A_35 : vector<1x16xf32> to vector<16xf32>
    %swap3A_37 = vector.shape_cast %broadcast_in_dim3A_31 : vector<16xf32> to vector<1x16xf32>
    tpu.vector_store %arg9[%swap3A_33, %swap3A_34], %swap3A_37 {strides = array<i32>} : memref<8x128xf32, #tpu.memory_space<vmem>>, vector<1x16xf32>,
    %broadcast_in_dim3A_38 = arith.constant 1.000000e+00 : f32
    %broadcast_in_dim3A_39 = vector.broadcast %broadcast_in_dim3A_38 : f32 to vector<16xf32>
    %swap3A_40 = arith.constant 0 : i32
    %swap3A_41 = arith.index_cast %swap3A_40 : i32 to index
    %swap3A_42 = arith.constant 80 : index
    %swap3A_43 = tpu.vector_load %arg9[%swap3A_41, %swap3A_42] {strides = array<i32>} : memref<8x128xf32, #tpu.memory_space<vmem>>, vector<1x16xf32>,
    %swap3A_44 = vector.shape_cast %swap3A_43 : vector<1x16xf32> to vector<16xf32>
    %swap3A_45 = vector.shape_cast %broadcast_in_dim3A_39 : vector<16xf32> to vector<1x16xf32>
    tpu.vector_store %arg9[%swap3A_41, %swap3A_42], %swap3A_45 {strides = array<i32>} : memref<8x128xf32, #tpu.memory_space<vmem>>, vector<1x16xf32>,
    %broadcast_in_dim3A_46 = arith.constant 1.000000e+00 : f32
    %broadcast_in_dim3A_47 = vector.broadcast %broadcast_in_dim3A_46 : f32 to vector<16xf32>
    %swap3A_48 = arith.constant 0 : i32
    %swap3A_49 = arith.index_cast %swap3A_48 : i32 to index
    %swap3A_50 = arith.constant 96 : index
    %swap3A_51 = tpu.vector_load %arg9[%swap3A_49, %swap3A_50] {strides = array<i32>} : memref<8x128xf32, #tpu.memory_space<vmem>>, vector<1x16xf32>,
    %swap3A_52 = vector.shape_cast %swap3A_51 : vector<1x16xf32> to vector<16xf32>
    %swap3A_53 = vector.shape_cast %broadcast_in_dim3A_47 : vector<16xf32> to vector<1x16xf32>
    tpu.vector_store %arg9[%swap3A_49, %swap3A_50], %swap3A_53 {strides = array<i32>} : memref<8x128xf32, #tpu.memory_space<vmem>>, vector<1x16xf32>,
    %broadcast_in_dim3A_54 = arith.constant 1.000000e+00 : f32
    %broadcast_in_dim3A_55 = vector.broadcast %broadcast_in_dim3A_54 : f32 to vector<16xf32>
    %swap3A_56 = arith.constant 0 : i32
    %swap3A_57 = arith.index_cast %swap3A_56 : i32 to index
    %swap3A_58 = arith.constant 112 : index
    %swap3A_59 = tpu.vector_load %arg9[%swap3A_57, %swap3A_58] {strides = array<i32>} : memref<8x128xf32, #tpu.memory_space<vmem>>, vector<1x16xf32>,
    %swap3A_60 = vector.shape_cast %swap3A_59 : vector<1x16xf32> to vector<16xf32>
    %swap3A_61 = vector.shape_cast %broadcast_in_dim3A_55 : vector<16xf32> to vector<1x16xf32>
    tpu.vector_store %arg9[%swap3A_57, %swap3A_58], %swap3A_61 {strides = array<i32>} : memref<8x128xf32, #tpu.memory_space<vmem>>, vector<1x16xf32>,
    %broadcast_in_dim3A_62 = arith.constant 1.000000e+00 : f32
    %broadcast_in_dim3A_63 = vector.broadcast %broadcast_in_dim3A_62 : f32 to vector<16xf32>
    %swap3A_64 = arith.constant 1 : i32
    %swap3A_65 = arith.index_cast %swap3A_64 : i32 to index
    %swap3A_66 = arith.constant 0 : index
    %swap3A_67 = tpu.vector_load %arg9[%swap3A_65, %swap3A_66] {strides = array<i32>} : memref<8x128xf32, #tpu.memory_space<vmem>>, vector<1x16xf32>,
    %swap3A_68 = vector.shape_cast %swap3A_67 : vector<1x16xf32> to vector<16xf32>
    %swap3A_69 = vector.shape_cast %broadcast_in_dim3A_63 : vector<16xf32> to vector<1x16xf32>
    tpu.vector_store %arg9[%swap3A_65, %swap3A_66], %swap3A_69 {strides = array<i32>} : memref<8x128xf32, #tpu.memory_space<vmem>>, vector<1x16xf32>,
    %broadcast_in_dim3A_70 = arith.constant 1.000000e+00 : f32
    %broadcast_in_dim3A_71 = vector.broadcast %broadcast_in_dim3A_70 : f32 to vector<16xf32>
    %swap3A_72 = arith.constant 1 : i32
    %swap3A_73 = arith.index_cast %swap3A_72 : i32 to index
    %swap3A_74 = arith.constant 16 : index
    %swap3A_75 = tpu.vector_load %arg9[%swap3A_73, %swap3A_74] {strides = array<i32>} : memref<8x128xf32, #tpu.memory_space<vmem>>, vector<1x16xf32>,
    %swap3A_76 = vector.shape_cast %swap3A_75 : vector<1x16xf32> to vector<16xf32>
    %swap3A_77 = vector.shape_cast %broadcast_in_dim3A_71 : vector<16xf32> to vector<1x16xf32>
    tpu.vector_store %arg9[%swap3A_73, %swap3A_74], %swap3A_77 {strides = array<i32>} : memref<8x128xf32, #tpu.memory_space<vmem>>, vector<1x16xf32>,
    %broadcast_in_dim3A_78 = arith.constant 1.000000e+00 : f32
    %broadcast_in_dim3A_79 = vector.broadcast %broadcast_in_dim3A_78 : f32 to vector<16xf32>
    %swap3A_80 = arith.constant 1 : i32
    %swap3A_81 = arith.index_cast %swap3A_80 : i32 to index
    %swap3A_82 = arith.constant 32 : index
    %swap3A_83 = tpu.vector_load %arg9[%swap3A_81, %swap3A_82] {strides = array<i32>} : memref<8x128xf32, #tpu.memory_space<vmem>>, vector<1x16xf32>,
    %swap3A_84 = vector.shape_cast %swap3A_83 : vector<1x16xf32> to vector<16xf32>
    %swap3A_85 = vector.shape_cast %broadcast_in_dim3A_79 : vector<16xf32> to vector<1x16xf32>
    tpu.vector_store %arg9[%swap3A_81, %swap3A_82], %swap3A_85 {strides = array<i32>} : memref<8x128xf32, #tpu.memory_space<vmem>>, vector<1x16xf32>,
    %broadcast_in_dim3A_86 = arith.constant 1.000000e+00 : f32
    %broadcast_in_dim3A_87 = vector.broadcast %broadcast_in_dim3A_86 : f32 to vector<16xf32>
    %swap3A_88 = arith.constant 1 : i32
    %swap3A_89 = arith.index_cast %swap3A_88 : i32 to index
    %swap3A_90 = arith.constant 48 : index
    %swap3A_91 = tpu.vector_load %arg9[%swap3A_89, %swap3A_90] {strides = array<i32>} : memref<8x128xf32, #tpu.memory_space<vmem>>, vector<1x16xf32>,
    %swap3A_92 = vector.shape_cast %swap3A_91 : vector<1x16xf32> to vector<16xf32>
    %swap3A_93 = vector.shape_cast %broadcast_in_dim3A_87 : vector<16xf32> to vector<1x16xf32>
    tpu.vector_store %arg9[%swap3A_89, %swap3A_90], %swap3A_93 {strides = array<i32>} : memref<8x128xf32, #tpu.memory_space<vmem>>, vector<1x16xf32>,
    %broadcast_in_dim3A_94 = arith.constant 1.000000e+00 : f32
    %broadcast_in_dim3A_95 = vector.broadcast %broadcast_in_dim3A_94 : f32 to vector<16xf32>
    %swap3A_96 = arith.constant 1 : i32
    %swap3A_97 = arith.index_cast %swap3A_96 : i32 to index
    %swap3A_98 = arith.constant 64 : index
    %swap3A_99 = tpu.vector_load %arg9[%swap3A_97, %swap3A_98] {strides = array<i32>} : memref<8x128xf32, #tpu.memory_space<vmem>>, vector<1x16xf32>,
    %swap3A_100 = vector.shape_cast %swap3A_99 : vector<1x16xf32> to vector<16xf32>
    %swap3A_101 = vector.shape_cast %broadcast_in_dim3A_95 : vector<16xf32> to vector<1x16xf32>
    tpu.vector_store %arg9[%swap3A_97, %swap3A_98], %swap3A_101 {strides = array<i32>} : memref<8x128xf32, #tpu.memory_space<vmem>>, vector<1x16xf32>,
    %broadcast_in_dim3A_102 = arith.constant 1.000000e+00 : f32
    %broadcast_in_dim3A_103 = vector.broadcast %broadcast_in_dim3A_102 : f32 to vector<16xf32>
    %swap3A_104 = arith.constant 1 : i32
    %swap3A_105 = arith.index_cast %swap3A_104 : i32 to index
    %swap3A_106 = arith.constant 80 : index
    %swap3A_107 = tpu.vector_load %arg9[%swap3A_105, %swap3A_106] {strides = array<i32>} : memref<8x128xf32, #tpu.memory_space<vmem>>, vector<1x16xf32>,
    %swap3A_108 = vector.shape_cast %swap3A_107 : vector<1x16xf32> to vector<16xf32>
    %swap3A_109 = vector.shape_cast %broadcast_in_dim3A_103 : vector<16xf32> to vector<1x16xf32>
    tpu.vector_store %arg9[%swap3A_105, %swap3A_106], %swap3A_109 {strides = array<i32>} : memref<8x128xf32, #tpu.memory_space<vmem>>, vector<1x16xf32>,
    %broadcast_in_dim3A_110 = arith.constant 1.000000e+00 : f32
    %broadcast_in_dim3A_111 = vector.broadcast %broadcast_in_dim3A_110 : f32 to vector<16xf32>
    %swap3A_112 = arith.constant 1 : i32
    %swap3A_113 = arith.index_cast %swap3A_112 : i32 to index
    %swap3A_114 = arith.constant 96 : index
    %swap3A_115 = tpu.vector_load %arg9[%swap3A_113, %swap3A_114] {strides = array<i32>} : memref<8x128xf32, #tpu.memory_space<vmem>>, vector<1x16xf32>,
    %swap3A_116 = vector.shape_cast %swap3A_115 : vector<1x16xf32> to vector<16xf32>
    %swap3A_117 = vector.shape_cast %broadcast_in_dim3A_111 : vector<16xf32> to vector<1x16xf32>
    tpu.vector_store %arg9[%swap3A_113, %swap3A_114], %swap3A_117 {strides = array<i32>} : memref<8x128xf32, #tpu.memory_space<vmem>>, vector<1x16xf32>,
    %broadcast_in_dim3A_118 = arith.constant 1.000000e+00 : f32
    %broadcast_in_dim3A_119 = vector.broadcast %broadcast_in_dim3A_118 : f32 to vector<16xf32>
    %swap3A_120 = arith.constant 1 : i32
    %swap3A_121 = arith.index_cast %swap3A_120 : i32 to index
    %swap3A_122 = arith.constant 112 : index
    %swap3A_123 = tpu.vector_load %arg9[%swap3A_121, %swap3A_122] {strides = array<i32>} : memref<8x128xf32, #tpu.memory_space<vmem>>, vector<1x16xf32>,
    %swap3A_124 = vector.shape_cast %swap3A_123 : vector<1x16xf32> to vector<16xf32>
    %swap3A_125 = vector.shape_cast %broadcast_in_dim3A_119 : vector<16xf32> to vector<1x16xf32>
    tpu.vector_store %arg9[%swap3A_121, %swap3A_122], %swap3A_125 {strides = array<i32>} : memref<8x128xf32, #tpu.memory_space<vmem>>, vector<1x16xf32>,
    %broadcast_in_dim3A_126 = arith.constant 1.000000e+00 : f32
    %broadcast_in_dim3A_127 = vector.broadcast %broadcast_in_dim3A_126 : f32 to vector<16xf32>
    %swap3A_128 = arith.constant 2 : i32
    %swap3A_129 = arith.index_cast %swap3A_128 : i32 to index
    %swap3A_130 = arith.constant 0 : index
    %swap3A_131 = tpu.vector_load %arg9[%swap3A_129, %swap3A_130] {strides = array<i32>} : memref<8x128xf32, #tpu.memory_space<vmem>>, vector<1x16xf32>,
    %swap3A_132 = vector.shape_cast %swap3A_131 : vector<1x16xf32> to vector<16xf32>
    %swap3A_133 = vector.shape_cast %broadcast_in_dim3A_127 : vector<16xf32> to vector<1x16xf32>
    tpu.vector_store %arg9[%swap3A_129, %swap3A_130], %swap3A_133 {strides = array<i32>} : memref<8x128xf32, #tpu.memory_space<vmem>>, vector<1x16xf32>,
    %broadcast_in_dim3A_134 = arith.constant 1.000000e+00 : f32
    %broadcast_in_dim3A_135 = vector.broadcast %broadcast_in_dim3A_134 : f32 to vector<16xf32>
    %swap3A_136 = arith.constant 2 : i32
    %swap3A_137 = arith.index_cast %swap3A_136 : i32 to index
    %swap3A_138 = arith.constant 16 : index
    %swap3A_139 = tpu.vector_load %arg9[%swap3A_137, %swap3A_138] {strides = array<i32>} : memref<8x128xf32, #tpu.memory_space<vmem>>, vector<1x16xf32>,
    %swap3A_140 = vector.shape_cast %swap3A_139 : vector<1x16xf32> to vector<16xf32>
    %swap3A_141 = vector.shape_cast %broadcast_in_dim3A_135 : vector<16xf32> to vector<1x16xf32>
    tpu.vector_store %arg9[%swap3A_137, %swap3A_138], %swap3A_141 {strides = array<i32>} : memref<8x128xf32, #tpu.memory_space<vmem>>, vector<1x16xf32>,
    %broadcast_in_dim3A_142 = arith.constant 1.000000e+00 : f32
    %broadcast_in_dim3A_143 = vector.broadcast %broadcast_in_dim3A_142 : f32 to vector<16xf32>
    %swap3A_144 = arith.constant 2 : i32
    %swap3A_145 = arith.index_cast %swap3A_144 : i32 to index
    %swap3A_146 = arith.constant 32 : index
    %swap3A_147 = tpu.vector_load %arg9[%swap3A_145, %swap3A_146] {strides = array<i32>} : memref<8x128xf32, #tpu.memory_space<vmem>>, vector<1x16xf32>,
    %swap3A_148 = vector.shape_cast %swap3A_147 : vector<1x16xf32> to vector<16xf32>
    %swap3A_149 = vector.shape_cast %broadcast_in_dim3A_143 : vector<16xf32> to vector<1x16xf32>
    tpu.vector_store %arg9[%swap3A_145, %swap3A_146], %swap3A_149 {strides = array<i32>} : memref<8x128xf32, #tpu.memory_space<vmem>>, vector<1x16xf32>,
    %broadcast_in_dim3A_150 = arith.constant 1.000000e+00 : f32
    %broadcast_in_dim3A_151 = vector.broadcast %broadcast_in_dim3A_150 : f32 to vector<16xf32>
    %swap3A_152 = arith.constant 2 : i32
    %swap3A_153 = arith.index_cast %swap3A_152 : i32 to index
    %swap3A_154 = arith.constant 48 : index
    %swap3A_155 = tpu.vector_load %arg9[%swap3A_153, %swap3A_154] {strides = array<i32>} : memref<8x128xf32, #tpu.memory_space<vmem>>, vector<1x16xf32>,
    %swap3A_156 = vector.shape_cast %swap3A_155 : vector<1x16xf32> to vector<16xf32>
    %swap3A_157 = vector.shape_cast %broadcast_in_dim3A_151 : vector<16xf32> to vector<1x16xf32>
    tpu.vector_store %arg9[%swap3A_153, %swap3A_154], %swap3A_157 {strides = array<i32>} : memref<8x128xf32, #tpu.memory_space<vmem>>, vector<1x16xf32>,
    %broadcast_in_dim3A_158 = arith.constant 1.000000e+00 : f32
    %broadcast_in_dim3A_159 = vector.broadcast %broadcast_in_dim3A_158 : f32 to vector<16xf32>
    %swap3A_160 = arith.constant 2 : i32
    %swap3A_161 = arith.index_cast %swap3A_160 : i32 to index
    %swap3A_162 = arith.constant 64 : index
    %swap3A_163 = tpu.vector_load %arg9[%swap3A_161, %swap3A_162] {strides = array<i32>} : memref<8x128xf32, #tpu.memory_space<vmem>>, vector<1x16xf32>,
    %swap3A_164 = vector.shape_cast %swap3A_163 : vector<1x16xf32> to vector<16xf32>
    %swap3A_165 = vector.shape_cast %broadcast_in_dim3A_159 : vector<16xf32> to vector<1x16xf32>
    tpu.vector_store %arg9[%swap3A_161, %swap3A_162], %swap3A_165 {strides = array<i32>} : memref<8x128xf32, #tpu.memory_space<vmem>>, vector<1x16xf32>,
    %broadcast_in_dim3A_166 = arith.constant 1.000000e+00 : f32
    %broadcast_in_dim3A_167 = vector.broadcast %broadcast_in_dim3A_166 : f32 to vector<16xf32>
    %swap3A_168 = arith.constant 2 : i32
    %swap3A_169 = arith.index_cast %swap3A_168 : i32 to index
    %swap3A_170 = arith.constant 80 : index
    %swap3A_171 = tpu.vector_load %arg9[%swap3A_169, %swap3A_170] {strides = array<i32>} : memref<8x128xf32, #tpu.memory_space<vmem>>, vector<1x16xf32>,
    %swap3A_172 = vector.shape_cast %swap3A_171 : vector<1x16xf32> to vector<16xf32>
    %swap3A_173 = vector.shape_cast %broadcast_in_dim3A_167 : vector<16xf32> to vector<1x16xf32>
    tpu.vector_store %arg9[%swap3A_169, %swap3A_170], %swap3A_173 {strides = array<i32>} : memref<8x128xf32, #tpu.memory_space<vmem>>, vector<1x16xf32>,
    %broadcast_in_dim3A_174 = arith.constant 1.000000e+00 : f32
    %broadcast_in_dim3A_175 = vector.broadcast %broadcast_in_dim3A_174 : f32 to vector<16xf32>
    %swap3A_176 = arith.constant 2 : i32
    %swap3A_177 = arith.index_cast %swap3A_176 : i32 to index
    %swap3A_178 = arith.constant 96 : index
    %swap3A_179 = tpu.vector_load %arg9[%swap3A_177, %swap3A_178] {strides = array<i32>} : memref<8x128xf32, #tpu.memory_space<vmem>>, vector<1x16xf32>,
    %swap3A_180 = vector.shape_cast %swap3A_179 : vector<1x16xf32> to vector<16xf32>
    %swap3A_181 = vector.shape_cast %broadcast_in_dim3A_175 : vector<16xf32> to vector<1x16xf32>
    tpu.vector_store %arg9[%swap3A_177, %swap3A_178], %swap3A_181 {strides = array<i32>} : memref<8x128xf32, #tpu.memory_space<vmem>>, vector<1x16xf32>,
    %broadcast_in_dim3A_182 = arith.constant 1.000000e+00 : f32
    %broadcast_in_dim3A_183 = vector.broadcast %broadcast_in_dim3A_182 : f32 to vector<16xf32>
    %swap3A_184 = arith.constant 2 : i32
    %swap3A_185 = arith.index_cast %swap3A_184 : i32 to index
    %swap3A_186 = arith.constant 112 : index
    %swap3A_187 = tpu.vector_load %arg9[%swap3A_185, %swap3A_186] {strides = array<i32>} : memref<8x128xf32, #tpu.memory_space<vmem>>, vector<1x16xf32>,
    %swap3A_188 = vector.shape_cast %swap3A_187 : vector<1x16xf32> to vector<16xf32>
    %swap3A_189 = vector.shape_cast %broadcast_in_dim3A_183 : vector<16xf32> to vector<1x16xf32>
    tpu.vector_store %arg9[%swap3A_185, %swap3A_186], %swap3A_189 {strides = array<i32>} : memref<8x128xf32, #tpu.memory_space<vmem>>, vector<1x16xf32>,
    %broadcast_in_dim3A_190 = arith.constant 1.000000e+00 : f32
    %broadcast_in_dim3A_191 = vector.broadcast %broadcast_in_dim3A_190 : f32 to vector<16xf32>
    %swap3A_192 = arith.constant 3 : i32
    %swap3A_193 = arith.index_cast %swap3A_192 : i32 to index
    %swap3A_194 = arith.constant 0 : index
    %swap3A_195 = tpu.vector_load %arg9[%swap3A_193, %swap3A_194] {strides = array<i32>} : memref<8x128xf32, #tpu.memory_space<vmem>>, vector<1x16xf32>,
    %swap3A_196 = vector.shape_cast %swap3A_195 : vector<1x16xf32> to vector<16xf32>
    %swap3A_197 = vector.shape_cast %broadcast_in_dim3A_191 : vector<16xf32> to vector<1x16xf32>
    tpu.vector_store %arg9[%swap3A_193, %swap3A_194], %swap3A_197 {strides = array<i32>} : memref<8x128xf32, #tpu.memory_space<vmem>>, vector<1x16xf32>,
    %broadcast_in_dim3A_198 = arith.constant 1.000000e+00 : f32
    %broadcast_in_dim3A_199 = vector.broadcast %broadcast_in_dim3A_198 : f32 to vector<16xf32>
    %swap3A_200 = arith.constant 3 : i32
    %swap3A_201 = arith.index_cast %swap3A_200 : i32 to index
    %swap3A_202 = arith.constant 16 : index
    %swap3A_203 = tpu.vector_load %arg9[%swap3A_201, %swap3A_202] {strides = array<i32>} : memref<8x128xf32, #tpu.memory_space<vmem>>, vector<1x16xf32>,
    %swap3A_204 = vector.shape_cast %swap3A_203 : vector<1x16xf32> to vector<16xf32>
    %swap3A_205 = vector.shape_cast %broadcast_in_dim3A_199 : vector<16xf32> to vector<1x16xf32>
    tpu.vector_store %arg9[%swap3A_201, %swap3A_202], %swap3A_205 {strides = array<i32>} : memref<8x128xf32, #tpu.memory_space<vmem>>, vector<1x16xf32>,
    %broadcast_in_dim3A_206 = arith.constant 1.000000e+00 : f32
    %broadcast_in_dim3A_207 = vector.broadcast %broadcast_in_dim3A_206 : f32 to vector<16xf32>
    %swap3A_208 = arith.constant 3 : i32
    %swap3A_209 = arith.index_cast %swap3A_208 : i32 to index
    %swap3A_210 = arith.constant 32 : index
    %swap3A_211 = tpu.vector_load %arg9[%swap3A_209, %swap3A_210] {strides = array<i32>} : memref<8x128xf32, #tpu.memory_space<vmem>>, vector<1x16xf32>,
    %swap3A_212 = vector.shape_cast %swap3A_211 : vector<1x16xf32> to vector<16xf32>
    %swap3A_213 = vector.shape_cast %broadcast_in_dim3A_207 : vector<16xf32> to vector<1x16xf32>
    tpu.vector_store %arg9[%swap3A_209, %swap3A_210], %swap3A_213 {strides = array<i32>} : memref<8x128xf32, #tpu.memory_space<vmem>>, vector<1x16xf32>,
    %broadcast_in_dim3A_214 = arith.constant 1.000000e+00 : f32
    %broadcast_in_dim3A_215 = vector.broadcast %broadcast_in_dim3A_214 : f32 to vector<16xf32>
    %swap3A_216 = arith.constant 3 : i32
    %swap3A_217 = arith.index_cast %swap3A_216 : i32 to index
    %swap3A_218 = arith.constant 48 : index
    %swap3A_219 = tpu.vector_load %arg9[%swap3A_217, %swap3A_218] {strides = array<i32>} : memref<8x128xf32, #tpu.memory_space<vmem>>, vector<1x16xf32>,
    %swap3A_220 = vector.shape_cast %swap3A_219 : vector<1x16xf32> to vector<16xf32>
    %swap3A_221 = vector.shape_cast %broadcast_in_dim3A_215 : vector<16xf32> to vector<1x16xf32>
    tpu.vector_store %arg9[%swap3A_217, %swap3A_218], %swap3A_221 {strides = array<i32>} : memref<8x128xf32, #tpu.memory_space<vmem>>, vector<1x16xf32>,
    %broadcast_in_dim3A_222 = arith.constant 1.000000e+00 : f32
    %broadcast_in_dim3A_223 = vector.broadcast %broadcast_in_dim3A_222 : f32 to vector<16xf32>
    %swap3A_224 = arith.constant 3 : i32
    %swap3A_225 = arith.index_cast %swap3A_224 : i32 to index
    %swap3A_226 = arith.constant 64 : index
    %swap3A_227 = tpu.vector_load %arg9[%swap3A_225, %swap3A_226] {strides = array<i32>} : memref<8x128xf32, #tpu.memory_space<vmem>>, vector<1x16xf32>,
    %swap3A_228 = vector.shape_cast %swap3A_227 : vector<1x16xf32> to vector<16xf32>
    %swap3A_229 = vector.shape_cast %broadcast_in_dim3A_223 : vector<16xf32> to vector<1x16xf32>
    tpu.vector_store %arg9[%swap3A_225, %swap3A_226], %swap3A_229 {strides = array<i32>} : memref<8x128xf32, #tpu.memory_space<vmem>>, vector<1x16xf32>,
    %broadcast_in_dim3A_230 = arith.constant 1.000000e+00 : f32
    %broadcast_in_dim3A_231 = vector.broadcast %broadcast_in_dim3A_230 : f32 to vector<16xf32>
    %swap3A_232 = arith.constant 3 : i32
    %swap3A_233 = arith.index_cast %swap3A_232 : i32 to index
    %swap3A_234 = arith.constant 80 : index
    %swap3A_235 = tpu.vector_load %arg9[%swap3A_233, %swap3A_234] {strides = array<i32>} : memref<8x128xf32, #tpu.memory_space<vmem>>, vector<1x16xf32>,
    %swap3A_236 = vector.shape_cast %swap3A_235 : vector<1x16xf32> to vector<16xf32>
    %swap3A_237 = vector.shape_cast %broadcast_in_dim3A_231 : vector<16xf32> to vector<1x16xf32>
    tpu.vector_store %arg9[%swap3A_233, %swap3A_234], %swap3A_237 {strides = array<i32>} : memref<8x128xf32, #tpu.memory_space<vmem>>, vector<1x16xf32>,
    %broadcast_in_dim3A_238 = arith.constant 1.000000e+00 : f32
    %broadcast_in_dim3A_239 = vector.broadcast %broadcast_in_dim3A_238 : f32 to vector<16xf32>
    %swap3A_240 = arith.constant 3 : i32
    %swap3A_241 = arith.index_cast %swap3A_240 : i32 to index
    %swap3A_242 = arith.constant 96 : index
    %swap3A_243 = tpu.vector_load %arg9[%swap3A_241, %swap3A_242] {strides = array<i32>} : memref<8x128xf32, #tpu.memory_space<vmem>>, vector<1x16xf32>,
    %swap3A_244 = vector.shape_cast %swap3A_243 : vector<1x16xf32> to vector<16xf32>
    %swap3A_245 = vector.shape_cast %broadcast_in_dim3A_239 : vector<16xf32> to vector<1x16xf32>
    tpu.vector_store %arg9[%swap3A_241, %swap3A_242], %swap3A_245 {strides = array<i32>} : memref<8x128xf32, #tpu.memory_space<vmem>>, vector<1x16xf32>,
    %broadcast_in_dim3A_246 = arith.constant 1.000000e+00 : f32
    %broadcast_in_dim3A_247 = vector.broadcast %broadcast_in_dim3A_246 : f32 to vector<16xf32>
    %swap3A_248 = arith.constant 3 : i32
    %swap3A_249 = arith.index_cast %swap3A_248 : i32 to index
    %swap3A_250 = arith.constant 112 : index
    %swap3A_251 = tpu.vector_load %arg9[%swap3A_249, %swap3A_250] {strides = array<i32>} : memref<8x128xf32, #tpu.memory_space<vmem>>, vector<1x16xf32>,
    %swap3A_252 = vector.shape_cast %swap3A_251 : vector<1x16xf32> to vector<16xf32>
    %swap3A_253 = vector.shape_cast %broadcast_in_dim3A_247 : vector<16xf32> to vector<1x16xf32>
    tpu.vector_store %arg9[%swap3A_249, %swap3A_250], %swap3A_253 {strides = array<i32>} : memref<8x128xf32, #tpu.memory_space<vmem>>, vector<1x16xf32>,
    %broadcast_in_dim3A_254 = arith.constant 1.000000e+00 : f32
    %broadcast_in_dim3A_255 = vector.broadcast %broadcast_in_dim3A_254 : f32 to vector<16xf32>
    %swap3A_256 = arith.constant 4 : i32
    %swap3A_257 = arith.index_cast %swap3A_256 : i32 to index
    %swap3A_258 = arith.constant 0 : index
    %swap3A_259 = tpu.vector_load %arg9[%swap3A_257, %swap3A_258] {strides = array<i32>} : memref<8x128xf32, #tpu.memory_space<vmem>>, vector<1x16xf32>,
    %swap3A_260 = vector.shape_cast %swap3A_259 : vector<1x16xf32> to vector<16xf32>
    %swap3A_261 = vector.shape_cast %broadcast_in_dim3A_255 : vector<16xf32> to vector<1x16xf32>
    tpu.vector_store %arg9[%swap3A_257, %swap3A_258], %swap3A_261 {strides = array<i32>} : memref<8x128xf32, #tpu.memory_space<vmem>>, vector<1x16xf32>,
    %broadcast_in_dim3A_262 = arith.constant 1.000000e+00 : f32
    %broadcast_in_dim3A_263 = vector.broadcast %broadcast_in_dim3A_262 : f32 to vector<16xf32>
    %swap3A_264 = arith.constant 4 : i32
    %swap3A_265 = arith.index_cast %swap3A_264 : i32 to index
    %swap3A_266 = arith.constant 16 : index
    %swap3A_267 = tpu.vector_load %arg9[%swap3A_265, %swap3A_266] {strides = array<i32>} : memref<8x128xf32, #tpu.memory_space<vmem>>, vector<1x16xf32>,
    %swap3A_268 = vector.shape_cast %swap3A_267 : vector<1x16xf32> to vector<16xf32>
    %swap3A_269 = vector.shape_cast %broadcast_in_dim3A_263 : vector<16xf32> to vector<1x16xf32>
    tpu.vector_store %arg9[%swap3A_265, %swap3A_266], %swap3A_269 {strides = array<i32>} : memref<8x128xf32, #tpu.memory_space<vmem>>, vector<1x16xf32>,
    %broadcast_in_dim3A_270 = arith.constant 1.000000e+00 : f32
    %broadcast_in_dim3A_271 = vector.broadcast %broadcast_in_dim3A_270 : f32 to vector<16xf32>
    %swap3A_272 = arith.constant 4 : i32
    %swap3A_273 = arith.index_cast %swap3A_272 : i32 to index
    %swap3A_274 = arith.constant 32 : index
    %swap3A_275 = tpu.vector_load %arg9[%swap3A_273, %swap3A_274] {strides = array<i32>} : memref<8x128xf32, #tpu.memory_space<vmem>>, vector<1x16xf32>,
    %swap3A_276 = vector.shape_cast %swap3A_275 : vector<1x16xf32> to vector<16xf32>
    %swap3A_277 = vector.shape_cast %broadcast_in_dim3A_271 : vector<16xf32> to vector<1x16xf32>
    tpu.vector_store %arg9[%swap3A_273, %swap3A_274], %swap3A_277 {strides = array<i32>} : memref<8x128xf32, #tpu.memory_space<vmem>>, vector<1x16xf32>,
    %broadcast_in_dim3A_278 = arith.constant 1.000000e+00 : f32
    %broadcast_in_dim3A_279 = vector.broadcast %broadcast_in_dim3A_278 : f32 to vector<16xf32>
    %swap3A_280 = arith.constant 4 : i32
    %swap3A_281 = arith.index_cast %swap3A_280 : i32 to index
    %swap3A_282 = arith.constant 48 : index
    %swap3A_283 = tpu.vector_load %arg9[%swap3A_281, %swap3A_282] {strides = array<i32>} : memref<8x128xf32, #tpu.memory_space<vmem>>, vector<1x16xf32>,
    %swap3A_284 = vector.shape_cast %swap3A_283 : vector<1x16xf32> to vector<16xf32>
    %swap3A_285 = vector.shape_cast %broadcast_in_dim3A_279 : vector<16xf32> to vector<1x16xf32>
    tpu.vector_store %arg9[%swap3A_281, %swap3A_282], %swap3A_285 {strides = array<i32>} : memref<8x128xf32, #tpu.memory_space<vmem>>, vector<1x16xf32>,
    %broadcast_in_dim3A_286 = arith.constant 1.000000e+00 : f32
    %broadcast_in_dim3A_287 = vector.broadcast %broadcast_in_dim3A_286 : f32 to vector<16xf32>
    %swap3A_288 = arith.constant 4 : i32
    %swap3A_289 = arith.index_cast %swap3A_288 : i32 to index
    %swap3A_290 = arith.constant 64 : index
    %swap3A_291 = tpu.vector_load %arg9[%swap3A_289, %swap3A_290] {strides = array<i32>} : memref<8x128xf32, #tpu.memory_space<vmem>>, vector<1x16xf32>,
    %swap3A_292 = vector.shape_cast %swap3A_291 : vector<1x16xf32> to vector<16xf32>
    %swap3A_293 = vector.shape_cast %broadcast_in_dim3A_287 : vector<16xf32> to vector<1x16xf32>
    tpu.vector_store %arg9[%swap3A_289, %swap3A_290], %swap3A_293 {strides = array<i32>} : memref<8x128xf32, #tpu.memory_space<vmem>>, vector<1x16xf32>,
    %broadcast_in_dim3A_294 = arith.constant 1.000000e+00 : f32
    %broadcast_in_dim3A_295 = vector.broadcast %broadcast_in_dim3A_294 : f32 to vector<16xf32>
    %swap3A_296 = arith.constant 4 : i32
    %swap3A_297 = arith.index_cast %swap3A_296 : i32 to index
    %swap3A_298 = arith.constant 80 : index
    %swap3A_299 = tpu.vector_load %arg9[%swap3A_297, %swap3A_298] {strides = array<i32>} : memref<8x128xf32, #tpu.memory_space<vmem>>, vector<1x16xf32>,
    %swap3A_300 = vector.shape_cast %swap3A_299 : vector<1x16xf32> to vector<16xf32>
    %swap3A_301 = vector.shape_cast %broadcast_in_dim3A_295 : vector<16xf32> to vector<1x16xf32>
    tpu.vector_store %arg9[%swap3A_297, %swap3A_298], %swap3A_301 {strides = array<i32>} : memref<8x128xf32, #tpu.memory_space<vmem>>, vector<1x16xf32>,
    %broadcast_in_dim3A_302 = arith.constant 1.000000e+00 : f32
    %broadcast_in_dim3A_303 = vector.broadcast %broadcast_in_dim3A_302 : f32 to vector<16xf32>
    %swap3A_304 = arith.constant 4 : i32
    %swap3A_305 = arith.index_cast %swap3A_304 : i32 to index
    %swap3A_306 = arith.constant 96 : index
    %swap3A_307 = tpu.vector_load %arg9[%swap3A_305, %swap3A_306] {strides = array<i32>} : memref<8x128xf32, #tpu.memory_space<vmem>>, vector<1x16xf32>,
    %swap3A_308 = vector.shape_cast %swap3A_307 : vector<1x16xf32> to vector<16xf32>
    %swap3A_309 = vector.shape_cast %broadcast_in_dim3A_303 : vector<16xf32> to vector<1x16xf32>
    tpu.vector_store %arg9[%swap3A_305, %swap3A_306], %swap3A_309 {strides = array<i32>} : memref<8x128xf32, #tpu.memory_space<vmem>>, vector<1x16xf32>,
    %broadcast_in_dim3A_310 = arith.constant 1.000000e+00 : f32
    %broadcast_in_dim3A_311 = vector.broadcast %broadcast_in_dim3A_310 : f32 to vector<16xf32>
    %swap3A_312 = arith.constant 4 : i32
    %swap3A_313 = arith.index_cast %swap3A_312 : i32 to index
    %swap3A_314 = arith.constant 112 : index
    %swap3A_315 = tpu.vector_load %arg9[%swap3A_313, %swap3A_314] {strides = array<i32>} : memref<8x128xf32, #tpu.memory_space<vmem>>, vector<1x16xf32>,
    %swap3A_316 = vector.shape_cast %swap3A_315 : vector<1x16xf32> to vector<16xf32>
    %swap3A_317 = vector.shape_cast %broadcast_in_dim3A_311 : vector<16xf32> to vector<1x16xf32>
    tpu.vector_store %arg9[%swap3A_313, %swap3A_314], %swap3A_317 {strides = array<i32>} : memref<8x128xf32, #tpu.memory_space<vmem>>, vector<1x16xf32>,
    %broadcast_in_dim3A_318 = arith.constant 1.000000e+00 : f32
    %broadcast_in_dim3A_319 = vector.broadcast %broadcast_in_dim3A_318 : f32 to vector<16xf32>
    %swap3A_320 = arith.constant 5 : i32
    %swap3A_321 = arith.index_cast %swap3A_320 : i32 to index
    %swap3A_322 = arith.constant 0 : index
    %swap3A_323 = tpu.vector_load %arg9[%swap3A_321, %swap3A_322] {strides = array<i32>} : memref<8x128xf32, #tpu.memory_space<vmem>>, vector<1x16xf32>,
    %swap3A_324 = vector.shape_cast %swap3A_323 : vector<1x16xf32> to vector<16xf32>
    %swap3A_325 = vector.shape_cast %broadcast_in_dim3A_319 : vector<16xf32> to vector<1x16xf32>
    tpu.vector_store %arg9[%swap3A_321, %swap3A_322], %swap3A_325 {strides = array<i32>} : memref<8x128xf32, #tpu.memory_space<vmem>>, vector<1x16xf32>,
    %broadcast_in_dim3A_326 = arith.constant 1.000000e+00 : f32
    %broadcast_in_dim3A_327 = vector.broadcast %broadcast_in_dim3A_326 : f32 to vector<16xf32>
    %swap3A_328 = arith.constant 5 : i32
    %swap3A_329 = arith.index_cast %swap3A_328 : i32 to index
    %swap3A_330 = arith.constant 16 : index
    %swap3A_331 = tpu.vector_load %arg9[%swap3A_329, %swap3A_330] {strides = array<i32>} : memref<8x128xf32, #tpu.memory_space<vmem>>, vector<1x16xf32>,
    %swap3A_332 = vector.shape_cast %swap3A_331 : vector<1x16xf32> to vector<16xf32>
    %swap3A_333 = vector.shape_cast %broadcast_in_dim3A_327 : vector<16xf32> to vector<1x16xf32>
    tpu.vector_store %arg9[%swap3A_329, %swap3A_330], %swap3A_333 {strides = array<i32>} : memref<8x128xf32, #tpu.memory_space<vmem>>, vector<1x16xf32>,
    %broadcast_in_dim3A_334 = arith.constant 1.000000e+00 : f32
    %broadcast_in_dim3A_335 = vector.broadcast %broadcast_in_dim3A_334 : f32 to vector<16xf32>
    %swap3A_336 = arith.constant 5 : i32
    %swap3A_337 = arith.index_cast %swap3A_336 : i32 to index
    %swap3A_338 = arith.constant 32 : index
    %swap3A_339 = tpu.vector_load %arg9[%swap3A_337, %swap3A_338] {strides = array<i32>} : memref<8x128xf32, #tpu.memory_space<vmem>>, vector<1x16xf32>,
    %swap3A_340 = vector.shape_cast %swap3A_339 : vector<1x16xf32> to vector<16xf32>
    %swap3A_341 = vector.shape_cast %broadcast_in_dim3A_335 : vector<16xf32> to vector<1x16xf32>
    tpu.vector_store %arg9[%swap3A_337, %swap3A_338], %swap3A_341 {strides = array<i32>} : memref<8x128xf32, #tpu.memory_space<vmem>>, vector<1x16xf32>,
    %broadcast_in_dim3A_342 = arith.constant 1.000000e+00 : f32
    %broadcast_in_dim3A_343 = vector.broadcast %broadcast_in_dim3A_342 : f32 to vector<16xf32>
    %swap3A_344 = arith.constant 5 : i32
    %swap3A_345 = arith.index_cast %swap3A_344 : i32 to index
    %swap3A_346 = arith.constant 48 : index
    %swap3A_347 = tpu.vector_load %arg9[%swap3A_345, %swap3A_346] {strides = array<i32>} : memref<8x128xf32, #tpu.memory_space<vmem>>, vector<1x16xf32>,
    %swap3A_348 = vector.shape_cast %swap3A_347 : vector<1x16xf32> to vector<16xf32>
    %swap3A_349 = vector.shape_cast %broadcast_in_dim3A_343 : vector<16xf32> to vector<1x16xf32>
    tpu.vector_store %arg9[%swap3A_345, %swap3A_346], %swap3A_349 {strides = array<i32>} : memref<8x128xf32, #tpu.memory_space<vmem>>, vector<1x16xf32>,
    %broadcast_in_dim3A_350 = arith.constant 1.000000e+00 : f32
    %broadcast_in_dim3A_351 = vector.broadcast %broadcast_in_dim3A_350 : f32 to vector<16xf32>
    %swap3A_352 = arith.constant 5 : i32
    %swap3A_353 = arith.index_cast %swap3A_352 : i32 to index
    %swap3A_354 = arith.constant 64 : index
    %swap3A_355 = tpu.vector_load %arg9[%swap3A_353, %swap3A_354] {strides = array<i32>} : memref<8x128xf32, #tpu.memory_space<vmem>>, vector<1x16xf32>,
    %swap3A_356 = vector.shape_cast %swap3A_355 : vector<1x16xf32> to vector<16xf32>
    %swap3A_357 = vector.shape_cast %broadcast_in_dim3A_351 : vector<16xf32> to vector<1x16xf32>
    tpu.vector_store %arg9[%swap3A_353, %swap3A_354], %swap3A_357 {strides = array<i32>} : memref<8x128xf32, #tpu.memory_space<vmem>>, vector<1x16xf32>,
    %broadcast_in_dim3A_358 = arith.constant 1.000000e+00 : f32
    %broadcast_in_dim3A_359 = vector.broadcast %broadcast_in_dim3A_358 : f32 to vector<16xf32>
    %swap3A_360 = arith.constant 5 : i32
    %swap3A_361 = arith.index_cast %swap3A_360 : i32 to index
    %swap3A_362 = arith.constant 80 : index
    %swap3A_363 = tpu.vector_load %arg9[%swap3A_361, %swap3A_362] {strides = array<i32>} : memref<8x128xf32, #tpu.memory_space<vmem>>, vector<1x16xf32>,
    %swap3A_364 = vector.shape_cast %swap3A_363 : vector<1x16xf32> to vector<16xf32>
    %swap3A_365 = vector.shape_cast %broadcast_in_dim3A_359 : vector<16xf32> to vector<1x16xf32>
    tpu.vector_store %arg9[%swap3A_361, %swap3A_362], %swap3A_365 {strides = array<i32>} : memref<8x128xf32, #tpu.memory_space<vmem>>, vector<1x16xf32>,
    %broadcast_in_dim3A_366 = arith.constant 1.000000e+00 : f32
    %broadcast_in_dim3A_367 = vector.broadcast %broadcast_in_dim3A_366 : f32 to vector<16xf32>
    %swap3A_368 = arith.constant 5 : i32
    %swap3A_369 = arith.index_cast %swap3A_368 : i32 to index
    %swap3A_370 = arith.constant 96 : index
    %swap3A_371 = tpu.vector_load %arg9[%swap3A_369, %swap3A_370] {strides = array<i32>} : memref<8x128xf32, #tpu.memory_space<vmem>>, vector<1x16xf32>,
    %swap3A_372 = vector.shape_cast %swap3A_371 : vector<1x16xf32> to vector<16xf32>
    %swap3A_373 = vector.shape_cast %broadcast_in_dim3A_367 : vector<16xf32> to vector<1x16xf32>
    tpu.vector_store %arg9[%swap3A_369, %swap3A_370], %swap3A_373 {strides = array<i32>} : memref<8x128xf32, #tpu.memory_space<vmem>>, vector<1x16xf32>,
    %broadcast_in_dim3A_374 = arith.constant 1.000000e+00 : f32
    %broadcast_in_dim3A_375 = vector.broadcast %broadcast_in_dim3A_374 : f32 to vector<16xf32>
    %swap3A_376 = arith.constant 5 : i32
    %swap3A_377 = arith.index_cast %swap3A_376 : i32 to index
    %swap3A_378 = arith.constant 112 : index
    %swap3A_379 = tpu.vector_load %arg9[%swap3A_377, %swap3A_378] {strides = array<i32>} : memref<8x128xf32, #tpu.memory_space<vmem>>, vector<1x16xf32>,
    %swap3A_380 = vector.shape_cast %swap3A_379 : vector<1x16xf32> to vector<16xf32>
    %swap3A_381 = vector.shape_cast %broadcast_in_dim3A_375 : vector<16xf32> to vector<1x16xf32>
    tpu.vector_store %arg9[%swap3A_377, %swap3A_378], %swap3A_381 {strides = array<i32>} : memref<8x128xf32, #tpu.memory_space<vmem>>, vector<1x16xf32>,
    %broadcast_in_dim3A_382 = arith.constant 1.000000e+00 : f32
    %broadcast_in_dim3A_383 = vector.broadcast %broadcast_in_dim3A_382 : f32 to vector<16xf32>
    %swap3A_384 = arith.constant 6 : i32
    %swap3A_385 = arith.index_cast %swap3A_384 : i32 to index
    %swap3A_386 = arith.constant 0 : index
    %swap3A_387 = tpu.vector_load %arg9[%swap3A_385, %swap3A_386] {strides = array<i32>} : memref<8x128xf32, #tpu.memory_space<vmem>>, vector<1x16xf32>,
    %swap3A_388 = vector.shape_cast %swap3A_387 : vector<1x16xf32> to vector<16xf32>
    %swap3A_389 = vector.shape_cast %broadcast_in_dim3A_383 : vector<16xf32> to vector<1x16xf32>
    tpu.vector_store %arg9[%swap3A_385, %swap3A_386], %swap3A_389 {strides = array<i32>} : memref<8x128xf32, #tpu.memory_space<vmem>>, vector<1x16xf32>,
    %broadcast_in_dim3A_390 = arith.constant 1.000000e+00 : f32
    %broadcast_in_dim3A_391 = vector.broadcast %broadcast_in_dim3A_390 : f32 to vector<16xf32>
    %swap3A_392 = arith.constant 6 : i32
    %swap3A_393 = arith.index_cast %swap3A_392 : i32 to index
    %swap3A_394 = arith.constant 16 : index
    %swap3A_395 = tpu.vector_load %arg9[%swap3A_393, %swap3A_394] {strides = array<i32>} : memref<8x128xf32, #tpu.memory_space<vmem>>, vector<1x16xf32>,
    %swap3A_396 = vector.shape_cast %swap3A_395 : vector<1x16xf32> to vector<16xf32>
    %swap3A_397 = vector.shape_cast %broadcast_in_dim3A_391 : vector<16xf32> to vector<1x16xf32>
    tpu.vector_store %arg9[%swap3A_393, %swap3A_394], %swap3A_397 {strides = array<i32>} : memref<8x128xf32, #tpu.memory_space<vmem>>, vector<1x16xf32>,
    %broadcast_in_dim3A_398 = arith.constant 1.000000e+00 : f32
    %broadcast_in_dim3A_399 = vector.broadcast %broadcast_in_dim3A_398 : f32 to vector<16xf32>
    %swap3A_400 = arith.constant 6 : i32
    %swap3A_401 = arith.index_cast %swap3A_400 : i32 to index
    %swap3A_402 = arith.constant 32 : index
    %swap3A_403 = tpu.vector_load %arg9[%swap3A_401, %swap3A_402] {strides = array<i32>} : memref<8x128xf32, #tpu.memory_space<vmem>>, vector<1x16xf32>,
    %swap3A_404 = vector.shape_cast %swap3A_403 : vector<1x16xf32> to vector<16xf32>
    %swap3A_405 = vector.shape_cast %broadcast_in_dim3A_399 : vector<16xf32> to vector<1x16xf32>
    tpu.vector_store %arg9[%swap3A_401, %swap3A_402], %swap3A_405 {strides = array<i32>} : memref<8x128xf32, #tpu.memory_space<vmem>>, vector<1x16xf32>,
    %broadcast_in_dim3A_406 = arith.constant 1.000000e+00 : f32
    %broadcast_in_dim3A_407 = vector.broadcast %broadcast_in_dim3A_406 : f32 to vector<16xf32>
    %swap3A_408 = arith.constant 6 : i32
    %swap3A_409 = arith.index_cast %swap3A_408 : i32 to index
    %swap3A_410 = arith.constant 48 : index
    %swap3A_411 = tpu.vector_load %arg9[%swap3A_409, %swap3A_410] {strides = array<i32>} : memref<8x128xf32, #tpu.memory_space<vmem>>, vector<1x16xf32>,
    %swap3A_412 = vector.shape_cast %swap3A_411 : vector<1x16xf32> to vector<16xf32>
    %swap3A_413 = vector.shape_cast %broadcast_in_dim3A_407 : vector<16xf32> to vector<1x16xf32>
    tpu.vector_store %arg9[%swap3A_409, %swap3A_410], %swap3A_413 {strides = array<i32>} : memref<8x128xf32, #tpu.memory_space<vmem>>, vector<1x16xf32>,
    %broadcast_in_dim3A_414 = arith.constant 1.000000e+00 : f32
    %broadcast_in_dim3A_415 = vector.broadcast %broadcast_in_dim3A_414 : f32 to vector<16xf32>
    %swap3A_416 = arith.constant 6 : i32
    %swap3A_417 = arith.index_cast %swap3A_416 : i32 to index
    %swap3A_418 = arith.constant 64 : index
    %swap3A_419 = tpu.vector_load %arg9[%swap3A_417, %swap3A_418] {strides = array<i32>} : memref<8x128xf32, #tpu.memory_space<vmem>>, vector<1x16xf32>,
    %swap3A_420 = vector.shape_cast %swap3A_419 : vector<1x16xf32> to vector<16xf32>
    %swap3A_421 = vector.shape_cast %broadcast_in_dim3A_415 : vector<16xf32> to vector<1x16xf32>
    tpu.vector_store %arg9[%swap3A_417, %swap3A_418], %swap3A_421 {strides = array<i32>} : memref<8x128xf32, #tpu.memory_space<vmem>>, vector<1x16xf32>,
    %broadcast_in_dim3A_422 = arith.constant 1.000000e+00 : f32
    %broadcast_in_dim3A_423 = vector.broadcast %broadcast_in_dim3A_422 : f32 to vector<16xf32>
    %swap3A_424 = arith.constant 6 : i32
    %swap3A_425 = arith.index_cast %swap3A_424 : i32 to index
    %swap3A_426 = arith.constant 80 : index
    %swap3A_427 = tpu.vector_load %arg9[%swap3A_425, %swap3A_426] {strides = array<i32>} : memref<8x128xf32, #tpu.memory_space<vmem>>, vector<1x16xf32>,
    %swap3A_428 = vector.shape_cast %swap3A_427 : vector<1x16xf32> to vector<16xf32>
    %swap3A_429 = vector.shape_cast %broadcast_in_dim3A_423 : vector<16xf32> to vector<1x16xf32>
    tpu.vector_store %arg9[%swap3A_425, %swap3A_426], %swap3A_429 {strides = array<i32>} : memref<8x128xf32, #tpu.memory_space<vmem>>, vector<1x16xf32>,
    %broadcast_in_dim3A_430 = arith.constant 1.000000e+00 : f32
    %broadcast_in_dim3A_431 = vector.broadcast %broadcast_in_dim3A_430 : f32 to vector<16xf32>
    %swap3A_432 = arith.constant 6 : i32
    %swap3A_433 = arith.index_cast %swap3A_432 : i32 to index
    %swap3A_434 = arith.constant 96 : index
    %swap3A_435 = tpu.vector_load %arg9[%swap3A_433, %swap3A_434] {strides = array<i32>} : memref<8x128xf32, #tpu.memory_space<vmem>>, vector<1x16xf32>,
    %swap3A_436 = vector.shape_cast %swap3A_435 : vector<1x16xf32> to vector<16xf32>
    %swap3A_437 = vector.shape_cast %broadcast_in_dim3A_431 : vector<16xf32> to vector<1x16xf32>
    tpu.vector_store %arg9[%swap3A_433, %swap3A_434], %swap3A_437 {strides = array<i32>} : memref<8x128xf32, #tpu.memory_space<vmem>>, vector<1x16xf32>,
    %broadcast_in_dim3A_438 = arith.constant 1.000000e+00 : f32
    %broadcast_in_dim3A_439 = vector.broadcast %broadcast_in_dim3A_438 : f32 to vector<16xf32>
    %swap3A_440 = arith.constant 6 : i32
    %swap3A_441 = arith.index_cast %swap3A_440 : i32 to index
    %swap3A_442 = arith.constant 112 : index
    %swap3A_443 = tpu.vector_load %arg9[%swap3A_441, %swap3A_442] {strides = array<i32>} : memref<8x128xf32, #tpu.memory_space<vmem>>, vector<1x16xf32>,
    %swap3A_444 = vector.shape_cast %swap3A_443 : vector<1x16xf32> to vector<16xf32>
    %swap3A_445 = vector.shape_cast %broadcast_in_dim3A_439 : vector<16xf32> to vector<1x16xf32>
    tpu.vector_store %arg9[%swap3A_441, %swap3A_442], %swap3A_445 {strides = array<i32>} : memref<8x128xf32, #tpu.memory_space<vmem>>, vector<1x16xf32>,
    %broadcast_in_dim3A_446 = arith.constant 1.000000e+00 : f32
    %broadcast_in_dim3A_447 = vector.broadcast %broadcast_in_dim3A_446 : f32 to vector<16xf32>
    %swap3A_448 = arith.constant 7 : i32
    %swap3A_449 = arith.index_cast %swap3A_448 : i32 to index
    %swap3A_450 = arith.constant 0 : index
    %swap3A_451 = tpu.vector_load %arg9[%swap3A_449, %swap3A_450] {strides = array<i32>} : memref<8x128xf32, #tpu.memory_space<vmem>>, vector<1x16xf32>,
    %swap3A_452 = vector.shape_cast %swap3A_451 : vector<1x16xf32> to vector<16xf32>
    %swap3A_453 = vector.shape_cast %broadcast_in_dim3A_447 : vector<16xf32> to vector<1x16xf32>
    tpu.vector_store %arg9[%swap3A_449, %swap3A_450], %swap3A_453 {strides = array<i32>} : memref<8x128xf32, #tpu.memory_space<vmem>>, vector<1x16xf32>,
    %broadcast_in_dim3A_454 = arith.constant 1.000000e+00 : f32
    %broadcast_in_dim3A_455 = vector.broadcast %broadcast_in_dim3A_454 : f32 to vector<16xf32>
    %swap3A_456 = arith.constant 7 : i32
    %swap3A_457 = arith.index_cast %swap3A_456 : i32 to index
    %swap3A_458 = arith.constant 16 : index
    %swap3A_459 = tpu.vector_load %arg9[%swap3A_457, %swap3A_458] {strides = array<i32>} : memref<8x128xf32, #tpu.memory_space<vmem>>, vector<1x16xf32>,
    %swap3A_460 = vector.shape_cast %swap3A_459 : vector<1x16xf32> to vector<16xf32>
    %swap3A_461 = vector.shape_cast %broadcast_in_dim3A_455 : vector<16xf32> to vector<1x16xf32>
    tpu.vector_store %arg9[%swap3A_457, %swap3A_458], %swap3A_461 {strides = array<i32>} : memref<8x128xf32, #tpu.memory_space<vmem>>, vector<1x16xf32>,
    %broadcast_in_dim3A_462 = arith.constant 1.000000e+00 : f32
    %broadcast_in_dim3A_463 = vector.broadcast %broadcast_in_dim3A_462 : f32 to vector<16xf32>
    %swap3A_464 = arith.constant 7 : i32
    %swap3A_465 = arith.index_cast %swap3A_464 : i32 to index
    %swap3A_466 = arith.constant 32 : index
    %swap3A_467 = tpu.vector_load %arg9[%swap3A_465, %swap3A_466] {strides = array<i32>} : memref<8x128xf32, #tpu.memory_space<vmem>>, vector<1x16xf32>,
    %swap3A_468 = vector.shape_cast %swap3A_467 : vector<1x16xf32> to vector<16xf32>
    %swap3A_469 = vector.shape_cast %broadcast_in_dim3A_463 : vector<16xf32> to vector<1x16xf32>
    tpu.vector_store %arg9[%swap3A_465, %swap3A_466], %swap3A_469 {strides = array<i32>} : memref<8x128xf32, #tpu.memory_space<vmem>>, vector<1x16xf32>,
    %broadcast_in_dim3A_470 = arith.constant 1.000000e+00 : f32
    %broadcast_in_dim3A_471 = vector.broadcast %broadcast_in_dim3A_470 : f32 to vector<16xf32>
    %swap3A_472 = arith.constant 7 : i32
    %swap3A_473 = arith.index_cast %swap3A_472 : i32 to index
    %swap3A_474 = arith.constant 48 : index
    %swap3A_475 = tpu.vector_load %arg9[%swap3A_473, %swap3A_474] {strides = array<i32>} : memref<8x128xf32, #tpu.memory_space<vmem>>, vector<1x16xf32>,
    %swap3A_476 = vector.shape_cast %swap3A_475 : vector<1x16xf32> to vector<16xf32>
    %swap3A_477 = vector.shape_cast %broadcast_in_dim3A_471 : vector<16xf32> to vector<1x16xf32>
    tpu.vector_store %arg9[%swap3A_473, %swap3A_474], %swap3A_477 {strides = array<i32>} : memref<8x128xf32, #tpu.memory_space<vmem>>, vector<1x16xf32>,
    %broadcast_in_dim3A_478 = arith.constant 1.000000e+00 : f32
    %broadcast_in_dim3A_479 = vector.broadcast %broadcast_in_dim3A_478 : f32 to vector<16xf32>
    %swap3A_480 = arith.constant 7 : i32
    %swap3A_481 = arith.index_cast %swap3A_480 : i32 to index
    %swap3A_482 = arith.constant 64 : index
    %swap3A_483 = tpu.vector_load %arg9[%swap3A_481, %swap3A_482] {strides = array<i32>} : memref<8x128xf32, #tpu.memory_space<vmem>>, vector<1x16xf32>,
    %swap3A_484 = vector.shape_cast %swap3A_483 : vector<1x16xf32> to vector<16xf32>
    %swap3A_485 = vector.shape_cast %broadcast_in_dim3A_479 : vector<16xf32> to vector<1x16xf32>
    tpu.vector_store %arg9[%swap3A_481, %swap3A_482], %swap3A_485 {strides = array<i32>} : memref<8x128xf32, #tpu.memory_space<vmem>>, vector<1x16xf32>,
    %broadcast_in_dim3A_486 = arith.constant 1.000000e+00 : f32
    %broadcast_in_dim3A_487 = vector.broadcast %broadcast_in_dim3A_486 : f32 to vector<16xf32>
    %swap3A_488 = arith.constant 7 : i32
    %swap3A_489 = arith.index_cast %swap3A_488 : i32 to index
    %swap3A_490 = arith.constant 80 : index
    %swap3A_491 = tpu.vector_load %arg9[%swap3A_489, %swap3A_490] {strides = array<i32>} : memref<8x128xf32, #tpu.memory_space<vmem>>, vector<1x16xf32>,
    %swap3A_492 = vector.shape_cast %swap3A_491 : vector<1x16xf32> to vector<16xf32>
    %swap3A_493 = vector.shape_cast %broadcast_in_dim3A_487 : vector<16xf32> to vector<1x16xf32>
    tpu.vector_store %arg9[%swap3A_489, %swap3A_490], %swap3A_493 {strides = array<i32>} : memref<8x128xf32, #tpu.memory_space<vmem>>, vector<1x16xf32>,
    %broadcast_in_dim3A_494 = arith.constant 1.000000e+00 : f32
    %broadcast_in_dim3A_495 = vector.broadcast %broadcast_in_dim3A_494 : f32 to vector<16xf32>
    %swap3A_496 = arith.constant 7 : i32
    %swap3A_497 = arith.index_cast %swap3A_496 : i32 to index
    %swap3A_498 = arith.constant 96 : index
    %swap3A_499 = tpu.vector_load %arg9[%swap3A_497, %swap3A_498] {strides = array<i32>} : memref<8x128xf32, #tpu.memory_space<vmem>>, vector<1x16xf32>,
    %swap3A_500 = vector.shape_cast %swap3A_499 : vector<1x16xf32> to vector<16xf32>
    %swap3A_501 = vector.shape_cast %broadcast_in_dim3A_495 : vector<16xf32> to vector<1x16xf32>
    tpu.vector_store %arg9[%swap3A_497, %swap3A_498], %swap3A_501 {strides = array<i32>} : memref<8x128xf32, #tpu.memory_space<vmem>>, vector<1x16xf32>,
    %broadcast_in_dim3A_502 = arith.constant 1.000000e+00 : f32
    %broadcast_in_dim3A_503 = vector.broadcast %broadcast_in_dim3A_502 : f32 to vector<16xf32>
    %swap3A_504 = arith.constant 7 : i32
    %swap3A_505 = arith.index_cast %swap3A_504 : i32 to index
    %swap3A_506 = arith.constant 112 : index
    %swap3A_507 = tpu.vector_load %arg9[%swap3A_505, %swap3A_506] {strides = array<i32>} : memref<8x128xf32, #tpu.memory_space<vmem>>, vector<1x16xf32>,
    %swap3A_508 = vector.shape_cast %swap3A_507 : vector<1x16xf32> to vector<16xf32>
    %swap3A_509 = vector.shape_cast %broadcast_in_dim3A_503 : vector<16xf32> to vector<1x16xf32>
    tpu.vector_store %arg9[%swap3A_505, %swap3A_506], %swap3A_509 {strides = array<i32>} : memref<8x128xf32, #tpu.memory_space<vmem>>, vector<1x16xf32>,
    %mul3A = arith.constant 2 : i32
    %mul3A_510 = arith.muli %arg0, %mul3A : i32
    %add3A = arith.constant 0 : i32
    %add3A_511 = arith.addi %mul3A_510, %add3A : i32
    %mul3A_512 = arith.constant 544 : i32
    %mul3A_513 = arith.muli %add3A_511, %mul3A_512 : i32
    %mul3A_514 = arith.constant 74112 : i32
    %mul3A_515 = arith.muli %arg1, %mul3A_514 : i32
    "tpu.region"() ({
      %run_scoped3A_639 = tpu.sem_alloc : memref<!tpu.dma_semaphore, #tpu.memory_space<semaphore_mem>>
      %dma_start3A = tpu.memref_slice %arg11[%mul3A_515] : memref<1185792xf32, #tpu.memory_space<vmem_shared>> -> memref<74112xf32, #tpu.memory_space<vmem_shared>>
      %dma_start3A_640 = tpu.memref_slice %arg4[%mul3A_515] : memref<1185792xf32, #tpu.memory_space<hbm>> -> memref<74112xf32, #tpu.memory_space<hbm>>
      tpu.enqueue_dma source(%dma_start3A_640 : memref<74112xf32, #tpu.memory_space<hbm>>) target(%dma_start3A : memref<74112xf32, #tpu.memory_space<vmem_shared>>) target_semaphore(%run_scoped3A_639 : memref<!tpu.dma_semaphore, #tpu.memory_space<semaphore_mem>>)
      %dma_wait3A = tpu.memref_slice %arg11[%mul3A_515] : memref<1185792xf32, #tpu.memory_space<vmem_shared>> -> memref<74112xf32, #tpu.memory_space<vmem_shared>>
      %dma_wait3A_641 = tpu.memref_slice %arg4[%mul3A_515] : memref<1185792xf32, #tpu.memory_space<hbm>> -> memref<74112xf32, #tpu.memory_space<hbm>>
      tpu.wait_dma2 semaphore(%run_scoped3A_639 : memref<!tpu.dma_semaphore, #tpu.memory_space<semaphore_mem>>) src(%dma_wait3A_641 : memref<74112xf32, #tpu.memory_space<hbm>>) dst(%dma_wait3A : memref<74112xf32, #tpu.memory_space<vmem_shared>>)
      tpu.yield
    }) : () -> ()
    %barrier3A = arith.constant 0 : index
    tpu.barrier barrier_id(%barrier3A)
    %iota3A = tpu.iota {dimensions = array<i32: 0>} : vector<16xi32>
    %scan3A = arith.constant 0 : i32
    %scan3A_516 = arith.constant 0 : i32
    %scan3A_517 = arith.constant 128 : i32
    %scan3A_518 = arith.addi %scan3A_516, %scan3A_517 : i32
    %scan3A_519 = arith.constant 1 : i32
    %scan3A_520 = scf.for %scan3A_639 = %scan3A_516 to %scan3A_518 step %scan3A_519 iter_args(%scan3A_640 = %scan3A) -> (i32)  : i32 {
      %mul3A_641 = arith.constant 128 : i32
      %mul3A_642 = arith.muli %scan3A_639, %mul3A_641 : i32
      %add3A_643 = arith.constant 0 : i32
      %add3A_644 = arith.addi %mul3A_642, %add3A_643 : i32
      %get3A = arith.index_cast %add3A_644 : i32 to index
      %get3A_645 = tpu.vector_load %arg6[%get3A] {strides = array<i32>} : memref<16384xi32, #tpu.memory_space<vmem>>, vector<16xi32>,
      %get3A_646 = vector.shape_cast %get3A_645 : vector<16xi32> to vector<16xi32>
      %get3A_647 = arith.index_cast %add3A_644 : i32 to index
      %get3A_648 = tpu.vector_load %arg7[%get3A_647] {strides = array<i32>} : memref<16384xi32, #tpu.memory_space<vmem>>, vector<16xi32>,
      %get3A_649 = vector.shape_cast %get3A_648 : vector<16xi32> to vector<16xi32>
      %sub3A = vector.broadcast %mul3A_513 : i32 to vector<16xi32>
      %sub3A_650 = arith.subi %get3A_649, %sub3A : vector<16xi32>
      %ge3A = arith.constant 0 : i32
      %ge3A_651 = vector.broadcast %ge3A : i32 to vector<16xi32>
      %ge3A_652 = arith.cmpi sge, %sub3A_650, %ge3A_651 : vector<16xi32>
      %lt3A = arith.constant 544 : i32
      %lt3A_653 = vector.broadcast %lt3A : i32 to vector<16xi32>
      %lt3A_654 = arith.cmpi slt, %sub3A_650, %lt3A_653 : vector<16xi32>
      %and3A = arith.andi %ge3A_652, %lt3A_654 : vector<16xi1>
      %mul3A_655 = arith.constant 128 : i32
      %mul3A_656 = arith.muli %arg1, %mul3A_655 : i32
      %add3A_657 = arith.constant 1183744 : i32
      %add3A_658 = arith.addi %add3A_657, %mul3A_656 : i32
      %add3A_659 = arith.constant 0 : i32
      %add3A_660 = arith.addi %add3A_658, %add3A_659 : i32
      %add3A_661 = vector.broadcast %add3A_660 : i32 to vector<16xi32>
      %add3A_662 = arith.addi %add3A_661, %iota3A : vector<16xi32>
      %mul3A_663 = arith.constant 2176 : i32
      %mul3A_664 = vector.broadcast %mul3A_663 : i32 to vector<16xi32>
      %mul3A_665 = arith.muli %sub3A_650, %mul3A_664 : vector<16xi32>
      %add3A_666 = arith.addi %mul3A_665, %get3A_646 : vector<16xi32>
      %select_n3A = arith.select %and3A, %add3A_666, %add3A_662 : vector<16xi1>, vector<16xi32>
      %swap3A_667 = arith.index_cast %scan3A_639 : i32 to index
      %swap3A_668 = arith.constant 0 : index
      %swap3A_669 = tpu.vector_load %arg8[%swap3A_667, %swap3A_668] {strides = array<i32>} : memref<128x128xi32, #tpu.memory_space<vmem>>, vector<1x16xi32>,
      %swap3A_670 = vector.shape_cast %swap3A_669 : vector<1x16xi32> to vector<16xi32>
      %swap3A_671 = vector.shape_cast %select_n3A : vector<16xi32> to vector<1x16xi32>
      tpu.vector_store %arg8[%swap3A_667, %swap3A_668], %swap3A_671 {strides = array<i32>} : memref<128x128xi32, #tpu.memory_space<vmem>>, vector<1x16xi32>,
      %mul3A_672 = arith.constant 128 : i32
      %mul3A_673 = arith.muli %scan3A_639, %mul3A_672 : i32
      %add3A_674 = arith.constant 16 : i32
      %add3A_675 = arith.addi %mul3A_673, %add3A_674 : i32
      %get3A_676 = arith.index_cast %add3A_675 : i32 to index
      %get3A_677 = tpu.vector_load %arg6[%get3A_676] {strides = array<i32>} : memref<16384xi32, #tpu.memory_space<vmem>>, vector<16xi32>,
      %get3A_678 = vector.shape_cast %get3A_677 : vector<16xi32> to vector<16xi32>
      %get3A_679 = arith.index_cast %add3A_675 : i32 to index
      %get3A_680 = tpu.vector_load %arg7[%get3A_679] {strides = array<i32>} : memref<16384xi32, #tpu.memory_space<vmem>>, vector<16xi32>,
      %get3A_681 = vector.shape_cast %get3A_680 : vector<16xi32> to vector<16xi32>
      %sub3A_682 = vector.broadcast %mul3A_513 : i32 to vector<16xi32>
      %sub3A_683 = arith.subi %get3A_681, %sub3A_682 : vector<16xi32>
      %ge3A_684 = arith.constant 0 : i32
      %ge3A_685 = vector.broadcast %ge3A_684 : i32 to vector<16xi32>
      %ge3A_686 = arith.cmpi sge, %sub3A_683, %ge3A_685 : vector<16xi32>
      %lt3A_687 = arith.constant 544 : i32
      %lt3A_688 = vector.broadcast %lt3A_687 : i32 to vector<16xi32>
      %lt3A_689 = arith.cmpi slt, %sub3A_683, %lt3A_688 : vector<16xi32>
      %and3A_690 = arith.andi %ge3A_686, %lt3A_689 : vector<16xi1>
      %mul3A_691 = arith.constant 128 : i32
      %mul3A_692 = arith.muli %arg1, %mul3A_691 : i32
      %add3A_693 = arith.constant 1183744 : i32
      %add3A_694 = arith.addi %add3A_693, %mul3A_692 : i32
      %add3A_695 = arith.constant 16 : i32
      %add3A_696 = arith.addi %add3A_694, %add3A_695 : i32
      %add3A_697 = vector.broadcast %add3A_696 : i32 to vector<16xi32>
      %add3A_698 = arith.addi %add3A_697, %iota3A : vector<16xi32>
      %mul3A_699 = arith.constant 2176 : i32
      %mul3A_700 = vector.broadcast %mul3A_699 : i32 to vector<16xi32>
      %mul3A_701 = arith.muli %sub3A_683, %mul3A_700 : vector<16xi32>
      %add3A_702 = arith.addi %mul3A_701, %get3A_678 : vector<16xi32>
      %select_n3A_703 = arith.select %and3A_690, %add3A_702, %add3A_698 : vector<16xi1>, vector<16xi32>
      %swap3A_704 = arith.index_cast %scan3A_639 : i32 to index
      %swap3A_705 = arith.constant 16 : index
      %swap3A_706 = tpu.vector_load %arg8[%swap3A_704, %swap3A_705] {strides = array<i32>} : memref<128x128xi32, #tpu.memory_space<vmem>>, vector<1x16xi32>,
      %swap3A_707 = vector.shape_cast %swap3A_706 : vector<1x16xi32> to vector<16xi32>
      %swap3A_708 = vector.shape_cast %select_n3A_703 : vector<16xi32> to vector<1x16xi32>
      tpu.vector_store %arg8[%swap3A_704, %swap3A_705], %swap3A_708 {strides = array<i32>} : memref<128x128xi32, #tpu.memory_space<vmem>>, vector<1x16xi32>,
      %mul3A_709 = arith.constant 128 : i32
      %mul3A_710 = arith.muli %scan3A_639, %mul3A_709 : i32
      %add3A_711 = arith.constant 32 : i32
      %add3A_712 = arith.addi %mul3A_710, %add3A_711 : i32
      %get3A_713 = arith.index_cast %add3A_712 : i32 to index
      %get3A_714 = tpu.vector_load %arg6[%get3A_713] {strides = array<i32>} : memref<16384xi32, #tpu.memory_space<vmem>>, vector<16xi32>,
      %get3A_715 = vector.shape_cast %get3A_714 : vector<16xi32> to vector<16xi32>
      %get3A_716 = arith.index_cast %add3A_712 : i32 to index
      %get3A_717 = tpu.vector_load %arg7[%get3A_716] {strides = array<i32>} : memref<16384xi32, #tpu.memory_space<vmem>>, vector<16xi32>,
      %get3A_718 = vector.shape_cast %get3A_717 : vector<16xi32> to vector<16xi32>
      %sub3A_719 = vector.broadcast %mul3A_513 : i32 to vector<16xi32>
      %sub3A_720 = arith.subi %get3A_718, %sub3A_719 : vector<16xi32>
      %ge3A_721 = arith.constant 0 : i32
      %ge3A_722 = vector.broadcast %ge3A_721 : i32 to vector<16xi32>
      %ge3A_723 = arith.cmpi sge, %sub3A_720, %ge3A_722 : vector<16xi32>
      %lt3A_724 = arith.constant 544 : i32
      %lt3A_725 = vector.broadcast %lt3A_724 : i32 to vector<16xi32>
      %lt3A_726 = arith.cmpi slt, %sub3A_720, %lt3A_725 : vector<16xi32>
      %and3A_727 = arith.andi %ge3A_723, %lt3A_726 : vector<16xi1>
      %mul3A_728 = arith.constant 128 : i32
      %mul3A_729 = arith.muli %arg1, %mul3A_728 : i32
      %add3A_730 = arith.constant 1183744 : i32
      %add3A_731 = arith.addi %add3A_730, %mul3A_729 : i32
      %add3A_732 = arith.constant 32 : i32
      %add3A_733 = arith.addi %add3A_731, %add3A_732 : i32
      %add3A_734 = vector.broadcast %add3A_733 : i32 to vector<16xi32>
      %add3A_735 = arith.addi %add3A_734, %iota3A : vector<16xi32>
      %mul3A_736 = arith.constant 2176 : i32
      %mul3A_737 = vector.broadcast %mul3A_736 : i32 to vector<16xi32>
      %mul3A_738 = arith.muli %sub3A_720, %mul3A_737 : vector<16xi32>
      %add3A_739 = arith.addi %mul3A_738, %get3A_715 : vector<16xi32>
      %select_n3A_740 = arith.select %and3A_727, %add3A_739, %add3A_735 : vector<16xi1>, vector<16xi32>
      %swap3A_741 = arith.index_cast %scan3A_639 : i32 to index
      %swap3A_742 = arith.constant 32 : index
      %swap3A_743 = tpu.vector_load %arg8[%swap3A_741, %swap3A_742] {strides = array<i32>} : memref<128x128xi32, #tpu.memory_space<vmem>>, vector<1x16xi32>,
      %swap3A_744 = vector.shape_cast %swap3A_743 : vector<1x16xi32> to vector<16xi32>
      %swap3A_745 = vector.shape_cast %select_n3A_740 : vector<16xi32> to vector<1x16xi32>
      tpu.vector_store %arg8[%swap3A_741, %swap3A_742], %swap3A_745 {strides = array<i32>} : memref<128x128xi32, #tpu.memory_space<vmem>>, vector<1x16xi32>,
      %mul3A_746 = arith.constant 128 : i32
      %mul3A_747 = arith.muli %scan3A_639, %mul3A_746 : i32
      %add3A_748 = arith.constant 48 : i32
      %add3A_749 = arith.addi %mul3A_747, %add3A_748 : i32
      %get3A_750 = arith.index_cast %add3A_749 : i32 to index
      %get3A_751 = tpu.vector_load %arg6[%get3A_750] {strides = array<i32>} : memref<16384xi32, #tpu.memory_space<vmem>>, vector<16xi32>,
      %get3A_752 = vector.shape_cast %get3A_751 : vector<16xi32> to vector<16xi32>
      %get3A_753 = arith.index_cast %add3A_749 : i32 to index
      %get3A_754 = tpu.vector_load %arg7[%get3A_753] {strides = array<i32>} : memref<16384xi32, #tpu.memory_space<vmem>>, vector<16xi32>,
      %get3A_755 = vector.shape_cast %get3A_754 : vector<16xi32> to vector<16xi32>
      %sub3A_756 = vector.broadcast %mul3A_513 : i32 to vector<16xi32>
      %sub3A_757 = arith.subi %get3A_755, %sub3A_756 : vector<16xi32>
      %ge3A_758 = arith.constant 0 : i32
      %ge3A_759 = vector.broadcast %ge3A_758 : i32 to vector<16xi32>
      %ge3A_760 = arith.cmpi sge, %sub3A_757, %ge3A_759 : vector<16xi32>
      %lt3A_761 = arith.constant 544 : i32
      %lt3A_762 = vector.broadcast %lt3A_761 : i32 to vector<16xi32>
      %lt3A_763 = arith.cmpi slt, %sub3A_757, %lt3A_762 : vector<16xi32>
      %and3A_764 = arith.andi %ge3A_760, %lt3A_763 : vector<16xi1>
      %mul3A_765 = arith.constant 128 : i32
      %mul3A_766 = arith.muli %arg1, %mul3A_765 : i32
      %add3A_767 = arith.constant 1183744 : i32
      %add3A_768 = arith.addi %add3A_767, %mul3A_766 : i32
      %add3A_769 = arith.constant 48 : i32
      %add3A_770 = arith.addi %add3A_768, %add3A_769 : i32
      %add3A_771 = vector.broadcast %add3A_770 : i32 to vector<16xi32>
      %add3A_772 = arith.addi %add3A_771, %iota3A : vector<16xi32>
      %mul3A_773 = arith.constant 2176 : i32
      %mul3A_774 = vector.broadcast %mul3A_773 : i32 to vector<16xi32>
      %mul3A_775 = arith.muli %sub3A_757, %mul3A_774 : vector<16xi32>
      %add3A_776 = arith.addi %mul3A_775, %get3A_752 : vector<16xi32>
      %select_n3A_777 = arith.select %and3A_764, %add3A_776, %add3A_772 : vector<16xi1>, vector<16xi32>
      %swap3A_778 = arith.index_cast %scan3A_639 : i32 to index
      %swap3A_779 = arith.constant 48 : index
      %swap3A_780 = tpu.vector_load %arg8[%swap3A_778, %swap3A_779] {strides = array<i32>} : memref<128x128xi32, #tpu.memory_space<vmem>>, vector<1x16xi32>,
      %swap3A_781 = vector.shape_cast %swap3A_780 : vector<1x16xi32> to vector<16xi32>
      %swap3A_782 = vector.shape_cast %select_n3A_777 : vector<16xi32> to vector<1x16xi32>
      tpu.vector_store %arg8[%swap3A_778, %swap3A_779], %swap3A_782 {strides = array<i32>} : memref<128x128xi32, #tpu.memory_space<vmem>>, vector<1x16xi32>,
      %mul3A_783 = arith.constant 128 : i32
      %mul3A_784 = arith.muli %scan3A_639, %mul3A_783 : i32
      %add3A_785 = arith.constant 64 : i32
      %add3A_786 = arith.addi %mul3A_784, %add3A_785 : i32
      %get3A_787 = arith.index_cast %add3A_786 : i32 to index
      %get3A_788 = tpu.vector_load %arg6[%get3A_787] {strides = array<i32>} : memref<16384xi32, #tpu.memory_space<vmem>>, vector<16xi32>,
      %get3A_789 = vector.shape_cast %get3A_788 : vector<16xi32> to vector<16xi32>
      %get3A_790 = arith.index_cast %add3A_786 : i32 to index
      %get3A_791 = tpu.vector_load %arg7[%get3A_790] {strides = array<i32>} : memref<16384xi32, #tpu.memory_space<vmem>>, vector<16xi32>,
      %get3A_792 = vector.shape_cast %get3A_791 : vector<16xi32> to vector<16xi32>
      %sub3A_793 = vector.broadcast %mul3A_513 : i32 to vector<16xi32>
      %sub3A_794 = arith.subi %get3A_792, %sub3A_793 : vector<16xi32>
      %ge3A_795 = arith.constant 0 : i32
      %ge3A_796 = vector.broadcast %ge3A_795 : i32 to vector<16xi32>
      %ge3A_797 = arith.cmpi sge, %sub3A_794, %ge3A_796 : vector<16xi32>
      %lt3A_798 = arith.constant 544 : i32
      %lt3A_799 = vector.broadcast %lt3A_798 : i32 to vector<16xi32>
      %lt3A_800 = arith.cmpi slt, %sub3A_794, %lt3A_799 : vector<16xi32>
      %and3A_801 = arith.andi %ge3A_797, %lt3A_800 : vector<16xi1>
      %mul3A_802 = arith.constant 128 : i32
      %mul3A_803 = arith.muli %arg1, %mul3A_802 : i32
      %add3A_804 = arith.constant 1183744 : i32
      %add3A_805 = arith.addi %add3A_804, %mul3A_803 : i32
      %add3A_806 = arith.constant 64 : i32
      %add3A_807 = arith.addi %add3A_805, %add3A_806 : i32
      %add3A_808 = vector.broadcast %add3A_807 : i32 to vector<16xi32>
      %add3A_809 = arith.addi %add3A_808, %iota3A : vector<16xi32>
      %mul3A_810 = arith.constant 2176 : i32
      %mul3A_811 = vector.broadcast %mul3A_810 : i32 to vector<16xi32>
      %mul3A_812 = arith.muli %sub3A_794, %mul3A_811 : vector<16xi32>
      %add3A_813 = arith.addi %mul3A_812, %get3A_789 : vector<16xi32>
      %select_n3A_814 = arith.select %and3A_801, %add3A_813, %add3A_809 : vector<16xi1>, vector<16xi32>
      %swap3A_815 = arith.index_cast %scan3A_639 : i32 to index
      %swap3A_816 = arith.constant 64 : index
      %swap3A_817 = tpu.vector_load %arg8[%swap3A_815, %swap3A_816] {strides = array<i32>} : memref<128x128xi32, #tpu.memory_space<vmem>>, vector<1x16xi32>,
      %swap3A_818 = vector.shape_cast %swap3A_817 : vector<1x16xi32> to vector<16xi32>
      %swap3A_819 = vector.shape_cast %select_n3A_814 : vector<16xi32> to vector<1x16xi32>
      tpu.vector_store %arg8[%swap3A_815, %swap3A_816], %swap3A_819 {strides = array<i32>} : memref<128x128xi32, #tpu.memory_space<vmem>>, vector<1x16xi32>,
      %mul3A_820 = arith.constant 128 : i32
      %mul3A_821 = arith.muli %scan3A_639, %mul3A_820 : i32
      %add3A_822 = arith.constant 80 : i32
      %add3A_823 = arith.addi %mul3A_821, %add3A_822 : i32
      %get3A_824 = arith.index_cast %add3A_823 : i32 to index
      %get3A_825 = tpu.vector_load %arg6[%get3A_824] {strides = array<i32>} : memref<16384xi32, #tpu.memory_space<vmem>>, vector<16xi32>,
      %get3A_826 = vector.shape_cast %get3A_825 : vector<16xi32> to vector<16xi32>
      %get3A_827 = arith.index_cast %add3A_823 : i32 to index
      %get3A_828 = tpu.vector_load %arg7[%get3A_827] {strides = array<i32>} : memref<16384xi32, #tpu.memory_space<vmem>>, vector<16xi32>,
      %get3A_829 = vector.shape_cast %get3A_828 : vector<16xi32> to vector<16xi32>
      %sub3A_830 = vector.broadcast %mul3A_513 : i32 to vector<16xi32>
      %sub3A_831 = arith.subi %get3A_829, %sub3A_830 : vector<16xi32>
      %ge3A_832 = arith.constant 0 : i32
      %ge3A_833 = vector.broadcast %ge3A_832 : i32 to vector<16xi32>
      %ge3A_834 = arith.cmpi sge, %sub3A_831, %ge3A_833 : vector<16xi32>
      %lt3A_835 = arith.constant 544 : i32
      %lt3A_836 = vector.broadcast %lt3A_835 : i32 to vector<16xi32>
      %lt3A_837 = arith.cmpi slt, %sub3A_831, %lt3A_836 : vector<16xi32>
      %and3A_838 = arith.andi %ge3A_834, %lt3A_837 : vector<16xi1>
      %mul3A_839 = arith.constant 128 : i32
      %mul3A_840 = arith.muli %arg1, %mul3A_839 : i32
      %add3A_841 = arith.constant 1183744 : i32
      %add3A_842 = arith.addi %add3A_841, %mul3A_840 : i32
      %add3A_843 = arith.constant 80 : i32
      %add3A_844 = arith.addi %add3A_842, %add3A_843 : i32
      %add3A_845 = vector.broadcast %add3A_844 : i32 to vector<16xi32>
      %add3A_846 = arith.addi %add3A_845, %iota3A : vector<16xi32>
      %mul3A_847 = arith.constant 2176 : i32
      %mul3A_848 = vector.broadcast %mul3A_847 : i32 to vector<16xi32>
      %mul3A_849 = arith.muli %sub3A_831, %mul3A_848 : vector<16xi32>
      %add3A_850 = arith.addi %mul3A_849, %get3A_826 : vector<16xi32>
      %select_n3A_851 = arith.select %and3A_838, %add3A_850, %add3A_846 : vector<16xi1>, vector<16xi32>
      %swap3A_852 = arith.index_cast %scan3A_639 : i32 to index
      %swap3A_853 = arith.constant 80 : index
      %swap3A_854 = tpu.vector_load %arg8[%swap3A_852, %swap3A_853] {strides = array<i32>} : memref<128x128xi32, #tpu.memory_space<vmem>>, vector<1x16xi32>,
      %swap3A_855 = vector.shape_cast %swap3A_854 : vector<1x16xi32> to vector<16xi32>
      %swap3A_856 = vector.shape_cast %select_n3A_851 : vector<16xi32> to vector<1x16xi32>
      tpu.vector_store %arg8[%swap3A_852, %swap3A_853], %swap3A_856 {strides = array<i32>} : memref<128x128xi32, #tpu.memory_space<vmem>>, vector<1x16xi32>,
      %mul3A_857 = arith.constant 128 : i32
      %mul3A_858 = arith.muli %scan3A_639, %mul3A_857 : i32
      %add3A_859 = arith.constant 96 : i32
      %add3A_860 = arith.addi %mul3A_858, %add3A_859 : i32
      %get3A_861 = arith.index_cast %add3A_860 : i32 to index
      %get3A_862 = tpu.vector_load %arg6[%get3A_861] {strides = array<i32>} : memref<16384xi32, #tpu.memory_space<vmem>>, vector<16xi32>,
      %get3A_863 = vector.shape_cast %get3A_862 : vector<16xi32> to vector<16xi32>
      %get3A_864 = arith.index_cast %add3A_860 : i32 to index
      %get3A_865 = tpu.vector_load %arg7[%get3A_864] {strides = array<i32>} : memref<16384xi32, #tpu.memory_space<vmem>>, vector<16xi32>,
      %get3A_866 = vector.shape_cast %get3A_865 : vector<16xi32> to vector<16xi32>
      %sub3A_867 = vector.broadcast %mul3A_513 : i32 to vector<16xi32>
      %sub3A_868 = arith.subi %get3A_866, %sub3A_867 : vector<16xi32>
      %ge3A_869 = arith.constant 0 : i32
      %ge3A_870 = vector.broadcast %ge3A_869 : i32 to vector<16xi32>
      %ge3A_871 = arith.cmpi sge, %sub3A_868, %ge3A_870 : vector<16xi32>
      %lt3A_872 = arith.constant 544 : i32
      %lt3A_873 = vector.broadcast %lt3A_872 : i32 to vector<16xi32>
      %lt3A_874 = arith.cmpi slt, %sub3A_868, %lt3A_873 : vector<16xi32>
      %and3A_875 = arith.andi %ge3A_871, %lt3A_874 : vector<16xi1>
      %mul3A_876 = arith.constant 128 : i32
      %mul3A_877 = arith.muli %arg1, %mul3A_876 : i32
      %add3A_878 = arith.constant 1183744 : i32
      %add3A_879 = arith.addi %add3A_878, %mul3A_877 : i32
      %add3A_880 = arith.constant 96 : i32
      %add3A_881 = arith.addi %add3A_879, %add3A_880 : i32
      %add3A_882 = vector.broadcast %add3A_881 : i32 to vector<16xi32>
      %add3A_883 = arith.addi %add3A_882, %iota3A : vector<16xi32>
      %mul3A_884 = arith.constant 2176 : i32
      %mul3A_885 = vector.broadcast %mul3A_884 : i32 to vector<16xi32>
      %mul3A_886 = arith.muli %sub3A_868, %mul3A_885 : vector<16xi32>
      %add3A_887 = arith.addi %mul3A_886, %get3A_863 : vector<16xi32>
      %select_n3A_888 = arith.select %and3A_875, %add3A_887, %add3A_883 : vector<16xi1>, vector<16xi32>
      %swap3A_889 = arith.index_cast %scan3A_639 : i32 to index
      %swap3A_890 = arith.constant 96 : index
      %swap3A_891 = tpu.vector_load %arg8[%swap3A_889, %swap3A_890] {strides = array<i32>} : memref<128x128xi32, #tpu.memory_space<vmem>>, vector<1x16xi32>,
      %swap3A_892 = vector.shape_cast %swap3A_891 : vector<1x16xi32> to vector<16xi32>
      %swap3A_893 = vector.shape_cast %select_n3A_888 : vector<16xi32> to vector<1x16xi32>
      tpu.vector_store %arg8[%swap3A_889, %swap3A_890], %swap3A_893 {strides = array<i32>} : memref<128x128xi32, #tpu.memory_space<vmem>>, vector<1x16xi32>,
      %mul3A_894 = arith.constant 128 : i32
      %mul3A_895 = arith.muli %scan3A_639, %mul3A_894 : i32
      %add3A_896 = arith.constant 112 : i32
      %add3A_897 = arith.addi %mul3A_895, %add3A_896 : i32
      %get3A_898 = arith.index_cast %add3A_897 : i32 to index
      %get3A_899 = tpu.vector_load %arg6[%get3A_898] {strides = array<i32>} : memref<16384xi32, #tpu.memory_space<vmem>>, vector<16xi32>,
      %get3A_900 = vector.shape_cast %get3A_899 : vector<16xi32> to vector<16xi32>
      %get3A_901 = arith.index_cast %add3A_897 : i32 to index
      %get3A_902 = tpu.vector_load %arg7[%get3A_901] {strides = array<i32>} : memref<16384xi32, #tpu.memory_space<vmem>>, vector<16xi32>,
      %get3A_903 = vector.shape_cast %get3A_902 : vector<16xi32> to vector<16xi32>
      %sub3A_904 = vector.broadcast %mul3A_513 : i32 to vector<16xi32>
      %sub3A_905 = arith.subi %get3A_903, %sub3A_904 : vector<16xi32>
      %ge3A_906 = arith.constant 0 : i32
      %ge3A_907 = vector.broadcast %ge3A_906 : i32 to vector<16xi32>
      %ge3A_908 = arith.cmpi sge, %sub3A_905, %ge3A_907 : vector<16xi32>
      %lt3A_909 = arith.constant 544 : i32
      %lt3A_910 = vector.broadcast %lt3A_909 : i32 to vector<16xi32>
      %lt3A_911 = arith.cmpi slt, %sub3A_905, %lt3A_910 : vector<16xi32>
      %and3A_912 = arith.andi %ge3A_908, %lt3A_911 : vector<16xi1>
      %mul3A_913 = arith.constant 128 : i32
      %mul3A_914 = arith.muli %arg1, %mul3A_913 : i32
      %add3A_915 = arith.constant 1183744 : i32
      %add3A_916 = arith.addi %add3A_915, %mul3A_914 : i32
      %add3A_917 = arith.constant 112 : i32
      %add3A_918 = arith.addi %add3A_916, %add3A_917 : i32
      %add3A_919 = vector.broadcast %add3A_918 : i32 to vector<16xi32>
      %add3A_920 = arith.addi %add3A_919, %iota3A : vector<16xi32>
      %mul3A_921 = arith.constant 2176 : i32
      %mul3A_922 = vector.broadcast %mul3A_921 : i32 to vector<16xi32>
      %mul3A_923 = arith.muli %sub3A_905, %mul3A_922 : vector<16xi32>
      %add3A_924 = arith.addi %mul3A_923, %get3A_900 : vector<16xi32>
      %select_n3A_925 = arith.select %and3A_912, %add3A_924, %add3A_920 : vector<16xi1>, vector<16xi32>
      %swap3A_926 = arith.index_cast %scan3A_639 : i32 to index
      %swap3A_927 = arith.constant 112 : index
      %swap3A_928 = tpu.vector_load %arg8[%swap3A_926, %swap3A_927] {strides = array<i32>} : memref<128x128xi32, #tpu.memory_space<vmem>>, vector<1x16xi32>,
      %swap3A_929 = vector.shape_cast %swap3A_928 : vector<1x16xi32> to vector<16xi32>
      %swap3A_930 = vector.shape_cast %select_n3A_925 : vector<16xi32> to vector<1x16xi32>
      tpu.vector_store %arg8[%swap3A_926, %swap3A_927], %swap3A_930 {strides = array<i32>} : memref<128x128xi32, #tpu.memory_space<vmem>>, vector<1x16xi32>,
      %scan3A_931 = arith.constant 0 : i32
      scf.yield %scan3A_931 : i32
    }
    %scan3A_521 = arith.constant 128 : i32
    %scan3A_522 = arith.constant 0 : i32
    %scan3A_523 = arith.constant 0 : i32
    %scan3A_524 = arith.constant 16 : i32
    %scan3A_525 = arith.addi %scan3A_523, %scan3A_524 : i32
    %scan3A_526 = arith.constant 1 : i32
    %scan3A_527 = scf.for %scan3A_639 = %scan3A_523 to %scan3A_525 step %scan3A_526 iter_args(%scan3A_640 = %scan3A_522) -> (i32)  : i32 {
      %mul3A_641 = arith.constant 8 : i32
      %mul3A_642 = arith.muli %scan3A_639, %mul3A_641 : i32
      %add3A_643 = arith.constant 0 : i32
      %add3A_644 = arith.addi %mul3A_642, %add3A_643 : i32
      %dma_start3A = arith.constant 0 : i32
      %dma_start3A_645 = arith.constant 0 : i32
      %dma_start3A_646 = tpu.memref_slice %arg9[%dma_start3A, %dma_start3A_645] : memref<8x128xf32, #tpu.memory_space<vmem>> -> memref<1x128xf32, #tpu.memory_space<vmem>>
      %dma_start3A_647 = tpu.memref_squeeze %dma_start3A_646 : memref<1x128xf32, #tpu.memory_space<vmem>> -> memref<128xf32, #tpu.memory_space<vmem>>
      %dma_start3A_648 = arith.constant 0 : i32
      %dma_start3A_649 = tpu.memref_slice %arg8[%add3A_644, %dma_start3A_648] : memref<128x128xi32, #tpu.memory_space<vmem>> -> memref<1x128xi32, #tpu.memory_space<vmem>>
      %dma_start3A_650 = tpu.memref_squeeze %dma_start3A_649 : memref<1x128xi32, #tpu.memory_space<vmem>> -> memref<128xi32, #tpu.memory_space<vmem>>
      %dma_start3A_651 = arith.constant 0 : i32
      %dma_start3A_652 = tpu.memref_slice %arg11[%dma_start3A_651] : memref<1185792xf32, #tpu.memory_space<vmem_shared>> -> memref<1185792xf32, #tpu.memory_space<vmem_shared>>
      tpu.enqueue_indirect_dma source(%dma_start3A_647 : memref<128xf32, #tpu.memory_space<vmem>>) target(%dma_start3A_652 : memref<1185792xf32, #tpu.memory_space<vmem_shared>>) offsets(%dma_start3A_650 : memref<128xi32, #tpu.memory_space<vmem>>) semaphore(%arg12 : memref<!tpu.dma_semaphore, #tpu.memory_space<semaphore_mem>>) {add = true}
      %mul3A_653 = arith.constant 8 : i32
      %mul3A_654 = arith.muli %scan3A_639, %mul3A_653 : i32
      %add3A_655 = arith.constant 1 : i32
      %add3A_656 = arith.addi %mul3A_654, %add3A_655 : i32
      %dma_start3A_657 = arith.constant 1 : i32
      %dma_start3A_658 = arith.constant 0 : i32
      %dma_start3A_659 = tpu.memref_slice %arg9[%dma_start3A_657, %dma_start3A_658] : memref<8x128xf32, #tpu.memory_space<vmem>> -> memref<1x128xf32, #tpu.memory_space<vmem>>
      %dma_start3A_660 = tpu.memref_squeeze %dma_start3A_659 : memref<1x128xf32, #tpu.memory_space<vmem>> -> memref<128xf32, #tpu.memory_space<vmem>>
      %dma_start3A_661 = arith.constant 0 : i32
      %dma_start3A_662 = tpu.memref_slice %arg8[%add3A_656, %dma_start3A_661] : memref<128x128xi32, #tpu.memory_space<vmem>> -> memref<1x128xi32, #tpu.memory_space<vmem>>
      %dma_start3A_663 = tpu.memref_squeeze %dma_start3A_662 : memref<1x128xi32, #tpu.memory_space<vmem>> -> memref<128xi32, #tpu.memory_space<vmem>>
      %dma_start3A_664 = arith.constant 0 : i32
      %dma_start3A_665 = tpu.memref_slice %arg11[%dma_start3A_664] : memref<1185792xf32, #tpu.memory_space<vmem_shared>> -> memref<1185792xf32, #tpu.memory_space<vmem_shared>>
      tpu.enqueue_indirect_dma source(%dma_start3A_660 : memref<128xf32, #tpu.memory_space<vmem>>) target(%dma_start3A_665 : memref<1185792xf32, #tpu.memory_space<vmem_shared>>) offsets(%dma_start3A_663 : memref<128xi32, #tpu.memory_space<vmem>>) semaphore(%arg12 : memref<!tpu.dma_semaphore, #tpu.memory_space<semaphore_mem>>) {add = true}
      %mul3A_666 = arith.constant 8 : i32
      %mul3A_667 = arith.muli %scan3A_639, %mul3A_666 : i32
      %add3A_668 = arith.constant 2 : i32
      %add3A_669 = arith.addi %mul3A_667, %add3A_668 : i32
      %dma_start3A_670 = arith.constant 2 : i32
      %dma_start3A_671 = arith.constant 0 : i32
      %dma_start3A_672 = tpu.memref_slice %arg9[%dma_start3A_670, %dma_start3A_671] : memref<8x128xf32, #tpu.memory_space<vmem>> -> memref<1x128xf32, #tpu.memory_space<vmem>>
      %dma_start3A_673 = tpu.memref_squeeze %dma_start3A_672 : memref<1x128xf32, #tpu.memory_space<vmem>> -> memref<128xf32, #tpu.memory_space<vmem>>
      %dma_start3A_674 = arith.constant 0 : i32
      %dma_start3A_675 = tpu.memref_slice %arg8[%add3A_669, %dma_start3A_674] : memref<128x128xi32, #tpu.memory_space<vmem>> -> memref<1x128xi32, #tpu.memory_space<vmem>>
      %dma_start3A_676 = tpu.memref_squeeze %dma_start3A_675 : memref<1x128xi32, #tpu.memory_space<vmem>> -> memref<128xi32, #tpu.memory_space<vmem>>
      %dma_start3A_677 = arith.constant 0 : i32
      %dma_start3A_678 = tpu.memref_slice %arg11[%dma_start3A_677] : memref<1185792xf32, #tpu.memory_space<vmem_shared>> -> memref<1185792xf32, #tpu.memory_space<vmem_shared>>
      tpu.enqueue_indirect_dma source(%dma_start3A_673 : memref<128xf32, #tpu.memory_space<vmem>>) target(%dma_start3A_678 : memref<1185792xf32, #tpu.memory_space<vmem_shared>>) offsets(%dma_start3A_676 : memref<128xi32, #tpu.memory_space<vmem>>) semaphore(%arg12 : memref<!tpu.dma_semaphore, #tpu.memory_space<semaphore_mem>>) {add = true}
      %mul3A_679 = arith.constant 8 : i32
      %mul3A_680 = arith.muli %scan3A_639, %mul3A_679 : i32
      %add3A_681 = arith.constant 3 : i32
      %add3A_682 = arith.addi %mul3A_680, %add3A_681 : i32
      %dma_start3A_683 = arith.constant 3 : i32
      %dma_start3A_684 = arith.constant 0 : i32
      %dma_start3A_685 = tpu.memref_slice %arg9[%dma_start3A_683, %dma_start3A_684] : memref<8x128xf32, #tpu.memory_space<vmem>> -> memref<1x128xf32, #tpu.memory_space<vmem>>
      %dma_start3A_686 = tpu.memref_squeeze %dma_start3A_685 : memref<1x128xf32, #tpu.memory_space<vmem>> -> memref<128xf32, #tpu.memory_space<vmem>>
      %dma_start3A_687 = arith.constant 0 : i32
      %dma_start3A_688 = tpu.memref_slice %arg8[%add3A_682, %dma_start3A_687] : memref<128x128xi32, #tpu.memory_space<vmem>> -> memref<1x128xi32, #tpu.memory_space<vmem>>
      %dma_start3A_689 = tpu.memref_squeeze %dma_start3A_688 : memref<1x128xi32, #tpu.memory_space<vmem>> -> memref<128xi32, #tpu.memory_space<vmem>>
      %dma_start3A_690 = arith.constant 0 : i32
      %dma_start3A_691 = tpu.memref_slice %arg11[%dma_start3A_690] : memref<1185792xf32, #tpu.memory_space<vmem_shared>> -> memref<1185792xf32, #tpu.memory_space<vmem_shared>>
      tpu.enqueue_indirect_dma source(%dma_start3A_686 : memref<128xf32, #tpu.memory_space<vmem>>) target(%dma_start3A_691 : memref<1185792xf32, #tpu.memory_space<vmem_shared>>) offsets(%dma_start3A_689 : memref<128xi32, #tpu.memory_space<vmem>>) semaphore(%arg12 : memref<!tpu.dma_semaphore, #tpu.memory_space<semaphore_mem>>) {add = true}
      %mul3A_692 = arith.constant 8 : i32
      %mul3A_693 = arith.muli %scan3A_639, %mul3A_692 : i32
      %add3A_694 = arith.constant 4 : i32
      %add3A_695 = arith.addi %mul3A_693, %add3A_694 : i32
      %dma_start3A_696 = arith.constant 4 : i32
      %dma_start3A_697 = arith.constant 0 : i32
      %dma_start3A_698 = tpu.memref_slice %arg9[%dma_start3A_696, %dma_start3A_697] : memref<8x128xf32, #tpu.memory_space<vmem>> -> memref<1x128xf32, #tpu.memory_space<vmem>>
      %dma_start3A_699 = tpu.memref_squeeze %dma_start3A_698 : memref<1x128xf32, #tpu.memory_space<vmem>> -> memref<128xf32, #tpu.memory_space<vmem>>
      %dma_start3A_700 = arith.constant 0 : i32
      %dma_start3A_701 = tpu.memref_slice %arg8[%add3A_695, %dma_start3A_700] : memref<128x128xi32, #tpu.memory_space<vmem>> -> memref<1x128xi32, #tpu.memory_space<vmem>>
      %dma_start3A_702 = tpu.memref_squeeze %dma_start3A_701 : memref<1x128xi32, #tpu.memory_space<vmem>> -> memref<128xi32, #tpu.memory_space<vmem>>
      %dma_start3A_703 = arith.constant 0 : i32
      %dma_start3A_704 = tpu.memref_slice %arg11[%dma_start3A_703] : memref<1185792xf32, #tpu.memory_space<vmem_shared>> -> memref<1185792xf32, #tpu.memory_space<vmem_shared>>
      tpu.enqueue_indirect_dma source(%dma_start3A_699 : memref<128xf32, #tpu.memory_space<vmem>>) target(%dma_start3A_704 : memref<1185792xf32, #tpu.memory_space<vmem_shared>>) offsets(%dma_start3A_702 : memref<128xi32, #tpu.memory_space<vmem>>) semaphore(%arg12 : memref<!tpu.dma_semaphore, #tpu.memory_space<semaphore_mem>>) {add = true}
      %mul3A_705 = arith.constant 8 : i32
      %mul3A_706 = arith.muli %scan3A_639, %mul3A_705 : i32
      %add3A_707 = arith.constant 5 : i32
      %add3A_708 = arith.addi %mul3A_706, %add3A_707 : i32
      %dma_start3A_709 = arith.constant 5 : i32
      %dma_start3A_710 = arith.constant 0 : i32
      %dma_start3A_711 = tpu.memref_slice %arg9[%dma_start3A_709, %dma_start3A_710] : memref<8x128xf32, #tpu.memory_space<vmem>> -> memref<1x128xf32, #tpu.memory_space<vmem>>
      %dma_start3A_712 = tpu.memref_squeeze %dma_start3A_711 : memref<1x128xf32, #tpu.memory_space<vmem>> -> memref<128xf32, #tpu.memory_space<vmem>>
      %dma_start3A_713 = arith.constant 0 : i32
      %dma_start3A_714 = tpu.memref_slice %arg8[%add3A_708, %dma_start3A_713] : memref<128x128xi32, #tpu.memory_space<vmem>> -> memref<1x128xi32, #tpu.memory_space<vmem>>
      %dma_start3A_715 = tpu.memref_squeeze %dma_start3A_714 : memref<1x128xi32, #tpu.memory_space<vmem>> -> memref<128xi32, #tpu.memory_space<vmem>>
      %dma_start3A_716 = arith.constant 0 : i32
      %dma_start3A_717 = tpu.memref_slice %arg11[%dma_start3A_716] : memref<1185792xf32, #tpu.memory_space<vmem_shared>> -> memref<1185792xf32, #tpu.memory_space<vmem_shared>>
      tpu.enqueue_indirect_dma source(%dma_start3A_712 : memref<128xf32, #tpu.memory_space<vmem>>) target(%dma_start3A_717 : memref<1185792xf32, #tpu.memory_space<vmem_shared>>) offsets(%dma_start3A_715 : memref<128xi32, #tpu.memory_space<vmem>>) semaphore(%arg12 : memref<!tpu.dma_semaphore, #tpu.memory_space<semaphore_mem>>) {add = true}
      %mul3A_718 = arith.constant 8 : i32
      %mul3A_719 = arith.muli %scan3A_639, %mul3A_718 : i32
      %add3A_720 = arith.constant 6 : i32
      %add3A_721 = arith.addi %mul3A_719, %add3A_720 : i32
      %dma_start3A_722 = arith.constant 6 : i32
      %dma_start3A_723 = arith.constant 0 : i32
      %dma_start3A_724 = tpu.memref_slice %arg9[%dma_start3A_722, %dma_start3A_723] : memref<8x128xf32, #tpu.memory_space<vmem>> -> memref<1x128xf32, #tpu.memory_space<vmem>>
      %dma_start3A_725 = tpu.memref_squeeze %dma_start3A_724 : memref<1x128xf32, #tpu.memory_space<vmem>> -> memref<128xf32, #tpu.memory_space<vmem>>
      %dma_start3A_726 = arith.constant 0 : i32
      %dma_start3A_727 = tpu.memref_slice %arg8[%add3A_721, %dma_start3A_726] : memref<128x128xi32, #tpu.memory_space<vmem>> -> memref<1x128xi32, #tpu.memory_space<vmem>>
      %dma_start3A_728 = tpu.memref_squeeze %dma_start3A_727 : memref<1x128xi32, #tpu.memory_space<vmem>> -> memref<128xi32, #tpu.memory_space<vmem>>
      %dma_start3A_729 = arith.constant 0 : i32
      %dma_start3A_730 = tpu.memref_slice %arg11[%dma_start3A_729] : memref<1185792xf32, #tpu.memory_space<vmem_shared>> -> memref<1185792xf32, #tpu.memory_space<vmem_shared>>
      tpu.enqueue_indirect_dma source(%dma_start3A_725 : memref<128xf32, #tpu.memory_space<vmem>>) target(%dma_start3A_730 : memref<1185792xf32, #tpu.memory_space<vmem_shared>>) offsets(%dma_start3A_728 : memref<128xi32, #tpu.memory_space<vmem>>) semaphore(%arg12 : memref<!tpu.dma_semaphore, #tpu.memory_space<semaphore_mem>>) {add = true}
      %mul3A_731 = arith.constant 8 : i32
      %mul3A_732 = arith.muli %scan3A_639, %mul3A_731 : i32
      %add3A_733 = arith.constant 7 : i32
      %add3A_734 = arith.addi %mul3A_732, %add3A_733 : i32
      %dma_start3A_735 = arith.constant 7 : i32
      %dma_start3A_736 = arith.constant 0 : i32
      %dma_start3A_737 = tpu.memref_slice %arg9[%dma_start3A_735, %dma_start3A_736] : memref<8x128xf32, #tpu.memory_space<vmem>> -> memref<1x128xf32, #tpu.memory_space<vmem>>
      %dma_start3A_738 = tpu.memref_squeeze %dma_start3A_737 : memref<1x128xf32, #tpu.memory_space<vmem>> -> memref<128xf32, #tpu.memory_space<vmem>>
      %dma_start3A_739 = arith.constant 0 : i32
      %dma_start3A_740 = tpu.memref_slice %arg8[%add3A_734, %dma_start3A_739] : memref<128x128xi32, #tpu.memory_space<vmem>> -> memref<1x128xi32, #tpu.memory_space<vmem>>
      %dma_start3A_741 = tpu.memref_squeeze %dma_start3A_740 : memref<1x128xi32, #tpu.memory_space<vmem>> -> memref<128xi32, #tpu.memory_space<vmem>>
      %dma_start3A_742 = arith.constant 0 : i32
      %dma_start3A_743 = tpu.memref_slice %arg11[%dma_start3A_742] : memref<1185792xf32, #tpu.memory_space<vmem_shared>> -> memref<1185792xf32, #tpu.memory_space<vmem_shared>>
      tpu.enqueue_indirect_dma source(%dma_start3A_738 : memref<128xf32, #tpu.memory_space<vmem>>) target(%dma_start3A_743 : memref<1185792xf32, #tpu.memory_space<vmem_shared>>) offsets(%dma_start3A_741 : memref<128xi32, #tpu.memory_space<vmem>>) semaphore(%arg12 : memref<!tpu.dma_semaphore, #tpu.memory_space<semaphore_mem>>) {add = true}
      %dma_wait3A = arith.constant 0 : i32
      %dma_wait3A_744 = arith.constant 0 : i32
      %dma_wait3A_745 = tpu.memref_slice %arg9[%dma_wait3A, %dma_wait3A_744] : memref<8x128xf32, #tpu.memory_space<vmem>> -> memref<1x128xf32, #tpu.memory_space<vmem>>
      %dma_wait3A_746 = tpu.memref_squeeze %dma_wait3A_745 : memref<1x128xf32, #tpu.memory_space<vmem>> -> memref<128xf32, #tpu.memory_space<vmem>>
      %dma_wait3A_747 = arith.constant 0 : i32
      %dma_wait3A_748 = tpu.memref_slice %arg8[%add3A_644, %dma_wait3A_747] : memref<128x128xi32, #tpu.memory_space<vmem>> -> memref<1x128xi32, #tpu.memory_space<vmem>>
      %dma_wait3A_749 = tpu.memref_squeeze %dma_wait3A_748 : memref<1x128xi32, #tpu.memory_space<vmem>> -> memref<128xi32, #tpu.memory_space<vmem>>
      %dma_wait3A_750 = arith.constant 0 : i32
      %dma_wait3A_751 = tpu.memref_slice %arg11[%dma_wait3A_750] : memref<1185792xf32, #tpu.memory_space<vmem_shared>> -> memref<1185792xf32, #tpu.memory_space<vmem_shared>>
      tpu.wait_indirect_dma semaphore(%arg12 : memref<!tpu.dma_semaphore, #tpu.memory_space<semaphore_mem>>) src(%dma_wait3A_746 : memref<128xf32, #tpu.memory_space<vmem>>) dst(%dma_wait3A_751 : memref<1185792xf32, #tpu.memory_space<vmem_shared>>)
      %dma_wait3A_752 = arith.constant 1 : i32
      %dma_wait3A_753 = arith.constant 0 : i32
      %dma_wait3A_754 = tpu.memref_slice %arg9[%dma_wait3A_752, %dma_wait3A_753] : memref<8x128xf32, #tpu.memory_space<vmem>> -> memref<1x128xf32, #tpu.memory_space<vmem>>
      %dma_wait3A_755 = tpu.memref_squeeze %dma_wait3A_754 : memref<1x128xf32, #tpu.memory_space<vmem>> -> memref<128xf32, #tpu.memory_space<vmem>>
      %dma_wait3A_756 = arith.constant 0 : i32
      %dma_wait3A_757 = tpu.memref_slice %arg8[%add3A_656, %dma_wait3A_756] : memref<128x128xi32, #tpu.memory_space<vmem>> -> memref<1x128xi32, #tpu.memory_space<vmem>>
      %dma_wait3A_758 = tpu.memref_squeeze %dma_wait3A_757 : memref<1x128xi32, #tpu.memory_space<vmem>> -> memref<128xi32, #tpu.memory_space<vmem>>
      %dma_wait3A_759 = arith.constant 0 : i32
      %dma_wait3A_760 = tpu.memref_slice %arg11[%dma_wait3A_759] : memref<1185792xf32, #tpu.memory_space<vmem_shared>> -> memref<1185792xf32, #tpu.memory_space<vmem_shared>>
      tpu.wait_indirect_dma semaphore(%arg12 : memref<!tpu.dma_semaphore, #tpu.memory_space<semaphore_mem>>) src(%dma_wait3A_755 : memref<128xf32, #tpu.memory_space<vmem>>) dst(%dma_wait3A_760 : memref<1185792xf32, #tpu.memory_space<vmem_shared>>)
      %dma_wait3A_761 = arith.constant 2 : i32
      %dma_wait3A_762 = arith.constant 0 : i32
      %dma_wait3A_763 = tpu.memref_slice %arg9[%dma_wait3A_761, %dma_wait3A_762] : memref<8x128xf32, #tpu.memory_space<vmem>> -> memref<1x128xf32, #tpu.memory_space<vmem>>
      %dma_wait3A_764 = tpu.memref_squeeze %dma_wait3A_763 : memref<1x128xf32, #tpu.memory_space<vmem>> -> memref<128xf32, #tpu.memory_space<vmem>>
      %dma_wait3A_765 = arith.constant 0 : i32
      %dma_wait3A_766 = tpu.memref_slice %arg8[%add3A_669, %dma_wait3A_765] : memref<128x128xi32, #tpu.memory_space<vmem>> -> memref<1x128xi32, #tpu.memory_space<vmem>>
      %dma_wait3A_767 = tpu.memref_squeeze %dma_wait3A_766 : memref<1x128xi32, #tpu.memory_space<vmem>> -> memref<128xi32, #tpu.memory_space<vmem>>
      %dma_wait3A_768 = arith.constant 0 : i32
      %dma_wait3A_769 = tpu.memref_slice %arg11[%dma_wait3A_768] : memref<1185792xf32, #tpu.memory_space<vmem_shared>> -> memref<1185792xf32, #tpu.memory_space<vmem_shared>>
      tpu.wait_indirect_dma semaphore(%arg12 : memref<!tpu.dma_semaphore, #tpu.memory_space<semaphore_mem>>) src(%dma_wait3A_764 : memref<128xf32, #tpu.memory_space<vmem>>) dst(%dma_wait3A_769 : memref<1185792xf32, #tpu.memory_space<vmem_shared>>)
      %dma_wait3A_770 = arith.constant 3 : i32
      %dma_wait3A_771 = arith.constant 0 : i32
      %dma_wait3A_772 = tpu.memref_slice %arg9[%dma_wait3A_770, %dma_wait3A_771] : memref<8x128xf32, #tpu.memory_space<vmem>> -> memref<1x128xf32, #tpu.memory_space<vmem>>
      %dma_wait3A_773 = tpu.memref_squeeze %dma_wait3A_772 : memref<1x128xf32, #tpu.memory_space<vmem>> -> memref<128xf32, #tpu.memory_space<vmem>>
      %dma_wait3A_774 = arith.constant 0 : i32
      %dma_wait3A_775 = tpu.memref_slice %arg8[%add3A_682, %dma_wait3A_774] : memref<128x128xi32, #tpu.memory_space<vmem>> -> memref<1x128xi32, #tpu.memory_space<vmem>>
      %dma_wait3A_776 = tpu.memref_squeeze %dma_wait3A_775 : memref<1x128xi32, #tpu.memory_space<vmem>> -> memref<128xi32, #tpu.memory_space<vmem>>
      %dma_wait3A_777 = arith.constant 0 : i32
      %dma_wait3A_778 = tpu.memref_slice %arg11[%dma_wait3A_777] : memref<1185792xf32, #tpu.memory_space<vmem_shared>> -> memref<1185792xf32, #tpu.memory_space<vmem_shared>>
      tpu.wait_indirect_dma semaphore(%arg12 : memref<!tpu.dma_semaphore, #tpu.memory_space<semaphore_mem>>) src(%dma_wait3A_773 : memref<128xf32, #tpu.memory_space<vmem>>) dst(%dma_wait3A_778 : memref<1185792xf32, #tpu.memory_space<vmem_shared>>)
      %dma_wait3A_779 = arith.constant 4 : i32
      %dma_wait3A_780 = arith.constant 0 : i32
      %dma_wait3A_781 = tpu.memref_slice %arg9[%dma_wait3A_779, %dma_wait3A_780] : memref<8x128xf32, #tpu.memory_space<vmem>> -> memref<1x128xf32, #tpu.memory_space<vmem>>
      %dma_wait3A_782 = tpu.memref_squeeze %dma_wait3A_781 : memref<1x128xf32, #tpu.memory_space<vmem>> -> memref<128xf32, #tpu.memory_space<vmem>>
      %dma_wait3A_783 = arith.constant 0 : i32
      %dma_wait3A_784 = tpu.memref_slice %arg8[%add3A_695, %dma_wait3A_783] : memref<128x128xi32, #tpu.memory_space<vmem>> -> memref<1x128xi32, #tpu.memory_space<vmem>>
      %dma_wait3A_785 = tpu.memref_squeeze %dma_wait3A_784 : memref<1x128xi32, #tpu.memory_space<vmem>> -> memref<128xi32, #tpu.memory_space<vmem>>
      %dma_wait3A_786 = arith.constant 0 : i32
      %dma_wait3A_787 = tpu.memref_slice %arg11[%dma_wait3A_786] : memref<1185792xf32, #tpu.memory_space<vmem_shared>> -> memref<1185792xf32, #tpu.memory_space<vmem_shared>>
      tpu.wait_indirect_dma semaphore(%arg12 : memref<!tpu.dma_semaphore, #tpu.memory_space<semaphore_mem>>) src(%dma_wait3A_782 : memref<128xf32, #tpu.memory_space<vmem>>) dst(%dma_wait3A_787 : memref<1185792xf32, #tpu.memory_space<vmem_shared>>)
      %dma_wait3A_788 = arith.constant 5 : i32
      %dma_wait3A_789 = arith.constant 0 : i32
      %dma_wait3A_790 = tpu.memref_slice %arg9[%dma_wait3A_788, %dma_wait3A_789] : memref<8x128xf32, #tpu.memory_space<vmem>> -> memref<1x128xf32, #tpu.memory_space<vmem>>
      %dma_wait3A_791 = tpu.memref_squeeze %dma_wait3A_790 : memref<1x128xf32, #tpu.memory_space<vmem>> -> memref<128xf32, #tpu.memory_space<vmem>>
      %dma_wait3A_792 = arith.constant 0 : i32
      %dma_wait3A_793 = tpu.memref_slice %arg8[%add3A_708, %dma_wait3A_792] : memref<128x128xi32, #tpu.memory_space<vmem>> -> memref<1x128xi32, #tpu.memory_space<vmem>>
      %dma_wait3A_794 = tpu.memref_squeeze %dma_wait3A_793 : memref<1x128xi32, #tpu.memory_space<vmem>> -> memref<128xi32, #tpu.memory_space<vmem>>
      %dma_wait3A_795 = arith.constant 0 : i32
      %dma_wait3A_796 = tpu.memref_slice %arg11[%dma_wait3A_795] : memref<1185792xf32, #tpu.memory_space<vmem_shared>> -> memref<1185792xf32, #tpu.memory_space<vmem_shared>>
      tpu.wait_indirect_dma semaphore(%arg12 : memref<!tpu.dma_semaphore, #tpu.memory_space<semaphore_mem>>) src(%dma_wait3A_791 : memref<128xf32, #tpu.memory_space<vmem>>) dst(%dma_wait3A_796 : memref<1185792xf32, #tpu.memory_space<vmem_shared>>)
      %dma_wait3A_797 = arith.constant 6 : i32
      %dma_wait3A_798 = arith.constant 0 : i32
      %dma_wait3A_799 = tpu.memref_slice %arg9[%dma_wait3A_797, %dma_wait3A_798] : memref<8x128xf32, #tpu.memory_space<vmem>> -> memref<1x128xf32, #tpu.memory_space<vmem>>
      %dma_wait3A_800 = tpu.memref_squeeze %dma_wait3A_799 : memref<1x128xf32, #tpu.memory_space<vmem>> -> memref<128xf32, #tpu.memory_space<vmem>>
      %dma_wait3A_801 = arith.constant 0 : i32
      %dma_wait3A_802 = tpu.memref_slice %arg8[%add3A_721, %dma_wait3A_801] : memref<128x128xi32, #tpu.memory_space<vmem>> -> memref<1x128xi32, #tpu.memory_space<vmem>>
      %dma_wait3A_803 = tpu.memref_squeeze %dma_wait3A_802 : memref<1x128xi32, #tpu.memory_space<vmem>> -> memref<128xi32, #tpu.memory_space<vmem>>
      %dma_wait3A_804 = arith.constant 0 : i32
      %dma_wait3A_805 = tpu.memref_slice %arg11[%dma_wait3A_804] : memref<1185792xf32, #tpu.memory_space<vmem_shared>> -> memref<1185792xf32, #tpu.memory_space<vmem_shared>>
      tpu.wait_indirect_dma semaphore(%arg12 : memref<!tpu.dma_semaphore, #tpu.memory_space<semaphore_mem>>) src(%dma_wait3A_800 : memref<128xf32, #tpu.memory_space<vmem>>) dst(%dma_wait3A_805 : memref<1185792xf32, #tpu.memory_space<vmem_shared>>)
      %dma_wait3A_806 = arith.constant 7 : i32
      %dma_wait3A_807 = arith.constant 0 : i32
      %dma_wait3A_808 = tpu.memref_slice %arg9[%dma_wait3A_806, %dma_wait3A_807] : memref<8x128xf32, #tpu.memory_space<vmem>> -> memref<1x128xf32, #tpu.memory_space<vmem>>
      %dma_wait3A_809 = tpu.memref_squeeze %dma_wait3A_808 : memref<1x128xf32, #tpu.memory_space<vmem>> -> memref<128xf32, #tpu.memory_space<vmem>>
      %dma_wait3A_810 = arith.constant 0 : i32
      %dma_wait3A_811 = tpu.memref_slice %arg8[%add3A_734, %dma_wait3A_810] : memref<128x128xi32, #tpu.memory_space<vmem>> -> memref<1x128xi32, #tpu.memory_space<vmem>>
      %dma_wait3A_812 = tpu.memref_squeeze %dma_wait3A_811 : memref<1x128xi32, #tpu.memory_space<vmem>> -> memref<128xi32, #tpu.memory_space<vmem>>
      %dma_wait3A_813 = arith.constant 0 : i32
      %dma_wait3A_814 = tpu.memref_slice %arg11[%dma_wait3A_813] : memref<1185792xf32, #tpu.memory_space<vmem_shared>> -> memref<1185792xf32, #tpu.memory_space<vmem_shared>>
      tpu.wait_indirect_dma semaphore(%arg12 : memref<!tpu.dma_semaphore, #tpu.memory_space<semaphore_mem>>) src(%dma_wait3A_809 : memref<128xf32, #tpu.memory_space<vmem>>) dst(%dma_wait3A_814 : memref<1185792xf32, #tpu.memory_space<vmem_shared>>)
      %scan3A_815 = arith.constant 0 : i32
      scf.yield %scan3A_815 : i32
    }
    %scan3A_528 = arith.constant 16 : i32
    %run_scoped3A = arith.constant 124 : i32
    "tpu.region"() ({
      %run_scoped3A_639 = tpu.sem_alloc : memref<!tpu.dma_semaphore, #tpu.memory_space<semaphore_mem>>
      %dma_start3A = arith.constant 0 : i32
      %dma_start3A_640 = tpu.memref_slice %arg8[%run_scoped3A, %dma_start3A] : memref<128x128xi32, #tpu.memory_space<vmem>> -> memref<1x128xi32, #tpu.memory_space<vmem>>
      %dma_start3A_641 = tpu.memref_squeeze %dma_start3A_640 : memref<1x128xi32, #tpu.memory_space<vmem>> -> memref<128xi32, #tpu.memory_space<vmem>>
      %dma_start3A_642 = arith.constant 0 : i32
      %dma_start3A_643 = tpu.memref_slice %arg11[%dma_start3A_642] : memref<1185792xf32, #tpu.memory_space<vmem_shared>> -> memref<1185792xf32, #tpu.memory_space<vmem_shared>>
      tpu.enqueue_indirect_dma source(%dma_start3A_643 : memref<1185792xf32, #tpu.memory_space<vmem_shared>>) target(%arg10 : memref<128xf32, #tpu.memory_space<vmem>>) offsets(%dma_start3A_641 : memref<128xi32, #tpu.memory_space<vmem>>) semaphore(%run_scoped3A_639 : memref<!tpu.dma_semaphore, #tpu.memory_space<semaphore_mem>>)
      %dma_wait3A = arith.constant 0 : i32
      %dma_wait3A_644 = tpu.memref_slice %arg8[%run_scoped3A, %dma_wait3A] : memref<128x128xi32, #tpu.memory_space<vmem>> -> memref<1x128xi32, #tpu.memory_space<vmem>>
      %dma_wait3A_645 = tpu.memref_squeeze %dma_wait3A_644 : memref<1x128xi32, #tpu.memory_space<vmem>> -> memref<128xi32, #tpu.memory_space<vmem>>
      %dma_wait3A_646 = arith.constant 0 : i32
      %dma_wait3A_647 = tpu.memref_slice %arg11[%dma_wait3A_646] : memref<1185792xf32, #tpu.memory_space<vmem_shared>> -> memref<1185792xf32, #tpu.memory_space<vmem_shared>>
      tpu.wait_indirect_dma semaphore(%run_scoped3A_639 : memref<!tpu.dma_semaphore, #tpu.memory_space<semaphore_mem>>) src(%dma_wait3A_647 : memref<1185792xf32, #tpu.memory_space<vmem_shared>>) dst(%arg10 : memref<128xf32, #tpu.memory_space<vmem>>)
      tpu.yield
    }) : () -> ()
    %run_scoped3A_529 = arith.constant 125 : i32
    "tpu.region"() ({
      %run_scoped3A_639 = tpu.sem_alloc : memref<!tpu.dma_semaphore, #tpu.memory_space<semaphore_mem>>
      %dma_start3A = arith.constant 0 : i32
      %dma_start3A_640 = tpu.memref_slice %arg8[%run_scoped3A_529, %dma_start3A] : memref<128x128xi32, #tpu.memory_space<vmem>> -> memref<1x128xi32, #tpu.memory_space<vmem>>
      %dma_start3A_641 = tpu.memref_squeeze %dma_start3A_640 : memref<1x128xi32, #tpu.memory_space<vmem>> -> memref<128xi32, #tpu.memory_space<vmem>>
      %dma_start3A_642 = arith.constant 0 : i32
      %dma_start3A_643 = tpu.memref_slice %arg11[%dma_start3A_642] : memref<1185792xf32, #tpu.memory_space<vmem_shared>> -> memref<1185792xf32, #tpu.memory_space<vmem_shared>>
      tpu.enqueue_indirect_dma source(%dma_start3A_643 : memref<1185792xf32, #tpu.memory_space<vmem_shared>>) target(%arg10 : memref<128xf32, #tpu.memory_space<vmem>>) offsets(%dma_start3A_641 : memref<128xi32, #tpu.memory_space<vmem>>) semaphore(%run_scoped3A_639 : memref<!tpu.dma_semaphore, #tpu.memory_space<semaphore_mem>>)
      %dma_wait3A = arith.constant 0 : i32
      %dma_wait3A_644 = tpu.memref_slice %arg8[%run_scoped3A_529, %dma_wait3A] : memref<128x128xi32, #tpu.memory_space<vmem>> -> memref<1x128xi32, #tpu.memory_space<vmem>>
      %dma_wait3A_645 = tpu.memref_squeeze %dma_wait3A_644 : memref<1x128xi32, #tpu.memory_space<vmem>> -> memref<128xi32, #tpu.memory_space<vmem>>
      %dma_wait3A_646 = arith.constant 0 : i32
      %dma_wait3A_647 = tpu.memref_slice %arg11[%dma_wait3A_646] : memref<1185792xf32, #tpu.memory_space<vmem_shared>> -> memref<1185792xf32, #tpu.memory_space<vmem_shared>>
      tpu.wait_indirect_dma semaphore(%run_scoped3A_639 : memref<!tpu.dma_semaphore, #tpu.memory_space<semaphore_mem>>) src(%dma_wait3A_647 : memref<1185792xf32, #tpu.memory_space<vmem_shared>>) dst(%arg10 : memref<128xf32, #tpu.memory_space<vmem>>)
      tpu.yield
    }) : () -> ()
    %run_scoped3A_530 = arith.constant 126 : i32
    "tpu.region"() ({
      %run_scoped3A_639 = tpu.sem_alloc : memref<!tpu.dma_semaphore, #tpu.memory_space<semaphore_mem>>
      %dma_start3A = arith.constant 0 : i32
      %dma_start3A_640 = tpu.memref_slice %arg8[%run_scoped3A_530, %dma_start3A] : memref<128x128xi32, #tpu.memory_space<vmem>> -> memref<1x128xi32, #tpu.memory_space<vmem>>
      %dma_start3A_641 = tpu.memref_squeeze %dma_start3A_640 : memref<1x128xi32, #tpu.memory_space<vmem>> -> memref<128xi32, #tpu.memory_space<vmem>>
      %dma_start3A_642 = arith.constant 0 : i32
      %dma_start3A_643 = tpu.memref_slice %arg11[%dma_start3A_642] : memref<1185792xf32, #tpu.memory_space<vmem_shared>> -> memref<1185792xf32, #tpu.memory_space<vmem_shared>>
      tpu.enqueue_indirect_dma source(%dma_start3A_643 : memref<1185792xf32, #tpu.memory_space<vmem_shared>>) target(%arg10 : memref<128xf32, #tpu.memory_space<vmem>>) offsets(%dma_start3A_641 : memref<128xi32, #tpu.memory_space<vmem>>) semaphore(%run_scoped3A_639 : memref<!tpu.dma_semaphore, #tpu.memory_space<semaphore_mem>>)
      %dma_wait3A = arith.constant 0 : i32
      %dma_wait3A_644 = tpu.memref_slice %arg8[%run_scoped3A_530, %dma_wait3A] : memref<128x128xi32, #tpu.memory_space<vmem>> -> memref<1x128xi32, #tpu.memory_space<vmem>>
      %dma_wait3A_645 = tpu.memref_squeeze %dma_wait3A_644 : memref<1x128xi32, #tpu.memory_space<vmem>> -> memref<128xi32, #tpu.memory_space<vmem>>
      %dma_wait3A_646 = arith.constant 0 : i32
      %dma_wait3A_647 = tpu.memref_slice %arg11[%dma_wait3A_646] : memref<1185792xf32, #tpu.memory_space<vmem_shared>> -> memref<1185792xf32, #tpu.memory_space<vmem_shared>>
      tpu.wait_indirect_dma semaphore(%run_scoped3A_639 : memref<!tpu.dma_semaphore, #tpu.memory_space<semaphore_mem>>) src(%dma_wait3A_647 : memref<1185792xf32, #tpu.memory_space<vmem_shared>>) dst(%arg10 : memref<128xf32, #tpu.memory_space<vmem>>)
      tpu.yield
    }) : () -> ()
    %run_scoped3A_531 = arith.constant 127 : i32
    "tpu.region"() ({
      %run_scoped3A_639 = tpu.sem_alloc : memref<!tpu.dma_semaphore, #tpu.memory_space<semaphore_mem>>
      %dma_start3A = arith.constant 0 : i32
      %dma_start3A_640 = tpu.memref_slice %arg8[%run_scoped3A_531, %dma_start3A] : memref<128x128xi32, #tpu.memory_space<vmem>> -> memref<1x128xi32, #tpu.memory_space<vmem>>
      %dma_start3A_641 = tpu.memref_squeeze %dma_start3A_640 : memref<1x128xi32, #tpu.memory_space<vmem>> -> memref<128xi32, #tpu.memory_space<vmem>>
      %dma_start3A_642 = arith.constant 0 : i32
      %dma_start3A_643 = tpu.memref_slice %arg11[%dma_start3A_642] : memref<1185792xf32, #tpu.memory_space<vmem_shared>> -> memref<1185792xf32, #tpu.memory_space<vmem_shared>>
      tpu.enqueue_indirect_dma source(%dma_start3A_643 : memref<1185792xf32, #tpu.memory_space<vmem_shared>>) target(%arg10 : memref<128xf32, #tpu.memory_space<vmem>>) offsets(%dma_start3A_641 : memref<128xi32, #tpu.memory_space<vmem>>) semaphore(%run_scoped3A_639 : memref<!tpu.dma_semaphore, #tpu.memory_space<semaphore_mem>>)
      %dma_wait3A = arith.constant 0 : i32
      %dma_wait3A_644 = tpu.memref_slice %arg8[%run_scoped3A_531, %dma_wait3A] : memref<128x128xi32, #tpu.memory_space<vmem>> -> memref<1x128xi32, #tpu.memory_space<vmem>>
      %dma_wait3A_645 = tpu.memref_squeeze %dma_wait3A_644 : memref<1x128xi32, #tpu.memory_space<vmem>> -> memref<128xi32, #tpu.memory_space<vmem>>
      %dma_wait3A_646 = arith.constant 0 : i32
      %dma_wait3A_647 = tpu.memref_slice %arg11[%dma_wait3A_646] : memref<1185792xf32, #tpu.memory_space<vmem_shared>> -> memref<1185792xf32, #tpu.memory_space<vmem_shared>>
      tpu.wait_indirect_dma semaphore(%run_scoped3A_639 : memref<!tpu.dma_semaphore, #tpu.memory_space<semaphore_mem>>) src(%dma_wait3A_647 : memref<1185792xf32, #tpu.memory_space<vmem_shared>>) dst(%arg10 : memref<128xf32, #tpu.memory_space<vmem>>)
      tpu.yield
    }) : () -> ()
    %barrier3A_532 = arith.constant 0 : index
    tpu.barrier barrier_id(%barrier3A_532)
    %delay3A = arith.constant 2000 : i32
    tpu.delay %delay3A
    %mul3A_533 = arith.constant 73984 : i32
    %mul3A_534 = arith.muli %arg1, %mul3A_533 : i32
    %add3A_535 = arith.constant 0 : i32
    %add3A_536 = arith.addi %mul3A_534, %add3A_535 : i32
    %mul3A_537 = arith.constant 1183744 : i32
    %mul3A_538 = arith.muli %add3A_511, %mul3A_537 : i32
    %add3A_539 = arith.addi %mul3A_538, %mul3A_534 : i32
    %add3A_540 = arith.constant 0 : i32
    %add3A_541 = arith.addi %add3A_539, %add3A_540 : i32
    "tpu.region"() ({
      %run_scoped3A_639 = tpu.sem_alloc : memref<!tpu.dma_semaphore, #tpu.memory_space<semaphore_mem>>
      %dma_start3A = tpu.memref_slice %arg5[%add3A_541] : memref<4734976xf32, #tpu.memory_space<hbm>> -> memref<16384xf32, #tpu.memory_space<hbm>>
      %dma_start3A_640 = tpu.memref_slice %arg11[%add3A_536] : memref<1185792xf32, #tpu.memory_space<vmem_shared>> -> memref<16384xf32, #tpu.memory_space<vmem_shared>>
      tpu.enqueue_dma source(%dma_start3A_640 : memref<16384xf32, #tpu.memory_space<vmem_shared>>) target(%dma_start3A : memref<16384xf32, #tpu.memory_space<hbm>>) target_semaphore(%run_scoped3A_639 : memref<!tpu.dma_semaphore, #tpu.memory_space<semaphore_mem>>)
      %dma_wait3A = tpu.memref_slice %arg5[%add3A_541] : memref<4734976xf32, #tpu.memory_space<hbm>> -> memref<16384xf32, #tpu.memory_space<hbm>>
      %dma_wait3A_641 = tpu.memref_slice %arg11[%add3A_536] : memref<1185792xf32, #tpu.memory_space<vmem_shared>> -> memref<16384xf32, #tpu.memory_space<vmem_shared>>
      tpu.wait_dma2 semaphore(%run_scoped3A_639 : memref<!tpu.dma_semaphore, #tpu.memory_space<semaphore_mem>>) src(%dma_wait3A_641 : memref<16384xf32, #tpu.memory_space<vmem_shared>>) dst(%dma_wait3A : memref<16384xf32, #tpu.memory_space<hbm>>)
      tpu.yield
    }) : () -> ()
    %add3A_542 = arith.constant 16384 : i32
    %add3A_543 = arith.addi %mul3A_534, %add3A_542 : i32
    %mul3A_544 = arith.constant 1183744 : i32
    %mul3A_545 = arith.muli %add3A_511, %mul3A_544 : i32
    %add3A_546 = arith.addi %mul3A_545, %mul3A_534 : i32
    %add3A_547 = arith.constant 16384 : i32
    %add3A_548 = arith.addi %add3A_546, %add3A_547 : i32
    "tpu.region"() ({
      %run_scoped3A_639 = tpu.sem_alloc : memref<!tpu.dma_semaphore, #tpu.memory_space<semaphore_mem>>
      %dma_start3A = tpu.memref_slice %arg5[%add3A_548] : memref<4734976xf32, #tpu.memory_space<hbm>> -> memref<16384xf32, #tpu.memory_space<hbm>>
      %dma_start3A_640 = tpu.memref_slice %arg11[%add3A_543] : memref<1185792xf32, #tpu.memory_space<vmem_shared>> -> memref<16384xf32, #tpu.memory_space<vmem_shared>>
      tpu.enqueue_dma source(%dma_start3A_640 : memref<16384xf32, #tpu.memory_space<vmem_shared>>) target(%dma_start3A : memref<16384xf32, #tpu.memory_space<hbm>>) target_semaphore(%run_scoped3A_639 : memref<!tpu.dma_semaphore, #tpu.memory_space<semaphore_mem>>)
      %dma_wait3A = tpu.memref_slice %arg5[%add3A_548] : memref<4734976xf32, #tpu.memory_space<hbm>> -> memref<16384xf32, #tpu.memory_space<hbm>>
      %dma_wait3A_641 = tpu.memref_slice %arg11[%add3A_543] : memref<1185792xf32, #tpu.memory_space<vmem_shared>> -> memref<16384xf32, #tpu.memory_space<vmem_shared>>
      tpu.wait_dma2 semaphore(%run_scoped3A_639 : memref<!tpu.dma_semaphore, #tpu.memory_space<semaphore_mem>>) src(%dma_wait3A_641 : memref<16384xf32, #tpu.memory_space<vmem_shared>>) dst(%dma_wait3A : memref<16384xf32, #tpu.memory_space<hbm>>)
      tpu.yield
    }) : () -> ()
    %add3A_549 = arith.constant 32768 : i32
    %add3A_550 = arith.addi %mul3A_534, %add3A_549 : i32
    %mul3A_551 = arith.constant 1183744 : i32
    %mul3A_552 = arith.muli %add3A_511, %mul3A_551 : i32
    %add3A_553 = arith.addi %mul3A_552, %mul3A_534 : i32
    %add3A_554 = arith.constant 32768 : i32
    %add3A_555 = arith.addi %add3A_553, %add3A_554 : i32
    "tpu.region"() ({
      %run_scoped3A_639 = tpu.sem_alloc : memref<!tpu.dma_semaphore, #tpu.memory_space<semaphore_mem>>
      %dma_start3A = tpu.memref_slice %arg5[%add3A_555] : memref<4734976xf32, #tpu.memory_space<hbm>> -> memref<16384xf32, #tpu.memory_space<hbm>>
      %dma_start3A_640 = tpu.memref_slice %arg11[%add3A_550] : memref<1185792xf32, #tpu.memory_space<vmem_shared>> -> memref<16384xf32, #tpu.memory_space<vmem_shared>>
      tpu.enqueue_dma source(%dma_start3A_640 : memref<16384xf32, #tpu.memory_space<vmem_shared>>) target(%dma_start3A : memref<16384xf32, #tpu.memory_space<hbm>>) target_semaphore(%run_scoped3A_639 : memref<!tpu.dma_semaphore, #tpu.memory_space<semaphore_mem>>)
      %dma_wait3A = tpu.memref_slice %arg5[%add3A_555] : memref<4734976xf32, #tpu.memory_space<hbm>> -> memref<16384xf32, #tpu.memory_space<hbm>>
      %dma_wait3A_641 = tpu.memref_slice %arg11[%add3A_550] : memref<1185792xf32, #tpu.memory_space<vmem_shared>> -> memref<16384xf32, #tpu.memory_space<vmem_shared>>
      tpu.wait_dma2 semaphore(%run_scoped3A_639 : memref<!tpu.dma_semaphore, #tpu.memory_space<semaphore_mem>>) src(%dma_wait3A_641 : memref<16384xf32, #tpu.memory_space<vmem_shared>>) dst(%dma_wait3A : memref<16384xf32, #tpu.memory_space<hbm>>)
      tpu.yield
    }) : () -> ()
    %add3A_556 = arith.constant 49152 : i32
    %add3A_557 = arith.addi %mul3A_534, %add3A_556 : i32
    %mul3A_558 = arith.constant 1183744 : i32
    %mul3A_559 = arith.muli %add3A_511, %mul3A_558 : i32
    %add3A_560 = arith.addi %mul3A_559, %mul3A_534 : i32
    %add3A_561 = arith.constant 49152 : i32
    %add3A_562 = arith.addi %add3A_560, %add3A_561 : i32
    "tpu.region"() ({
      %run_scoped3A_639 = tpu.sem_alloc : memref<!tpu.dma_semaphore, #tpu.memory_space<semaphore_mem>>
      %dma_start3A = tpu.memref_slice %arg5[%add3A_562] : memref<4734976xf32, #tpu.memory_space<hbm>> -> memref<16384xf32, #tpu.memory_space<hbm>>
      %dma_start3A_640 = tpu.memref_slice %arg11[%add3A_557] : memref<1185792xf32, #tpu.memory_space<vmem_shared>> -> memref<16384xf32, #tpu.memory_space<vmem_shared>>
      tpu.enqueue_dma source(%dma_start3A_640 : memref<16384xf32, #tpu.memory_space<vmem_shared>>) target(%dma_start3A : memref<16384xf32, #tpu.memory_space<hbm>>) target_semaphore(%run_scoped3A_639 : memref<!tpu.dma_semaphore, #tpu.memory_space<semaphore_mem>>)
      %dma_wait3A = tpu.memref_slice %arg5[%add3A_562] : memref<4734976xf32, #tpu.memory_space<hbm>> -> memref<16384xf32, #tpu.memory_space<hbm>>
      %dma_wait3A_641 = tpu.memref_slice %arg11[%add3A_557] : memref<1185792xf32, #tpu.memory_space<vmem_shared>> -> memref<16384xf32, #tpu.memory_space<vmem_shared>>
      tpu.wait_dma2 semaphore(%run_scoped3A_639 : memref<!tpu.dma_semaphore, #tpu.memory_space<semaphore_mem>>) src(%dma_wait3A_641 : memref<16384xf32, #tpu.memory_space<vmem_shared>>) dst(%dma_wait3A : memref<16384xf32, #tpu.memory_space<hbm>>)
      tpu.yield
    }) : () -> ()
    %add3A_563 = arith.constant 65536 : i32
    %add3A_564 = arith.addi %mul3A_534, %add3A_563 : i32
    %mul3A_565 = arith.constant 1183744 : i32
    %mul3A_566 = arith.muli %add3A_511, %mul3A_565 : i32
    %add3A_567 = arith.addi %mul3A_566, %mul3A_534 : i32
    %add3A_568 = arith.constant 65536 : i32
    %add3A_569 = arith.addi %add3A_567, %add3A_568 : i32
    "tpu.region"() ({
      %run_scoped3A_639 = tpu.sem_alloc : memref<!tpu.dma_semaphore, #tpu.memory_space<semaphore_mem>>
      %dma_start3A = tpu.memref_slice %arg5[%add3A_569] : memref<4734976xf32, #tpu.memory_space<hbm>> -> memref<8448xf32, #tpu.memory_space<hbm>>
      %dma_start3A_640 = tpu.memref_slice %arg11[%add3A_564] : memref<1185792xf32, #tpu.memory_space<vmem_shared>> -> memref<8448xf32, #tpu.memory_space<vmem_shared>>
      tpu.enqueue_dma source(%dma_start3A_640 : memref<8448xf32, #tpu.memory_space<vmem_shared>>) target(%dma_start3A : memref<8448xf32, #tpu.memory_space<hbm>>) target_semaphore(%run_scoped3A_639 : memref<!tpu.dma_semaphore, #tpu.memory_space<semaphore_mem>>)
      %dma_wait3A = tpu.memref_slice %arg5[%add3A_569] : memref<4734976xf32, #tpu.memory_space<hbm>> -> memref<8448xf32, #tpu.memory_space<hbm>>
      %dma_wait3A_641 = tpu.memref_slice %arg11[%add3A_564] : memref<1185792xf32, #tpu.memory_space<vmem_shared>> -> memref<8448xf32, #tpu.memory_space<vmem_shared>>
      tpu.wait_dma2 semaphore(%run_scoped3A_639 : memref<!tpu.dma_semaphore, #tpu.memory_space<semaphore_mem>>) src(%dma_wait3A_641 : memref<8448xf32, #tpu.memory_space<vmem_shared>>) dst(%dma_wait3A : memref<8448xf32, #tpu.memory_space<hbm>>)
      tpu.yield
    }) : () -> ()
    %barrier3A_570 = arith.constant 0 : index
    tpu.barrier barrier_id(%barrier3A_570)
    %mul3A_571 = arith.constant 2 : i32
    %mul3A_572 = arith.muli %arg0, %mul3A_571 : i32
    %add3A_573 = arith.constant 1 : i32
    %add3A_574 = arith.addi %mul3A_572, %add3A_573 : i32
    %mul3A_575 = arith.constant 544 : i32
    %mul3A_576 = arith.muli %add3A_574, %mul3A_575 : i32
    %mul3A_577 = arith.constant 74112 : i32
    %mul3A_578 = arith.muli %arg1, %mul3A_577 : i32
    "tpu.region"() ({
      %run_scoped3A_639 = tpu.sem_alloc : memref<!tpu.dma_semaphore, #tpu.memory_space<semaphore_mem>>
      %dma_start3A = tpu.memref_slice %arg11[%mul3A_578] : memref<1185792xf32, #tpu.memory_space<vmem_shared>> -> memref<74112xf32, #tpu.memory_space<vmem_shared>>
      %dma_start3A_640 = tpu.memref_slice %arg4[%mul3A_578] : memref<1185792xf32, #tpu.memory_space<hbm>> -> memref<74112xf32, #tpu.memory_space<hbm>>
      tpu.enqueue_dma source(%dma_start3A_640 : memref<74112xf32, #tpu.memory_space<hbm>>) target(%dma_start3A : memref<74112xf32, #tpu.memory_space<vmem_shared>>) target_semaphore(%run_scoped3A_639 : memref<!tpu.dma_semaphore, #tpu.memory_space<semaphore_mem>>)
      %dma_wait3A = tpu.memref_slice %arg11[%mul3A_578] : memref<1185792xf32, #tpu.memory_space<vmem_shared>> -> memref<74112xf32, #tpu.memory_space<vmem_shared>>
      %dma_wait3A_641 = tpu.memref_slice %arg4[%mul3A_578] : memref<1185792xf32, #tpu.memory_space<hbm>> -> memref<74112xf32, #tpu.memory_space<hbm>>
      tpu.wait_dma2 semaphore(%run_scoped3A_639 : memref<!tpu.dma_semaphore, #tpu.memory_space<semaphore_mem>>) src(%dma_wait3A_641 : memref<74112xf32, #tpu.memory_space<hbm>>) dst(%dma_wait3A : memref<74112xf32, #tpu.memory_space<vmem_shared>>)
      tpu.yield
    }) : () -> ()
    %barrier3A_579 = arith.constant 0 : index
    tpu.barrier barrier_id(%barrier3A_579)
    %iota3A_580 = tpu.iota {dimensions = array<i32: 0>} : vector<16xi32>
    %scan3A_581 = arith.constant 0 : i32
    %scan3A_582 = arith.constant 0 : i32
    %scan3A_583 = arith.constant 128 : i32
    %scan3A_584 = arith.addi %scan3A_582, %scan3A_583 : i32
    %scan3A_585 = arith.constant 1 : i32
    %scan3A_586 = scf.for %scan3A_639 = %scan3A_582 to %scan3A_584 step %scan3A_585 iter_args(%scan3A_640 = %scan3A_581) -> (i32)  : i32 {
      %mul3A_641 = arith.constant 128 : i32
      %mul3A_642 = arith.muli %scan3A_639, %mul3A_641 : i32
      %add3A_643 = arith.constant 0 : i32
      %add3A_644 = arith.addi %mul3A_642, %add3A_643 : i32
      %get3A = arith.index_cast %add3A_644 : i32 to index
      %get3A_645 = tpu.vector_load %arg6[%get3A] {strides = array<i32>} : memref<16384xi32, #tpu.memory_space<vmem>>, vector<16xi32>,
      %get3A_646 = vector.shape_cast %get3A_645 : vector<16xi32> to vector<16xi32>
      %get3A_647 = arith.index_cast %add3A_644 : i32 to index
      %get3A_648 = tpu.vector_load %arg7[%get3A_647] {strides = array<i32>} : memref<16384xi32, #tpu.memory_space<vmem>>, vector<16xi32>,
      %get3A_649 = vector.shape_cast %get3A_648 : vector<16xi32> to vector<16xi32>
      %sub3A = vector.broadcast %mul3A_576 : i32 to vector<16xi32>
      %sub3A_650 = arith.subi %get3A_649, %sub3A : vector<16xi32>
      %ge3A = arith.constant 0 : i32
      %ge3A_651 = vector.broadcast %ge3A : i32 to vector<16xi32>
      %ge3A_652 = arith.cmpi sge, %sub3A_650, %ge3A_651 : vector<16xi32>
      %lt3A = arith.constant 544 : i32
      %lt3A_653 = vector.broadcast %lt3A : i32 to vector<16xi32>
      %lt3A_654 = arith.cmpi slt, %sub3A_650, %lt3A_653 : vector<16xi32>
      %and3A = arith.andi %ge3A_652, %lt3A_654 : vector<16xi1>
      %mul3A_655 = arith.constant 128 : i32
      %mul3A_656 = arith.muli %arg1, %mul3A_655 : i32
      %add3A_657 = arith.constant 1183744 : i32
      %add3A_658 = arith.addi %add3A_657, %mul3A_656 : i32
      %add3A_659 = arith.constant 0 : i32
      %add3A_660 = arith.addi %add3A_658, %add3A_659 : i32
      %add3A_661 = vector.broadcast %add3A_660 : i32 to vector<16xi32>
      %add3A_662 = arith.addi %add3A_661, %iota3A_580 : vector<16xi32>
      %mul3A_663 = arith.constant 2176 : i32
      %mul3A_664 = vector.broadcast %mul3A_663 : i32 to vector<16xi32>
      %mul3A_665 = arith.muli %sub3A_650, %mul3A_664 : vector<16xi32>
      %add3A_666 = arith.addi %mul3A_665, %get3A_646 : vector<16xi32>
      %select_n3A = arith.select %and3A, %add3A_666, %add3A_662 : vector<16xi1>, vector<16xi32>
      %swap3A_667 = arith.index_cast %scan3A_639 : i32 to index
      %swap3A_668 = arith.constant 0 : index
      %swap3A_669 = tpu.vector_load %arg8[%swap3A_667, %swap3A_668] {strides = array<i32>} : memref<128x128xi32, #tpu.memory_space<vmem>>, vector<1x16xi32>,
      %swap3A_670 = vector.shape_cast %swap3A_669 : vector<1x16xi32> to vector<16xi32>
      %swap3A_671 = vector.shape_cast %select_n3A : vector<16xi32> to vector<1x16xi32>
      tpu.vector_store %arg8[%swap3A_667, %swap3A_668], %swap3A_671 {strides = array<i32>} : memref<128x128xi32, #tpu.memory_space<vmem>>, vector<1x16xi32>,
      %mul3A_672 = arith.constant 128 : i32
      %mul3A_673 = arith.muli %scan3A_639, %mul3A_672 : i32
      %add3A_674 = arith.constant 16 : i32
      %add3A_675 = arith.addi %mul3A_673, %add3A_674 : i32
      %get3A_676 = arith.index_cast %add3A_675 : i32 to index
      %get3A_677 = tpu.vector_load %arg6[%get3A_676] {strides = array<i32>} : memref<16384xi32, #tpu.memory_space<vmem>>, vector<16xi32>,
      %get3A_678 = vector.shape_cast %get3A_677 : vector<16xi32> to vector<16xi32>
      %get3A_679 = arith.index_cast %add3A_675 : i32 to index
      %get3A_680 = tpu.vector_load %arg7[%get3A_679] {strides = array<i32>} : memref<16384xi32, #tpu.memory_space<vmem>>, vector<16xi32>,
      %get3A_681 = vector.shape_cast %get3A_680 : vector<16xi32> to vector<16xi32>
      %sub3A_682 = vector.broadcast %mul3A_576 : i32 to vector<16xi32>
      %sub3A_683 = arith.subi %get3A_681, %sub3A_682 : vector<16xi32>
      %ge3A_684 = arith.constant 0 : i32
      %ge3A_685 = vector.broadcast %ge3A_684 : i32 to vector<16xi32>
      %ge3A_686 = arith.cmpi sge, %sub3A_683, %ge3A_685 : vector<16xi32>
      %lt3A_687 = arith.constant 544 : i32
      %lt3A_688 = vector.broadcast %lt3A_687 : i32 to vector<16xi32>
      %lt3A_689 = arith.cmpi slt, %sub3A_683, %lt3A_688 : vector<16xi32>
      %and3A_690 = arith.andi %ge3A_686, %lt3A_689 : vector<16xi1>
      %mul3A_691 = arith.constant 128 : i32
      %mul3A_692 = arith.muli %arg1, %mul3A_691 : i32
      %add3A_693 = arith.constant 1183744 : i32
      %add3A_694 = arith.addi %add3A_693, %mul3A_692 : i32
      %add3A_695 = arith.constant 16 : i32
      %add3A_696 = arith.addi %add3A_694, %add3A_695 : i32
      %add3A_697 = vector.broadcast %add3A_696 : i32 to vector<16xi32>
      %add3A_698 = arith.addi %add3A_697, %iota3A_580 : vector<16xi32>
      %mul3A_699 = arith.constant 2176 : i32
      %mul3A_700 = vector.broadcast %mul3A_699 : i32 to vector<16xi32>
      %mul3A_701 = arith.muli %sub3A_683, %mul3A_700 : vector<16xi32>
      %add3A_702 = arith.addi %mul3A_701, %get3A_678 : vector<16xi32>
      %select_n3A_703 = arith.select %and3A_690, %add3A_702, %add3A_698 : vector<16xi1>, vector<16xi32>
      %swap3A_704 = arith.index_cast %scan3A_639 : i32 to index
      %swap3A_705 = arith.constant 16 : index
      %swap3A_706 = tpu.vector_load %arg8[%swap3A_704, %swap3A_705] {strides = array<i32>} : memref<128x128xi32, #tpu.memory_space<vmem>>, vector<1x16xi32>,
      %swap3A_707 = vector.shape_cast %swap3A_706 : vector<1x16xi32> to vector<16xi32>
      %swap3A_708 = vector.shape_cast %select_n3A_703 : vector<16xi32> to vector<1x16xi32>
      tpu.vector_store %arg8[%swap3A_704, %swap3A_705], %swap3A_708 {strides = array<i32>} : memref<128x128xi32, #tpu.memory_space<vmem>>, vector<1x16xi32>,
      %mul3A_709 = arith.constant 128 : i32
      %mul3A_710 = arith.muli %scan3A_639, %mul3A_709 : i32
      %add3A_711 = arith.constant 32 : i32
      %add3A_712 = arith.addi %mul3A_710, %add3A_711 : i32
      %get3A_713 = arith.index_cast %add3A_712 : i32 to index
      %get3A_714 = tpu.vector_load %arg6[%get3A_713] {strides = array<i32>} : memref<16384xi32, #tpu.memory_space<vmem>>, vector<16xi32>,
      %get3A_715 = vector.shape_cast %get3A_714 : vector<16xi32> to vector<16xi32>
      %get3A_716 = arith.index_cast %add3A_712 : i32 to index
      %get3A_717 = tpu.vector_load %arg7[%get3A_716] {strides = array<i32>} : memref<16384xi32, #tpu.memory_space<vmem>>, vector<16xi32>,
      %get3A_718 = vector.shape_cast %get3A_717 : vector<16xi32> to vector<16xi32>
      %sub3A_719 = vector.broadcast %mul3A_576 : i32 to vector<16xi32>
      %sub3A_720 = arith.subi %get3A_718, %sub3A_719 : vector<16xi32>
      %ge3A_721 = arith.constant 0 : i32
      %ge3A_722 = vector.broadcast %ge3A_721 : i32 to vector<16xi32>
      %ge3A_723 = arith.cmpi sge, %sub3A_720, %ge3A_722 : vector<16xi32>
      %lt3A_724 = arith.constant 544 : i32
      %lt3A_725 = vector.broadcast %lt3A_724 : i32 to vector<16xi32>
      %lt3A_726 = arith.cmpi slt, %sub3A_720, %lt3A_725 : vector<16xi32>
      %and3A_727 = arith.andi %ge3A_723, %lt3A_726 : vector<16xi1>
      %mul3A_728 = arith.constant 128 : i32
      %mul3A_729 = arith.muli %arg1, %mul3A_728 : i32
      %add3A_730 = arith.constant 1183744 : i32
      %add3A_731 = arith.addi %add3A_730, %mul3A_729 : i32
      %add3A_732 = arith.constant 32 : i32
      %add3A_733 = arith.addi %add3A_731, %add3A_732 : i32
      %add3A_734 = vector.broadcast %add3A_733 : i32 to vector<16xi32>
      %add3A_735 = arith.addi %add3A_734, %iota3A_580 : vector<16xi32>
      %mul3A_736 = arith.constant 2176 : i32
      %mul3A_737 = vector.broadcast %mul3A_736 : i32 to vector<16xi32>
      %mul3A_738 = arith.muli %sub3A_720, %mul3A_737 : vector<16xi32>
      %add3A_739 = arith.addi %mul3A_738, %get3A_715 : vector<16xi32>
      %select_n3A_740 = arith.select %and3A_727, %add3A_739, %add3A_735 : vector<16xi1>, vector<16xi32>
      %swap3A_741 = arith.index_cast %scan3A_639 : i32 to index
      %swap3A_742 = arith.constant 32 : index
      %swap3A_743 = tpu.vector_load %arg8[%swap3A_741, %swap3A_742] {strides = array<i32>} : memref<128x128xi32, #tpu.memory_space<vmem>>, vector<1x16xi32>,
      %swap3A_744 = vector.shape_cast %swap3A_743 : vector<1x16xi32> to vector<16xi32>
      %swap3A_745 = vector.shape_cast %select_n3A_740 : vector<16xi32> to vector<1x16xi32>
      tpu.vector_store %arg8[%swap3A_741, %swap3A_742], %swap3A_745 {strides = array<i32>} : memref<128x128xi32, #tpu.memory_space<vmem>>, vector<1x16xi32>,
      %mul3A_746 = arith.constant 128 : i32
      %mul3A_747 = arith.muli %scan3A_639, %mul3A_746 : i32
      %add3A_748 = arith.constant 48 : i32
      %add3A_749 = arith.addi %mul3A_747, %add3A_748 : i32
      %get3A_750 = arith.index_cast %add3A_749 : i32 to index
      %get3A_751 = tpu.vector_load %arg6[%get3A_750] {strides = array<i32>} : memref<16384xi32, #tpu.memory_space<vmem>>, vector<16xi32>,
      %get3A_752 = vector.shape_cast %get3A_751 : vector<16xi32> to vector<16xi32>
      %get3A_753 = arith.index_cast %add3A_749 : i32 to index
      %get3A_754 = tpu.vector_load %arg7[%get3A_753] {strides = array<i32>} : memref<16384xi32, #tpu.memory_space<vmem>>, vector<16xi32>,
      %get3A_755 = vector.shape_cast %get3A_754 : vector<16xi32> to vector<16xi32>
      %sub3A_756 = vector.broadcast %mul3A_576 : i32 to vector<16xi32>
      %sub3A_757 = arith.subi %get3A_755, %sub3A_756 : vector<16xi32>
      %ge3A_758 = arith.constant 0 : i32
      %ge3A_759 = vector.broadcast %ge3A_758 : i32 to vector<16xi32>
      %ge3A_760 = arith.cmpi sge, %sub3A_757, %ge3A_759 : vector<16xi32>
      %lt3A_761 = arith.constant 544 : i32
      %lt3A_762 = vector.broadcast %lt3A_761 : i32 to vector<16xi32>
      %lt3A_763 = arith.cmpi slt, %sub3A_757, %lt3A_762 : vector<16xi32>
      %and3A_764 = arith.andi %ge3A_760, %lt3A_763 : vector<16xi1>
      %mul3A_765 = arith.constant 128 : i32
      %mul3A_766 = arith.muli %arg1, %mul3A_765 : i32
      %add3A_767 = arith.constant 1183744 : i32
      %add3A_768 = arith.addi %add3A_767, %mul3A_766 : i32
      %add3A_769 = arith.constant 48 : i32
      %add3A_770 = arith.addi %add3A_768, %add3A_769 : i32
      %add3A_771 = vector.broadcast %add3A_770 : i32 to vector<16xi32>
      %add3A_772 = arith.addi %add3A_771, %iota3A_580 : vector<16xi32>
      %mul3A_773 = arith.constant 2176 : i32
      %mul3A_774 = vector.broadcast %mul3A_773 : i32 to vector<16xi32>
      %mul3A_775 = arith.muli %sub3A_757, %mul3A_774 : vector<16xi32>
      %add3A_776 = arith.addi %mul3A_775, %get3A_752 : vector<16xi32>
      %select_n3A_777 = arith.select %and3A_764, %add3A_776, %add3A_772 : vector<16xi1>, vector<16xi32>
      %swap3A_778 = arith.index_cast %scan3A_639 : i32 to index
      %swap3A_779 = arith.constant 48 : index
      %swap3A_780 = tpu.vector_load %arg8[%swap3A_778, %swap3A_779] {strides = array<i32>} : memref<128x128xi32, #tpu.memory_space<vmem>>, vector<1x16xi32>,
      %swap3A_781 = vector.shape_cast %swap3A_780 : vector<1x16xi32> to vector<16xi32>
      %swap3A_782 = vector.shape_cast %select_n3A_777 : vector<16xi32> to vector<1x16xi32>
      tpu.vector_store %arg8[%swap3A_778, %swap3A_779], %swap3A_782 {strides = array<i32>} : memref<128x128xi32, #tpu.memory_space<vmem>>, vector<1x16xi32>,
      %mul3A_783 = arith.constant 128 : i32
      %mul3A_784 = arith.muli %scan3A_639, %mul3A_783 : i32
      %add3A_785 = arith.constant 64 : i32
      %add3A_786 = arith.addi %mul3A_784, %add3A_785 : i32
      %get3A_787 = arith.index_cast %add3A_786 : i32 to index
      %get3A_788 = tpu.vector_load %arg6[%get3A_787] {strides = array<i32>} : memref<16384xi32, #tpu.memory_space<vmem>>, vector<16xi32>,
      %get3A_789 = vector.shape_cast %get3A_788 : vector<16xi32> to vector<16xi32>
      %get3A_790 = arith.index_cast %add3A_786 : i32 to index
      %get3A_791 = tpu.vector_load %arg7[%get3A_790] {strides = array<i32>} : memref<16384xi32, #tpu.memory_space<vmem>>, vector<16xi32>,
      %get3A_792 = vector.shape_cast %get3A_791 : vector<16xi32> to vector<16xi32>
      %sub3A_793 = vector.broadcast %mul3A_576 : i32 to vector<16xi32>
      %sub3A_794 = arith.subi %get3A_792, %sub3A_793 : vector<16xi32>
      %ge3A_795 = arith.constant 0 : i32
      %ge3A_796 = vector.broadcast %ge3A_795 : i32 to vector<16xi32>
      %ge3A_797 = arith.cmpi sge, %sub3A_794, %ge3A_796 : vector<16xi32>
      %lt3A_798 = arith.constant 544 : i32
      %lt3A_799 = vector.broadcast %lt3A_798 : i32 to vector<16xi32>
      %lt3A_800 = arith.cmpi slt, %sub3A_794, %lt3A_799 : vector<16xi32>
      %and3A_801 = arith.andi %ge3A_797, %lt3A_800 : vector<16xi1>
      %mul3A_802 = arith.constant 128 : i32
      %mul3A_803 = arith.muli %arg1, %mul3A_802 : i32
      %add3A_804 = arith.constant 1183744 : i32
      %add3A_805 = arith.addi %add3A_804, %mul3A_803 : i32
      %add3A_806 = arith.constant 64 : i32
      %add3A_807 = arith.addi %add3A_805, %add3A_806 : i32
      %add3A_808 = vector.broadcast %add3A_807 : i32 to vector<16xi32>
      %add3A_809 = arith.addi %add3A_808, %iota3A_580 : vector<16xi32>
      %mul3A_810 = arith.constant 2176 : i32
      %mul3A_811 = vector.broadcast %mul3A_810 : i32 to vector<16xi32>
      %mul3A_812 = arith.muli %sub3A_794, %mul3A_811 : vector<16xi32>
      %add3A_813 = arith.addi %mul3A_812, %get3A_789 : vector<16xi32>
      %select_n3A_814 = arith.select %and3A_801, %add3A_813, %add3A_809 : vector<16xi1>, vector<16xi32>
      %swap3A_815 = arith.index_cast %scan3A_639 : i32 to index
      %swap3A_816 = arith.constant 64 : index
      %swap3A_817 = tpu.vector_load %arg8[%swap3A_815, %swap3A_816] {strides = array<i32>} : memref<128x128xi32, #tpu.memory_space<vmem>>, vector<1x16xi32>,
      %swap3A_818 = vector.shape_cast %swap3A_817 : vector<1x16xi32> to vector<16xi32>
      %swap3A_819 = vector.shape_cast %select_n3A_814 : vector<16xi32> to vector<1x16xi32>
      tpu.vector_store %arg8[%swap3A_815, %swap3A_816], %swap3A_819 {strides = array<i32>} : memref<128x128xi32, #tpu.memory_space<vmem>>, vector<1x16xi32>,
      %mul3A_820 = arith.constant 128 : i32
      %mul3A_821 = arith.muli %scan3A_639, %mul3A_820 : i32
      %add3A_822 = arith.constant 80 : i32
      %add3A_823 = arith.addi %mul3A_821, %add3A_822 : i32
      %get3A_824 = arith.index_cast %add3A_823 : i32 to index
      %get3A_825 = tpu.vector_load %arg6[%get3A_824] {strides = array<i32>} : memref<16384xi32, #tpu.memory_space<vmem>>, vector<16xi32>,
      %get3A_826 = vector.shape_cast %get3A_825 : vector<16xi32> to vector<16xi32>
      %get3A_827 = arith.index_cast %add3A_823 : i32 to index
      %get3A_828 = tpu.vector_load %arg7[%get3A_827] {strides = array<i32>} : memref<16384xi32, #tpu.memory_space<vmem>>, vector<16xi32>,
      %get3A_829 = vector.shape_cast %get3A_828 : vector<16xi32> to vector<16xi32>
      %sub3A_830 = vector.broadcast %mul3A_576 : i32 to vector<16xi32>
      %sub3A_831 = arith.subi %get3A_829, %sub3A_830 : vector<16xi32>
      %ge3A_832 = arith.constant 0 : i32
      %ge3A_833 = vector.broadcast %ge3A_832 : i32 to vector<16xi32>
      %ge3A_834 = arith.cmpi sge, %sub3A_831, %ge3A_833 : vector<16xi32>
      %lt3A_835 = arith.constant 544 : i32
      %lt3A_836 = vector.broadcast %lt3A_835 : i32 to vector<16xi32>
      %lt3A_837 = arith.cmpi slt, %sub3A_831, %lt3A_836 : vector<16xi32>
      %and3A_838 = arith.andi %ge3A_834, %lt3A_837 : vector<16xi1>
      %mul3A_839 = arith.constant 128 : i32
      %mul3A_840 = arith.muli %arg1, %mul3A_839 : i32
      %add3A_841 = arith.constant 1183744 : i32
      %add3A_842 = arith.addi %add3A_841, %mul3A_840 : i32
      %add3A_843 = arith.constant 80 : i32
      %add3A_844 = arith.addi %add3A_842, %add3A_843 : i32
      %add3A_845 = vector.broadcast %add3A_844 : i32 to vector<16xi32>
      %add3A_846 = arith.addi %add3A_845, %iota3A_580 : vector<16xi32>
      %mul3A_847 = arith.constant 2176 : i32
      %mul3A_848 = vector.broadcast %mul3A_847 : i32 to vector<16xi32>
      %mul3A_849 = arith.muli %sub3A_831, %mul3A_848 : vector<16xi32>
      %add3A_850 = arith.addi %mul3A_849, %get3A_826 : vector<16xi32>
      %select_n3A_851 = arith.select %and3A_838, %add3A_850, %add3A_846 : vector<16xi1>, vector<16xi32>
      %swap3A_852 = arith.index_cast %scan3A_639 : i32 to index
      %swap3A_853 = arith.constant 80 : index
      %swap3A_854 = tpu.vector_load %arg8[%swap3A_852, %swap3A_853] {strides = array<i32>} : memref<128x128xi32, #tpu.memory_space<vmem>>, vector<1x16xi32>,
      %swap3A_855 = vector.shape_cast %swap3A_854 : vector<1x16xi32> to vector<16xi32>
      %swap3A_856 = vector.shape_cast %select_n3A_851 : vector<16xi32> to vector<1x16xi32>
      tpu.vector_store %arg8[%swap3A_852, %swap3A_853], %swap3A_856 {strides = array<i32>} : memref<128x128xi32, #tpu.memory_space<vmem>>, vector<1x16xi32>,
      %mul3A_857 = arith.constant 128 : i32
      %mul3A_858 = arith.muli %scan3A_639, %mul3A_857 : i32
      %add3A_859 = arith.constant 96 : i32
      %add3A_860 = arith.addi %mul3A_858, %add3A_859 : i32
      %get3A_861 = arith.index_cast %add3A_860 : i32 to index
      %get3A_862 = tpu.vector_load %arg6[%get3A_861] {strides = array<i32>} : memref<16384xi32, #tpu.memory_space<vmem>>, vector<16xi32>,
      %get3A_863 = vector.shape_cast %get3A_862 : vector<16xi32> to vector<16xi32>
      %get3A_864 = arith.index_cast %add3A_860 : i32 to index
      %get3A_865 = tpu.vector_load %arg7[%get3A_864] {strides = array<i32>} : memref<16384xi32, #tpu.memory_space<vmem>>, vector<16xi32>,
      %get3A_866 = vector.shape_cast %get3A_865 : vector<16xi32> to vector<16xi32>
      %sub3A_867 = vector.broadcast %mul3A_576 : i32 to vector<16xi32>
      %sub3A_868 = arith.subi %get3A_866, %sub3A_867 : vector<16xi32>
      %ge3A_869 = arith.constant 0 : i32
      %ge3A_870 = vector.broadcast %ge3A_869 : i32 to vector<16xi32>
      %ge3A_871 = arith.cmpi sge, %sub3A_868, %ge3A_870 : vector<16xi32>
      %lt3A_872 = arith.constant 544 : i32
      %lt3A_873 = vector.broadcast %lt3A_872 : i32 to vector<16xi32>
      %lt3A_874 = arith.cmpi slt, %sub3A_868, %lt3A_873 : vector<16xi32>
      %and3A_875 = arith.andi %ge3A_871, %lt3A_874 : vector<16xi1>
      %mul3A_876 = arith.constant 128 : i32
      %mul3A_877 = arith.muli %arg1, %mul3A_876 : i32
      %add3A_878 = arith.constant 1183744 : i32
      %add3A_879 = arith.addi %add3A_878, %mul3A_877 : i32
      %add3A_880 = arith.constant 96 : i32
      %add3A_881 = arith.addi %add3A_879, %add3A_880 : i32
      %add3A_882 = vector.broadcast %add3A_881 : i32 to vector<16xi32>
      %add3A_883 = arith.addi %add3A_882, %iota3A_580 : vector<16xi32>
      %mul3A_884 = arith.constant 2176 : i32
      %mul3A_885 = vector.broadcast %mul3A_884 : i32 to vector<16xi32>
      %mul3A_886 = arith.muli %sub3A_868, %mul3A_885 : vector<16xi32>
      %add3A_887 = arith.addi %mul3A_886, %get3A_863 : vector<16xi32>
      %select_n3A_888 = arith.select %and3A_875, %add3A_887, %add3A_883 : vector<16xi1>, vector<16xi32>
      %swap3A_889 = arith.index_cast %scan3A_639 : i32 to index
      %swap3A_890 = arith.constant 96 : index
      %swap3A_891 = tpu.vector_load %arg8[%swap3A_889, %swap3A_890] {strides = array<i32>} : memref<128x128xi32, #tpu.memory_space<vmem>>, vector<1x16xi32>,
      %swap3A_892 = vector.shape_cast %swap3A_891 : vector<1x16xi32> to vector<16xi32>
      %swap3A_893 = vector.shape_cast %select_n3A_888 : vector<16xi32> to vector<1x16xi32>
      tpu.vector_store %arg8[%swap3A_889, %swap3A_890], %swap3A_893 {strides = array<i32>} : memref<128x128xi32, #tpu.memory_space<vmem>>, vector<1x16xi32>,
      %mul3A_894 = arith.constant 128 : i32
      %mul3A_895 = arith.muli %scan3A_639, %mul3A_894 : i32
      %add3A_896 = arith.constant 112 : i32
      %add3A_897 = arith.addi %mul3A_895, %add3A_896 : i32
      %get3A_898 = arith.index_cast %add3A_897 : i32 to index
      %get3A_899 = tpu.vector_load %arg6[%get3A_898] {strides = array<i32>} : memref<16384xi32, #tpu.memory_space<vmem>>, vector<16xi32>,
      %get3A_900 = vector.shape_cast %get3A_899 : vector<16xi32> to vector<16xi32>
      %get3A_901 = arith.index_cast %add3A_897 : i32 to index
      %get3A_902 = tpu.vector_load %arg7[%get3A_901] {strides = array<i32>} : memref<16384xi32, #tpu.memory_space<vmem>>, vector<16xi32>,
      %get3A_903 = vector.shape_cast %get3A_902 : vector<16xi32> to vector<16xi32>
      %sub3A_904 = vector.broadcast %mul3A_576 : i32 to vector<16xi32>
      %sub3A_905 = arith.subi %get3A_903, %sub3A_904 : vector<16xi32>
      %ge3A_906 = arith.constant 0 : i32
      %ge3A_907 = vector.broadcast %ge3A_906 : i32 to vector<16xi32>
      %ge3A_908 = arith.cmpi sge, %sub3A_905, %ge3A_907 : vector<16xi32>
      %lt3A_909 = arith.constant 544 : i32
      %lt3A_910 = vector.broadcast %lt3A_909 : i32 to vector<16xi32>
      %lt3A_911 = arith.cmpi slt, %sub3A_905, %lt3A_910 : vector<16xi32>
      %and3A_912 = arith.andi %ge3A_908, %lt3A_911 : vector<16xi1>
      %mul3A_913 = arith.constant 128 : i32
      %mul3A_914 = arith.muli %arg1, %mul3A_913 : i32
      %add3A_915 = arith.constant 1183744 : i32
      %add3A_916 = arith.addi %add3A_915, %mul3A_914 : i32
      %add3A_917 = arith.constant 112 : i32
      %add3A_918 = arith.addi %add3A_916, %add3A_917 : i32
      %add3A_919 = vector.broadcast %add3A_918 : i32 to vector<16xi32>
      %add3A_920 = arith.addi %add3A_919, %iota3A_580 : vector<16xi32>
      %mul3A_921 = arith.constant 2176 : i32
      %mul3A_922 = vector.broadcast %mul3A_921 : i32 to vector<16xi32>
      %mul3A_923 = arith.muli %sub3A_905, %mul3A_922 : vector<16xi32>
      %add3A_924 = arith.addi %mul3A_923, %get3A_900 : vector<16xi32>
      %select_n3A_925 = arith.select %and3A_912, %add3A_924, %add3A_920 : vector<16xi1>, vector<16xi32>
      %swap3A_926 = arith.index_cast %scan3A_639 : i32 to index
      %swap3A_927 = arith.constant 112 : index
      %swap3A_928 = tpu.vector_load %arg8[%swap3A_926, %swap3A_927] {strides = array<i32>} : memref<128x128xi32, #tpu.memory_space<vmem>>, vector<1x16xi32>,
      %swap3A_929 = vector.shape_cast %swap3A_928 : vector<1x16xi32> to vector<16xi32>
      %swap3A_930 = vector.shape_cast %select_n3A_925 : vector<16xi32> to vector<1x16xi32>
      tpu.vector_store %arg8[%swap3A_926, %swap3A_927], %swap3A_930 {strides = array<i32>} : memref<128x128xi32, #tpu.memory_space<vmem>>, vector<1x16xi32>,
      %scan3A_931 = arith.constant 0 : i32
      scf.yield %scan3A_931 : i32
    }
    %scan3A_587 = arith.constant 128 : i32
    %scan3A_588 = arith.constant 0 : i32
    %scan3A_589 = arith.constant 0 : i32
    %scan3A_590 = arith.constant 16 : i32
    %scan3A_591 = arith.addi %scan3A_589, %scan3A_590 : i32
    %scan3A_592 = arith.constant 1 : i32
    %scan3A_593 = scf.for %scan3A_639 = %scan3A_589 to %scan3A_591 step %scan3A_592 iter_args(%scan3A_640 = %scan3A_588) -> (i32)  : i32 {
      %mul3A_641 = arith.constant 8 : i32
      %mul3A_642 = arith.muli %scan3A_639, %mul3A_641 : i32
      %add3A_643 = arith.constant 0 : i32
      %add3A_644 = arith.addi %mul3A_642, %add3A_643 : i32
      %dma_start3A = arith.constant 0 : i32
      %dma_start3A_645 = arith.constant 0 : i32
      %dma_start3A_646 = tpu.memref_slice %arg9[%dma_start3A, %dma_start3A_645] : memref<8x128xf32, #tpu.memory_space<vmem>> -> memref<1x128xf32, #tpu.memory_space<vmem>>
      %dma_start3A_647 = tpu.memref_squeeze %dma_start3A_646 : memref<1x128xf32, #tpu.memory_space<vmem>> -> memref<128xf32, #tpu.memory_space<vmem>>
      %dma_start3A_648 = arith.constant 0 : i32
      %dma_start3A_649 = tpu.memref_slice %arg8[%add3A_644, %dma_start3A_648] : memref<128x128xi32, #tpu.memory_space<vmem>> -> memref<1x128xi32, #tpu.memory_space<vmem>>
      %dma_start3A_650 = tpu.memref_squeeze %dma_start3A_649 : memref<1x128xi32, #tpu.memory_space<vmem>> -> memref<128xi32, #tpu.memory_space<vmem>>
      %dma_start3A_651 = arith.constant 0 : i32
      %dma_start3A_652 = tpu.memref_slice %arg11[%dma_start3A_651] : memref<1185792xf32, #tpu.memory_space<vmem_shared>> -> memref<1185792xf32, #tpu.memory_space<vmem_shared>>
      tpu.enqueue_indirect_dma source(%dma_start3A_647 : memref<128xf32, #tpu.memory_space<vmem>>) target(%dma_start3A_652 : memref<1185792xf32, #tpu.memory_space<vmem_shared>>) offsets(%dma_start3A_650 : memref<128xi32, #tpu.memory_space<vmem>>) semaphore(%arg12 : memref<!tpu.dma_semaphore, #tpu.memory_space<semaphore_mem>>) {add = true}
      %mul3A_653 = arith.constant 8 : i32
      %mul3A_654 = arith.muli %scan3A_639, %mul3A_653 : i32
      %add3A_655 = arith.constant 1 : i32
      %add3A_656 = arith.addi %mul3A_654, %add3A_655 : i32
      %dma_start3A_657 = arith.constant 1 : i32
      %dma_start3A_658 = arith.constant 0 : i32
      %dma_start3A_659 = tpu.memref_slice %arg9[%dma_start3A_657, %dma_start3A_658] : memref<8x128xf32, #tpu.memory_space<vmem>> -> memref<1x128xf32, #tpu.memory_space<vmem>>
      %dma_start3A_660 = tpu.memref_squeeze %dma_start3A_659 : memref<1x128xf32, #tpu.memory_space<vmem>> -> memref<128xf32, #tpu.memory_space<vmem>>
      %dma_start3A_661 = arith.constant 0 : i32
      %dma_start3A_662 = tpu.memref_slice %arg8[%add3A_656, %dma_start3A_661] : memref<128x128xi32, #tpu.memory_space<vmem>> -> memref<1x128xi32, #tpu.memory_space<vmem>>
      %dma_start3A_663 = tpu.memref_squeeze %dma_start3A_662 : memref<1x128xi32, #tpu.memory_space<vmem>> -> memref<128xi32, #tpu.memory_space<vmem>>
      %dma_start3A_664 = arith.constant 0 : i32
      %dma_start3A_665 = tpu.memref_slice %arg11[%dma_start3A_664] : memref<1185792xf32, #tpu.memory_space<vmem_shared>> -> memref<1185792xf32, #tpu.memory_space<vmem_shared>>
      tpu.enqueue_indirect_dma source(%dma_start3A_660 : memref<128xf32, #tpu.memory_space<vmem>>) target(%dma_start3A_665 : memref<1185792xf32, #tpu.memory_space<vmem_shared>>) offsets(%dma_start3A_663 : memref<128xi32, #tpu.memory_space<vmem>>) semaphore(%arg12 : memref<!tpu.dma_semaphore, #tpu.memory_space<semaphore_mem>>) {add = true}
      %mul3A_666 = arith.constant 8 : i32
      %mul3A_667 = arith.muli %scan3A_639, %mul3A_666 : i32
      %add3A_668 = arith.constant 2 : i32
      %add3A_669 = arith.addi %mul3A_667, %add3A_668 : i32
      %dma_start3A_670 = arith.constant 2 : i32
      %dma_start3A_671 = arith.constant 0 : i32
      %dma_start3A_672 = tpu.memref_slice %arg9[%dma_start3A_670, %dma_start3A_671] : memref<8x128xf32, #tpu.memory_space<vmem>> -> memref<1x128xf32, #tpu.memory_space<vmem>>
      %dma_start3A_673 = tpu.memref_squeeze %dma_start3A_672 : memref<1x128xf32, #tpu.memory_space<vmem>> -> memref<128xf32, #tpu.memory_space<vmem>>
      %dma_start3A_674 = arith.constant 0 : i32
      %dma_start3A_675 = tpu.memref_slice %arg8[%add3A_669, %dma_start3A_674] : memref<128x128xi32, #tpu.memory_space<vmem>> -> memref<1x128xi32, #tpu.memory_space<vmem>>
      %dma_start3A_676 = tpu.memref_squeeze %dma_start3A_675 : memref<1x128xi32, #tpu.memory_space<vmem>> -> memref<128xi32, #tpu.memory_space<vmem>>
      %dma_start3A_677 = arith.constant 0 : i32
      %dma_start3A_678 = tpu.memref_slice %arg11[%dma_start3A_677] : memref<1185792xf32, #tpu.memory_space<vmem_shared>> -> memref<1185792xf32, #tpu.memory_space<vmem_shared>>
      tpu.enqueue_indirect_dma source(%dma_start3A_673 : memref<128xf32, #tpu.memory_space<vmem>>) target(%dma_start3A_678 : memref<1185792xf32, #tpu.memory_space<vmem_shared>>) offsets(%dma_start3A_676 : memref<128xi32, #tpu.memory_space<vmem>>) semaphore(%arg12 : memref<!tpu.dma_semaphore, #tpu.memory_space<semaphore_mem>>) {add = true}
      %mul3A_679 = arith.constant 8 : i32
      %mul3A_680 = arith.muli %scan3A_639, %mul3A_679 : i32
      %add3A_681 = arith.constant 3 : i32
      %add3A_682 = arith.addi %mul3A_680, %add3A_681 : i32
      %dma_start3A_683 = arith.constant 3 : i32
      %dma_start3A_684 = arith.constant 0 : i32
      %dma_start3A_685 = tpu.memref_slice %arg9[%dma_start3A_683, %dma_start3A_684] : memref<8x128xf32, #tpu.memory_space<vmem>> -> memref<1x128xf32, #tpu.memory_space<vmem>>
      %dma_start3A_686 = tpu.memref_squeeze %dma_start3A_685 : memref<1x128xf32, #tpu.memory_space<vmem>> -> memref<128xf32, #tpu.memory_space<vmem>>
      %dma_start3A_687 = arith.constant 0 : i32
      %dma_start3A_688 = tpu.memref_slice %arg8[%add3A_682, %dma_start3A_687] : memref<128x128xi32, #tpu.memory_space<vmem>> -> memref<1x128xi32, #tpu.memory_space<vmem>>
      %dma_start3A_689 = tpu.memref_squeeze %dma_start3A_688 : memref<1x128xi32, #tpu.memory_space<vmem>> -> memref<128xi32, #tpu.memory_space<vmem>>
      %dma_start3A_690 = arith.constant 0 : i32
      %dma_start3A_691 = tpu.memref_slice %arg11[%dma_start3A_690] : memref<1185792xf32, #tpu.memory_space<vmem_shared>> -> memref<1185792xf32, #tpu.memory_space<vmem_shared>>
      tpu.enqueue_indirect_dma source(%dma_start3A_686 : memref<128xf32, #tpu.memory_space<vmem>>) target(%dma_start3A_691 : memref<1185792xf32, #tpu.memory_space<vmem_shared>>) offsets(%dma_start3A_689 : memref<128xi32, #tpu.memory_space<vmem>>) semaphore(%arg12 : memref<!tpu.dma_semaphore, #tpu.memory_space<semaphore_mem>>) {add = true}
      %mul3A_692 = arith.constant 8 : i32
      %mul3A_693 = arith.muli %scan3A_639, %mul3A_692 : i32
      %add3A_694 = arith.constant 4 : i32
      %add3A_695 = arith.addi %mul3A_693, %add3A_694 : i32
      %dma_start3A_696 = arith.constant 4 : i32
      %dma_start3A_697 = arith.constant 0 : i32
      %dma_start3A_698 = tpu.memref_slice %arg9[%dma_start3A_696, %dma_start3A_697] : memref<8x128xf32, #tpu.memory_space<vmem>> -> memref<1x128xf32, #tpu.memory_space<vmem>>
      %dma_start3A_699 = tpu.memref_squeeze %dma_start3A_698 : memref<1x128xf32, #tpu.memory_space<vmem>> -> memref<128xf32, #tpu.memory_space<vmem>>
      %dma_start3A_700 = arith.constant 0 : i32
      %dma_start3A_701 = tpu.memref_slice %arg8[%add3A_695, %dma_start3A_700] : memref<128x128xi32, #tpu.memory_space<vmem>> -> memref<1x128xi32, #tpu.memory_space<vmem>>
      %dma_start3A_702 = tpu.memref_squeeze %dma_start3A_701 : memref<1x128xi32, #tpu.memory_space<vmem>> -> memref<128xi32, #tpu.memory_space<vmem>>
      %dma_start3A_703 = arith.constant 0 : i32
      %dma_start3A_704 = tpu.memref_slice %arg11[%dma_start3A_703] : memref<1185792xf32, #tpu.memory_space<vmem_shared>> -> memref<1185792xf32, #tpu.memory_space<vmem_shared>>
      tpu.enqueue_indirect_dma source(%dma_start3A_699 : memref<128xf32, #tpu.memory_space<vmem>>) target(%dma_start3A_704 : memref<1185792xf32, #tpu.memory_space<vmem_shared>>) offsets(%dma_start3A_702 : memref<128xi32, #tpu.memory_space<vmem>>) semaphore(%arg12 : memref<!tpu.dma_semaphore, #tpu.memory_space<semaphore_mem>>) {add = true}
      %mul3A_705 = arith.constant 8 : i32
      %mul3A_706 = arith.muli %scan3A_639, %mul3A_705 : i32
      %add3A_707 = arith.constant 5 : i32
      %add3A_708 = arith.addi %mul3A_706, %add3A_707 : i32
      %dma_start3A_709 = arith.constant 5 : i32
      %dma_start3A_710 = arith.constant 0 : i32
      %dma_start3A_711 = tpu.memref_slice %arg9[%dma_start3A_709, %dma_start3A_710] : memref<8x128xf32, #tpu.memory_space<vmem>> -> memref<1x128xf32, #tpu.memory_space<vmem>>
      %dma_start3A_712 = tpu.memref_squeeze %dma_start3A_711 : memref<1x128xf32, #tpu.memory_space<vmem>> -> memref<128xf32, #tpu.memory_space<vmem>>
      %dma_start3A_713 = arith.constant 0 : i32
      %dma_start3A_714 = tpu.memref_slice %arg8[%add3A_708, %dma_start3A_713] : memref<128x128xi32, #tpu.memory_space<vmem>> -> memref<1x128xi32, #tpu.memory_space<vmem>>
      %dma_start3A_715 = tpu.memref_squeeze %dma_start3A_714 : memref<1x128xi32, #tpu.memory_space<vmem>> -> memref<128xi32, #tpu.memory_space<vmem>>
      %dma_start3A_716 = arith.constant 0 : i32
      %dma_start3A_717 = tpu.memref_slice %arg11[%dma_start3A_716] : memref<1185792xf32, #tpu.memory_space<vmem_shared>> -> memref<1185792xf32, #tpu.memory_space<vmem_shared>>
      tpu.enqueue_indirect_dma source(%dma_start3A_712 : memref<128xf32, #tpu.memory_space<vmem>>) target(%dma_start3A_717 : memref<1185792xf32, #tpu.memory_space<vmem_shared>>) offsets(%dma_start3A_715 : memref<128xi32, #tpu.memory_space<vmem>>) semaphore(%arg12 : memref<!tpu.dma_semaphore, #tpu.memory_space<semaphore_mem>>) {add = true}
      %mul3A_718 = arith.constant 8 : i32
      %mul3A_719 = arith.muli %scan3A_639, %mul3A_718 : i32
      %add3A_720 = arith.constant 6 : i32
      %add3A_721 = arith.addi %mul3A_719, %add3A_720 : i32
      %dma_start3A_722 = arith.constant 6 : i32
      %dma_start3A_723 = arith.constant 0 : i32
      %dma_start3A_724 = tpu.memref_slice %arg9[%dma_start3A_722, %dma_start3A_723] : memref<8x128xf32, #tpu.memory_space<vmem>> -> memref<1x128xf32, #tpu.memory_space<vmem>>
      %dma_start3A_725 = tpu.memref_squeeze %dma_start3A_724 : memref<1x128xf32, #tpu.memory_space<vmem>> -> memref<128xf32, #tpu.memory_space<vmem>>
      %dma_start3A_726 = arith.constant 0 : i32
      %dma_start3A_727 = tpu.memref_slice %arg8[%add3A_721, %dma_start3A_726] : memref<128x128xi32, #tpu.memory_space<vmem>> -> memref<1x128xi32, #tpu.memory_space<vmem>>
      %dma_start3A_728 = tpu.memref_squeeze %dma_start3A_727 : memref<1x128xi32, #tpu.memory_space<vmem>> -> memref<128xi32, #tpu.memory_space<vmem>>
      %dma_start3A_729 = arith.constant 0 : i32
      %dma_start3A_730 = tpu.memref_slice %arg11[%dma_start3A_729] : memref<1185792xf32, #tpu.memory_space<vmem_shared>> -> memref<1185792xf32, #tpu.memory_space<vmem_shared>>
      tpu.enqueue_indirect_dma source(%dma_start3A_725 : memref<128xf32, #tpu.memory_space<vmem>>) target(%dma_start3A_730 : memref<1185792xf32, #tpu.memory_space<vmem_shared>>) offsets(%dma_start3A_728 : memref<128xi32, #tpu.memory_space<vmem>>) semaphore(%arg12 : memref<!tpu.dma_semaphore, #tpu.memory_space<semaphore_mem>>) {add = true}
      %mul3A_731 = arith.constant 8 : i32
      %mul3A_732 = arith.muli %scan3A_639, %mul3A_731 : i32
      %add3A_733 = arith.constant 7 : i32
      %add3A_734 = arith.addi %mul3A_732, %add3A_733 : i32
      %dma_start3A_735 = arith.constant 7 : i32
      %dma_start3A_736 = arith.constant 0 : i32
      %dma_start3A_737 = tpu.memref_slice %arg9[%dma_start3A_735, %dma_start3A_736] : memref<8x128xf32, #tpu.memory_space<vmem>> -> memref<1x128xf32, #tpu.memory_space<vmem>>
      %dma_start3A_738 = tpu.memref_squeeze %dma_start3A_737 : memref<1x128xf32, #tpu.memory_space<vmem>> -> memref<128xf32, #tpu.memory_space<vmem>>
      %dma_start3A_739 = arith.constant 0 : i32
      %dma_start3A_740 = tpu.memref_slice %arg8[%add3A_734, %dma_start3A_739] : memref<128x128xi32, #tpu.memory_space<vmem>> -> memref<1x128xi32, #tpu.memory_space<vmem>>
      %dma_start3A_741 = tpu.memref_squeeze %dma_start3A_740 : memref<1x128xi32, #tpu.memory_space<vmem>> -> memref<128xi32, #tpu.memory_space<vmem>>
      %dma_start3A_742 = arith.constant 0 : i32
      %dma_start3A_743 = tpu.memref_slice %arg11[%dma_start3A_742] : memref<1185792xf32, #tpu.memory_space<vmem_shared>> -> memref<1185792xf32, #tpu.memory_space<vmem_shared>>
      tpu.enqueue_indirect_dma source(%dma_start3A_738 : memref<128xf32, #tpu.memory_space<vmem>>) target(%dma_start3A_743 : memref<1185792xf32, #tpu.memory_space<vmem_shared>>) offsets(%dma_start3A_741 : memref<128xi32, #tpu.memory_space<vmem>>) semaphore(%arg12 : memref<!tpu.dma_semaphore, #tpu.memory_space<semaphore_mem>>) {add = true}
      %dma_wait3A = arith.constant 0 : i32
      %dma_wait3A_744 = arith.constant 0 : i32
      %dma_wait3A_745 = tpu.memref_slice %arg9[%dma_wait3A, %dma_wait3A_744] : memref<8x128xf32, #tpu.memory_space<vmem>> -> memref<1x128xf32, #tpu.memory_space<vmem>>
      %dma_wait3A_746 = tpu.memref_squeeze %dma_wait3A_745 : memref<1x128xf32, #tpu.memory_space<vmem>> -> memref<128xf32, #tpu.memory_space<vmem>>
      %dma_wait3A_747 = arith.constant 0 : i32
      %dma_wait3A_748 = tpu.memref_slice %arg8[%add3A_644, %dma_wait3A_747] : memref<128x128xi32, #tpu.memory_space<vmem>> -> memref<1x128xi32, #tpu.memory_space<vmem>>
      %dma_wait3A_749 = tpu.memref_squeeze %dma_wait3A_748 : memref<1x128xi32, #tpu.memory_space<vmem>> -> memref<128xi32, #tpu.memory_space<vmem>>
      %dma_wait3A_750 = arith.constant 0 : i32
      %dma_wait3A_751 = tpu.memref_slice %arg11[%dma_wait3A_750] : memref<1185792xf32, #tpu.memory_space<vmem_shared>> -> memref<1185792xf32, #tpu.memory_space<vmem_shared>>
      tpu.wait_indirect_dma semaphore(%arg12 : memref<!tpu.dma_semaphore, #tpu.memory_space<semaphore_mem>>) src(%dma_wait3A_746 : memref<128xf32, #tpu.memory_space<vmem>>) dst(%dma_wait3A_751 : memref<1185792xf32, #tpu.memory_space<vmem_shared>>)
      %dma_wait3A_752 = arith.constant 1 : i32
      %dma_wait3A_753 = arith.constant 0 : i32
      %dma_wait3A_754 = tpu.memref_slice %arg9[%dma_wait3A_752, %dma_wait3A_753] : memref<8x128xf32, #tpu.memory_space<vmem>> -> memref<1x128xf32, #tpu.memory_space<vmem>>
      %dma_wait3A_755 = tpu.memref_squeeze %dma_wait3A_754 : memref<1x128xf32, #tpu.memory_space<vmem>> -> memref<128xf32, #tpu.memory_space<vmem>>
      %dma_wait3A_756 = arith.constant 0 : i32
      %dma_wait3A_757 = tpu.memref_slice %arg8[%add3A_656, %dma_wait3A_756] : memref<128x128xi32, #tpu.memory_space<vmem>> -> memref<1x128xi32, #tpu.memory_space<vmem>>
      %dma_wait3A_758 = tpu.memref_squeeze %dma_wait3A_757 : memref<1x128xi32, #tpu.memory_space<vmem>> -> memref<128xi32, #tpu.memory_space<vmem>>
      %dma_wait3A_759 = arith.constant 0 : i32
      %dma_wait3A_760 = tpu.memref_slice %arg11[%dma_wait3A_759] : memref<1185792xf32, #tpu.memory_space<vmem_shared>> -> memref<1185792xf32, #tpu.memory_space<vmem_shared>>
      tpu.wait_indirect_dma semaphore(%arg12 : memref<!tpu.dma_semaphore, #tpu.memory_space<semaphore_mem>>) src(%dma_wait3A_755 : memref<128xf32, #tpu.memory_space<vmem>>) dst(%dma_wait3A_760 : memref<1185792xf32, #tpu.memory_space<vmem_shared>>)
      %dma_wait3A_761 = arith.constant 2 : i32
      %dma_wait3A_762 = arith.constant 0 : i32
      %dma_wait3A_763 = tpu.memref_slice %arg9[%dma_wait3A_761, %dma_wait3A_762] : memref<8x128xf32, #tpu.memory_space<vmem>> -> memref<1x128xf32, #tpu.memory_space<vmem>>
      %dma_wait3A_764 = tpu.memref_squeeze %dma_wait3A_763 : memref<1x128xf32, #tpu.memory_space<vmem>> -> memref<128xf32, #tpu.memory_space<vmem>>
      %dma_wait3A_765 = arith.constant 0 : i32
      %dma_wait3A_766 = tpu.memref_slice %arg8[%add3A_669, %dma_wait3A_765] : memref<128x128xi32, #tpu.memory_space<vmem>> -> memref<1x128xi32, #tpu.memory_space<vmem>>
      %dma_wait3A_767 = tpu.memref_squeeze %dma_wait3A_766 : memref<1x128xi32, #tpu.memory_space<vmem>> -> memref<128xi32, #tpu.memory_space<vmem>>
      %dma_wait3A_768 = arith.constant 0 : i32
      %dma_wait3A_769 = tpu.memref_slice %arg11[%dma_wait3A_768] : memref<1185792xf32, #tpu.memory_space<vmem_shared>> -> memref<1185792xf32, #tpu.memory_space<vmem_shared>>
      tpu.wait_indirect_dma semaphore(%arg12 : memref<!tpu.dma_semaphore, #tpu.memory_space<semaphore_mem>>) src(%dma_wait3A_764 : memref<128xf32, #tpu.memory_space<vmem>>) dst(%dma_wait3A_769 : memref<1185792xf32, #tpu.memory_space<vmem_shared>>)
      %dma_wait3A_770 = arith.constant 3 : i32
      %dma_wait3A_771 = arith.constant 0 : i32
      %dma_wait3A_772 = tpu.memref_slice %arg9[%dma_wait3A_770, %dma_wait3A_771] : memref<8x128xf32, #tpu.memory_space<vmem>> -> memref<1x128xf32, #tpu.memory_space<vmem>>
      %dma_wait3A_773 = tpu.memref_squeeze %dma_wait3A_772 : memref<1x128xf32, #tpu.memory_space<vmem>> -> memref<128xf32, #tpu.memory_space<vmem>>
      %dma_wait3A_774 = arith.constant 0 : i32
      %dma_wait3A_775 = tpu.memref_slice %arg8[%add3A_682, %dma_wait3A_774] : memref<128x128xi32, #tpu.memory_space<vmem>> -> memref<1x128xi32, #tpu.memory_space<vmem>>
      %dma_wait3A_776 = tpu.memref_squeeze %dma_wait3A_775 : memref<1x128xi32, #tpu.memory_space<vmem>> -> memref<128xi32, #tpu.memory_space<vmem>>
      %dma_wait3A_777 = arith.constant 0 : i32
      %dma_wait3A_778 = tpu.memref_slice %arg11[%dma_wait3A_777] : memref<1185792xf32, #tpu.memory_space<vmem_shared>> -> memref<1185792xf32, #tpu.memory_space<vmem_shared>>
      tpu.wait_indirect_dma semaphore(%arg12 : memref<!tpu.dma_semaphore, #tpu.memory_space<semaphore_mem>>) src(%dma_wait3A_773 : memref<128xf32, #tpu.memory_space<vmem>>) dst(%dma_wait3A_778 : memref<1185792xf32, #tpu.memory_space<vmem_shared>>)
      %dma_wait3A_779 = arith.constant 4 : i32
      %dma_wait3A_780 = arith.constant 0 : i32
      %dma_wait3A_781 = tpu.memref_slice %arg9[%dma_wait3A_779, %dma_wait3A_780] : memref<8x128xf32, #tpu.memory_space<vmem>> -> memref<1x128xf32, #tpu.memory_space<vmem>>
      %dma_wait3A_782 = tpu.memref_squeeze %dma_wait3A_781 : memref<1x128xf32, #tpu.memory_space<vmem>> -> memref<128xf32, #tpu.memory_space<vmem>>
      %dma_wait3A_783 = arith.constant 0 : i32
      %dma_wait3A_784 = tpu.memref_slice %arg8[%add3A_695, %dma_wait3A_783] : memref<128x128xi32, #tpu.memory_space<vmem>> -> memref<1x128xi32, #tpu.memory_space<vmem>>
      %dma_wait3A_785 = tpu.memref_squeeze %dma_wait3A_784 : memref<1x128xi32, #tpu.memory_space<vmem>> -> memref<128xi32, #tpu.memory_space<vmem>>
      %dma_wait3A_786 = arith.constant 0 : i32
      %dma_wait3A_787 = tpu.memref_slice %arg11[%dma_wait3A_786] : memref<1185792xf32, #tpu.memory_space<vmem_shared>> -> memref<1185792xf32, #tpu.memory_space<vmem_shared>>
      tpu.wait_indirect_dma semaphore(%arg12 : memref<!tpu.dma_semaphore, #tpu.memory_space<semaphore_mem>>) src(%dma_wait3A_782 : memref<128xf32, #tpu.memory_space<vmem>>) dst(%dma_wait3A_787 : memref<1185792xf32, #tpu.memory_space<vmem_shared>>)
      %dma_wait3A_788 = arith.constant 5 : i32
      %dma_wait3A_789 = arith.constant 0 : i32
      %dma_wait3A_790 = tpu.memref_slice %arg9[%dma_wait3A_788, %dma_wait3A_789] : memref<8x128xf32, #tpu.memory_space<vmem>> -> memref<1x128xf32, #tpu.memory_space<vmem>>
      %dma_wait3A_791 = tpu.memref_squeeze %dma_wait3A_790 : memref<1x128xf32, #tpu.memory_space<vmem>> -> memref<128xf32, #tpu.memory_space<vmem>>
      %dma_wait3A_792 = arith.constant 0 : i32
      %dma_wait3A_793 = tpu.memref_slice %arg8[%add3A_708, %dma_wait3A_792] : memref<128x128xi32, #tpu.memory_space<vmem>> -> memref<1x128xi32, #tpu.memory_space<vmem>>
      %dma_wait3A_794 = tpu.memref_squeeze %dma_wait3A_793 : memref<1x128xi32, #tpu.memory_space<vmem>> -> memref<128xi32, #tpu.memory_space<vmem>>
      %dma_wait3A_795 = arith.constant 0 : i32
      %dma_wait3A_796 = tpu.memref_slice %arg11[%dma_wait3A_795] : memref<1185792xf32, #tpu.memory_space<vmem_shared>> -> memref<1185792xf32, #tpu.memory_space<vmem_shared>>
      tpu.wait_indirect_dma semaphore(%arg12 : memref<!tpu.dma_semaphore, #tpu.memory_space<semaphore_mem>>) src(%dma_wait3A_791 : memref<128xf32, #tpu.memory_space<vmem>>) dst(%dma_wait3A_796 : memref<1185792xf32, #tpu.memory_space<vmem_shared>>)
      %dma_wait3A_797 = arith.constant 6 : i32
      %dma_wait3A_798 = arith.constant 0 : i32
      %dma_wait3A_799 = tpu.memref_slice %arg9[%dma_wait3A_797, %dma_wait3A_798] : memref<8x128xf32, #tpu.memory_space<vmem>> -> memref<1x128xf32, #tpu.memory_space<vmem>>
      %dma_wait3A_800 = tpu.memref_squeeze %dma_wait3A_799 : memref<1x128xf32, #tpu.memory_space<vmem>> -> memref<128xf32, #tpu.memory_space<vmem>>
      %dma_wait3A_801 = arith.constant 0 : i32
      %dma_wait3A_802 = tpu.memref_slice %arg8[%add3A_721, %dma_wait3A_801] : memref<128x128xi32, #tpu.memory_space<vmem>> -> memref<1x128xi32, #tpu.memory_space<vmem>>
      %dma_wait3A_803 = tpu.memref_squeeze %dma_wait3A_802 : memref<1x128xi32, #tpu.memory_space<vmem>> -> memref<128xi32, #tpu.memory_space<vmem>>
      %dma_wait3A_804 = arith.constant 0 : i32
      %dma_wait3A_805 = tpu.memref_slice %arg11[%dma_wait3A_804] : memref<1185792xf32, #tpu.memory_space<vmem_shared>> -> memref<1185792xf32, #tpu.memory_space<vmem_shared>>
      tpu.wait_indirect_dma semaphore(%arg12 : memref<!tpu.dma_semaphore, #tpu.memory_space<semaphore_mem>>) src(%dma_wait3A_800 : memref<128xf32, #tpu.memory_space<vmem>>) dst(%dma_wait3A_805 : memref<1185792xf32, #tpu.memory_space<vmem_shared>>)
      %dma_wait3A_806 = arith.constant 7 : i32
      %dma_wait3A_807 = arith.constant 0 : i32
      %dma_wait3A_808 = tpu.memref_slice %arg9[%dma_wait3A_806, %dma_wait3A_807] : memref<8x128xf32, #tpu.memory_space<vmem>> -> memref<1x128xf32, #tpu.memory_space<vmem>>
      %dma_wait3A_809 = tpu.memref_squeeze %dma_wait3A_808 : memref<1x128xf32, #tpu.memory_space<vmem>> -> memref<128xf32, #tpu.memory_space<vmem>>
      %dma_wait3A_810 = arith.constant 0 : i32
      %dma_wait3A_811 = tpu.memref_slice %arg8[%add3A_734, %dma_wait3A_810] : memref<128x128xi32, #tpu.memory_space<vmem>> -> memref<1x128xi32, #tpu.memory_space<vmem>>
      %dma_wait3A_812 = tpu.memref_squeeze %dma_wait3A_811 : memref<1x128xi32, #tpu.memory_space<vmem>> -> memref<128xi32, #tpu.memory_space<vmem>>
      %dma_wait3A_813 = arith.constant 0 : i32
      %dma_wait3A_814 = tpu.memref_slice %arg11[%dma_wait3A_813] : memref<1185792xf32, #tpu.memory_space<vmem_shared>> -> memref<1185792xf32, #tpu.memory_space<vmem_shared>>
      tpu.wait_indirect_dma semaphore(%arg12 : memref<!tpu.dma_semaphore, #tpu.memory_space<semaphore_mem>>) src(%dma_wait3A_809 : memref<128xf32, #tpu.memory_space<vmem>>) dst(%dma_wait3A_814 : memref<1185792xf32, #tpu.memory_space<vmem_shared>>)
      %scan3A_815 = arith.constant 0 : i32
      scf.yield %scan3A_815 : i32
    }
    %scan3A_594 = arith.constant 16 : i32
    %run_scoped3A_595 = arith.constant 124 : i32
    "tpu.region"() ({
      %run_scoped3A_639 = tpu.sem_alloc : memref<!tpu.dma_semaphore, #tpu.memory_space<semaphore_mem>>
      %dma_start3A = arith.constant 0 : i32
      %dma_start3A_640 = tpu.memref_slice %arg8[%run_scoped3A_595, %dma_start3A] : memref<128x128xi32, #tpu.memory_space<vmem>> -> memref<1x128xi32, #tpu.memory_space<vmem>>
      %dma_start3A_641 = tpu.memref_squeeze %dma_start3A_640 : memref<1x128xi32, #tpu.memory_space<vmem>> -> memref<128xi32, #tpu.memory_space<vmem>>
      %dma_start3A_642 = arith.constant 0 : i32
      %dma_start3A_643 = tpu.memref_slice %arg11[%dma_start3A_642] : memref<1185792xf32, #tpu.memory_space<vmem_shared>> -> memref<1185792xf32, #tpu.memory_space<vmem_shared>>
      tpu.enqueue_indirect_dma source(%dma_start3A_643 : memref<1185792xf32, #tpu.memory_space<vmem_shared>>) target(%arg10 : memref<128xf32, #tpu.memory_space<vmem>>) offsets(%dma_start3A_641 : memref<128xi32, #tpu.memory_space<vmem>>) semaphore(%run_scoped3A_639 : memref<!tpu.dma_semaphore, #tpu.memory_space<semaphore_mem>>)
      %dma_wait3A = arith.constant 0 : i32
      %dma_wait3A_644 = tpu.memref_slice %arg8[%run_scoped3A_595, %dma_wait3A] : memref<128x128xi32, #tpu.memory_space<vmem>> -> memref<1x128xi32, #tpu.memory_space<vmem>>
      %dma_wait3A_645 = tpu.memref_squeeze %dma_wait3A_644 : memref<1x128xi32, #tpu.memory_space<vmem>> -> memref<128xi32, #tpu.memory_space<vmem>>
      %dma_wait3A_646 = arith.constant 0 : i32
      %dma_wait3A_647 = tpu.memref_slice %arg11[%dma_wait3A_646] : memref<1185792xf32, #tpu.memory_space<vmem_shared>> -> memref<1185792xf32, #tpu.memory_space<vmem_shared>>
      tpu.wait_indirect_dma semaphore(%run_scoped3A_639 : memref<!tpu.dma_semaphore, #tpu.memory_space<semaphore_mem>>) src(%dma_wait3A_647 : memref<1185792xf32, #tpu.memory_space<vmem_shared>>) dst(%arg10 : memref<128xf32, #tpu.memory_space<vmem>>)
      tpu.yield
    }) : () -> ()
    %run_scoped3A_596 = arith.constant 125 : i32
    "tpu.region"() ({
      %run_scoped3A_639 = tpu.sem_alloc : memref<!tpu.dma_semaphore, #tpu.memory_space<semaphore_mem>>
      %dma_start3A = arith.constant 0 : i32
      %dma_start3A_640 = tpu.memref_slice %arg8[%run_scoped3A_596, %dma_start3A] : memref<128x128xi32, #tpu.memory_space<vmem>> -> memref<1x128xi32, #tpu.memory_space<vmem>>
      %dma_start3A_641 = tpu.memref_squeeze %dma_start3A_640 : memref<1x128xi32, #tpu.memory_space<vmem>> -> memref<128xi32, #tpu.memory_space<vmem>>
      %dma_start3A_642 = arith.constant 0 : i32
      %dma_start3A_643 = tpu.memref_slice %arg11[%dma_start3A_642] : memref<1185792xf32, #tpu.memory_space<vmem_shared>> -> memref<1185792xf32, #tpu.memory_space<vmem_shared>>
      tpu.enqueue_indirect_dma source(%dma_start3A_643 : memref<1185792xf32, #tpu.memory_space<vmem_shared>>) target(%arg10 : memref<128xf32, #tpu.memory_space<vmem>>) offsets(%dma_start3A_641 : memref<128xi32, #tpu.memory_space<vmem>>) semaphore(%run_scoped3A_639 : memref<!tpu.dma_semaphore, #tpu.memory_space<semaphore_mem>>)
      %dma_wait3A = arith.constant 0 : i32
      %dma_wait3A_644 = tpu.memref_slice %arg8[%run_scoped3A_596, %dma_wait3A] : memref<128x128xi32, #tpu.memory_space<vmem>> -> memref<1x128xi32, #tpu.memory_space<vmem>>
      %dma_wait3A_645 = tpu.memref_squeeze %dma_wait3A_644 : memref<1x128xi32, #tpu.memory_space<vmem>> -> memref<128xi32, #tpu.memory_space<vmem>>
      %dma_wait3A_646 = arith.constant 0 : i32
      %dma_wait3A_647 = tpu.memref_slice %arg11[%dma_wait3A_646] : memref<1185792xf32, #tpu.memory_space<vmem_shared>> -> memref<1185792xf32, #tpu.memory_space<vmem_shared>>
      tpu.wait_indirect_dma semaphore(%run_scoped3A_639 : memref<!tpu.dma_semaphore, #tpu.memory_space<semaphore_mem>>) src(%dma_wait3A_647 : memref<1185792xf32, #tpu.memory_space<vmem_shared>>) dst(%arg10 : memref<128xf32, #tpu.memory_space<vmem>>)
      tpu.yield
    }) : () -> ()
    %run_scoped3A_597 = arith.constant 126 : i32
    "tpu.region"() ({
      %run_scoped3A_639 = tpu.sem_alloc : memref<!tpu.dma_semaphore, #tpu.memory_space<semaphore_mem>>
      %dma_start3A = arith.constant 0 : i32
      %dma_start3A_640 = tpu.memref_slice %arg8[%run_scoped3A_597, %dma_start3A] : memref<128x128xi32, #tpu.memory_space<vmem>> -> memref<1x128xi32, #tpu.memory_space<vmem>>
      %dma_start3A_641 = tpu.memref_squeeze %dma_start3A_640 : memref<1x128xi32, #tpu.memory_space<vmem>> -> memref<128xi32, #tpu.memory_space<vmem>>
      %dma_start3A_642 = arith.constant 0 : i32
      %dma_start3A_643 = tpu.memref_slice %arg11[%dma_start3A_642] : memref<1185792xf32, #tpu.memory_space<vmem_shared>> -> memref<1185792xf32, #tpu.memory_space<vmem_shared>>
      tpu.enqueue_indirect_dma source(%dma_start3A_643 : memref<1185792xf32, #tpu.memory_space<vmem_shared>>) target(%arg10 : memref<128xf32, #tpu.memory_space<vmem>>) offsets(%dma_start3A_641 : memref<128xi32, #tpu.memory_space<vmem>>) semaphore(%run_scoped3A_639 : memref<!tpu.dma_semaphore, #tpu.memory_space<semaphore_mem>>)
      %dma_wait3A = arith.constant 0 : i32
      %dma_wait3A_644 = tpu.memref_slice %arg8[%run_scoped3A_597, %dma_wait3A] : memref<128x128xi32, #tpu.memory_space<vmem>> -> memref<1x128xi32, #tpu.memory_space<vmem>>
      %dma_wait3A_645 = tpu.memref_squeeze %dma_wait3A_644 : memref<1x128xi32, #tpu.memory_space<vmem>> -> memref<128xi32, #tpu.memory_space<vmem>>
      %dma_wait3A_646 = arith.constant 0 : i32
      %dma_wait3A_647 = tpu.memref_slice %arg11[%dma_wait3A_646] : memref<1185792xf32, #tpu.memory_space<vmem_shared>> -> memref<1185792xf32, #tpu.memory_space<vmem_shared>>
      tpu.wait_indirect_dma semaphore(%run_scoped3A_639 : memref<!tpu.dma_semaphore, #tpu.memory_space<semaphore_mem>>) src(%dma_wait3A_647 : memref<1185792xf32, #tpu.memory_space<vmem_shared>>) dst(%arg10 : memref<128xf32, #tpu.memory_space<vmem>>)
      tpu.yield
    }) : () -> ()
    %run_scoped3A_598 = arith.constant 127 : i32
    "tpu.region"() ({
      %run_scoped3A_639 = tpu.sem_alloc : memref<!tpu.dma_semaphore, #tpu.memory_space<semaphore_mem>>
      %dma_start3A = arith.constant 0 : i32
      %dma_start3A_640 = tpu.memref_slice %arg8[%run_scoped3A_598, %dma_start3A] : memref<128x128xi32, #tpu.memory_space<vmem>> -> memref<1x128xi32, #tpu.memory_space<vmem>>
      %dma_start3A_641 = tpu.memref_squeeze %dma_start3A_640 : memref<1x128xi32, #tpu.memory_space<vmem>> -> memref<128xi32, #tpu.memory_space<vmem>>
      %dma_start3A_642 = arith.constant 0 : i32
      %dma_start3A_643 = tpu.memref_slice %arg11[%dma_start3A_642] : memref<1185792xf32, #tpu.memory_space<vmem_shared>> -> memref<1185792xf32, #tpu.memory_space<vmem_shared>>
      tpu.enqueue_indirect_dma source(%dma_start3A_643 : memref<1185792xf32, #tpu.memory_space<vmem_shared>>) target(%arg10 : memref<128xf32, #tpu.memory_space<vmem>>) offsets(%dma_start3A_641 : memref<128xi32, #tpu.memory_space<vmem>>) semaphore(%run_scoped3A_639 : memref<!tpu.dma_semaphore, #tpu.memory_space<semaphore_mem>>)
      %dma_wait3A = arith.constant 0 : i32
      %dma_wait3A_644 = tpu.memref_slice %arg8[%run_scoped3A_598, %dma_wait3A] : memref<128x128xi32, #tpu.memory_space<vmem>> -> memref<1x128xi32, #tpu.memory_space<vmem>>
      %dma_wait3A_645 = tpu.memref_squeeze %dma_wait3A_644 : memref<1x128xi32, #tpu.memory_space<vmem>> -> memref<128xi32, #tpu.memory_space<vmem>>
      %dma_wait3A_646 = arith.constant 0 : i32
      %dma_wait3A_647 = tpu.memref_slice %arg11[%dma_wait3A_646] : memref<1185792xf32, #tpu.memory_space<vmem_shared>> -> memref<1185792xf32, #tpu.memory_space<vmem_shared>>
      tpu.wait_indirect_dma semaphore(%run_scoped3A_639 : memref<!tpu.dma_semaphore, #tpu.memory_space<semaphore_mem>>) src(%dma_wait3A_647 : memref<1185792xf32, #tpu.memory_space<vmem_shared>>) dst(%arg10 : memref<128xf32, #tpu.memory_space<vmem>>)
      tpu.yield
    }) : () -> ()
    %barrier3A_599 = arith.constant 0 : index
    tpu.barrier barrier_id(%barrier3A_599)
    %delay3A_600 = arith.constant 2000 : i32
    tpu.delay %delay3A_600
    %mul3A_601 = arith.constant 73984 : i32
    %mul3A_602 = arith.muli %arg1, %mul3A_601 : i32
    %add3A_603 = arith.constant 0 : i32
    %add3A_604 = arith.addi %mul3A_602, %add3A_603 : i32
    %mul3A_605 = arith.constant 1183744 : i32
    %mul3A_606 = arith.muli %add3A_574, %mul3A_605 : i32
    %add3A_607 = arith.addi %mul3A_606, %mul3A_602 : i32
    %add3A_608 = arith.constant 0 : i32
    %add3A_609 = arith.addi %add3A_607, %add3A_608 : i32
    "tpu.region"() ({
      %run_scoped3A_639 = tpu.sem_alloc : memref<!tpu.dma_semaphore, #tpu.memory_space<semaphore_mem>>
      %dma_start3A = tpu.memref_slice %arg5[%add3A_609] : memref<4734976xf32, #tpu.memory_space<hbm>> -> memref<16384xf32, #tpu.memory_space<hbm>>
      %dma_start3A_640 = tpu.memref_slice %arg11[%add3A_604] : memref<1185792xf32, #tpu.memory_space<vmem_shared>> -> memref<16384xf32, #tpu.memory_space<vmem_shared>>
      tpu.enqueue_dma source(%dma_start3A_640 : memref<16384xf32, #tpu.memory_space<vmem_shared>>) target(%dma_start3A : memref<16384xf32, #tpu.memory_space<hbm>>) target_semaphore(%run_scoped3A_639 : memref<!tpu.dma_semaphore, #tpu.memory_space<semaphore_mem>>)
      %dma_wait3A = tpu.memref_slice %arg5[%add3A_609] : memref<4734976xf32, #tpu.memory_space<hbm>> -> memref<16384xf32, #tpu.memory_space<hbm>>
      %dma_wait3A_641 = tpu.memref_slice %arg11[%add3A_604] : memref<1185792xf32, #tpu.memory_space<vmem_shared>> -> memref<16384xf32, #tpu.memory_space<vmem_shared>>
      tpu.wait_dma2 semaphore(%run_scoped3A_639 : memref<!tpu.dma_semaphore, #tpu.memory_space<semaphore_mem>>) src(%dma_wait3A_641 : memref<16384xf32, #tpu.memory_space<vmem_shared>>) dst(%dma_wait3A : memref<16384xf32, #tpu.memory_space<hbm>>)
      tpu.yield
    }) : () -> ()
    %add3A_610 = arith.constant 16384 : i32
    %add3A_611 = arith.addi %mul3A_602, %add3A_610 : i32
    %mul3A_612 = arith.constant 1183744 : i32
    %mul3A_613 = arith.muli %add3A_574, %mul3A_612 : i32
    %add3A_614 = arith.addi %mul3A_613, %mul3A_602 : i32
    %add3A_615 = arith.constant 16384 : i32
    %add3A_616 = arith.addi %add3A_614, %add3A_615 : i32
    "tpu.region"() ({
      %run_scoped3A_639 = tpu.sem_alloc : memref<!tpu.dma_semaphore, #tpu.memory_space<semaphore_mem>>
      %dma_start3A = tpu.memref_slice %arg5[%add3A_616] : memref<4734976xf32, #tpu.memory_space<hbm>> -> memref<16384xf32, #tpu.memory_space<hbm>>
      %dma_start3A_640 = tpu.memref_slice %arg11[%add3A_611] : memref<1185792xf32, #tpu.memory_space<vmem_shared>> -> memref<16384xf32, #tpu.memory_space<vmem_shared>>
      tpu.enqueue_dma source(%dma_start3A_640 : memref<16384xf32, #tpu.memory_space<vmem_shared>>) target(%dma_start3A : memref<16384xf32, #tpu.memory_space<hbm>>) target_semaphore(%run_scoped3A_639 : memref<!tpu.dma_semaphore, #tpu.memory_space<semaphore_mem>>)
      %dma_wait3A = tpu.memref_slice %arg5[%add3A_616] : memref<4734976xf32, #tpu.memory_space<hbm>> -> memref<16384xf32, #tpu.memory_space<hbm>>
      %dma_wait3A_641 = tpu.memref_slice %arg11[%add3A_611] : memref<1185792xf32, #tpu.memory_space<vmem_shared>> -> memref<16384xf32, #tpu.memory_space<vmem_shared>>
      tpu.wait_dma2 semaphore(%run_scoped3A_639 : memref<!tpu.dma_semaphore, #tpu.memory_space<semaphore_mem>>) src(%dma_wait3A_641 : memref<16384xf32, #tpu.memory_space<vmem_shared>>) dst(%dma_wait3A : memref<16384xf32, #tpu.memory_space<hbm>>)
      tpu.yield
    }) : () -> ()
    %add3A_617 = arith.constant 32768 : i32
    %add3A_618 = arith.addi %mul3A_602, %add3A_617 : i32
    %mul3A_619 = arith.constant 1183744 : i32
    %mul3A_620 = arith.muli %add3A_574, %mul3A_619 : i32
    %add3A_621 = arith.addi %mul3A_620, %mul3A_602 : i32
    %add3A_622 = arith.constant 32768 : i32
    %add3A_623 = arith.addi %add3A_621, %add3A_622 : i32
    "tpu.region"() ({
      %run_scoped3A_639 = tpu.sem_alloc : memref<!tpu.dma_semaphore, #tpu.memory_space<semaphore_mem>>
      %dma_start3A = tpu.memref_slice %arg5[%add3A_623] : memref<4734976xf32, #tpu.memory_space<hbm>> -> memref<16384xf32, #tpu.memory_space<hbm>>
      %dma_start3A_640 = tpu.memref_slice %arg11[%add3A_618] : memref<1185792xf32, #tpu.memory_space<vmem_shared>> -> memref<16384xf32, #tpu.memory_space<vmem_shared>>
      tpu.enqueue_dma source(%dma_start3A_640 : memref<16384xf32, #tpu.memory_space<vmem_shared>>) target(%dma_start3A : memref<16384xf32, #tpu.memory_space<hbm>>) target_semaphore(%run_scoped3A_639 : memref<!tpu.dma_semaphore, #tpu.memory_space<semaphore_mem>>)
      %dma_wait3A = tpu.memref_slice %arg5[%add3A_623] : memref<4734976xf32, #tpu.memory_space<hbm>> -> memref<16384xf32, #tpu.memory_space<hbm>>
      %dma_wait3A_641 = tpu.memref_slice %arg11[%add3A_618] : memref<1185792xf32, #tpu.memory_space<vmem_shared>> -> memref<16384xf32, #tpu.memory_space<vmem_shared>>
      tpu.wait_dma2 semaphore(%run_scoped3A_639 : memref<!tpu.dma_semaphore, #tpu.memory_space<semaphore_mem>>) src(%dma_wait3A_641 : memref<16384xf32, #tpu.memory_space<vmem_shared>>) dst(%dma_wait3A : memref<16384xf32, #tpu.memory_space<hbm>>)
      tpu.yield
    }) : () -> ()
    %add3A_624 = arith.constant 49152 : i32
    %add3A_625 = arith.addi %mul3A_602, %add3A_624 : i32
    %mul3A_626 = arith.constant 1183744 : i32
    %mul3A_627 = arith.muli %add3A_574, %mul3A_626 : i32
    %add3A_628 = arith.addi %mul3A_627, %mul3A_602 : i32
    %add3A_629 = arith.constant 49152 : i32
    %add3A_630 = arith.addi %add3A_628, %add3A_629 : i32
    "tpu.region"() ({
      %run_scoped3A_639 = tpu.sem_alloc : memref<!tpu.dma_semaphore, #tpu.memory_space<semaphore_mem>>
      %dma_start3A = tpu.memref_slice %arg5[%add3A_630] : memref<4734976xf32, #tpu.memory_space<hbm>> -> memref<16384xf32, #tpu.memory_space<hbm>>
      %dma_start3A_640 = tpu.memref_slice %arg11[%add3A_625] : memref<1185792xf32, #tpu.memory_space<vmem_shared>> -> memref<16384xf32, #tpu.memory_space<vmem_shared>>
      tpu.enqueue_dma source(%dma_start3A_640 : memref<16384xf32, #tpu.memory_space<vmem_shared>>) target(%dma_start3A : memref<16384xf32, #tpu.memory_space<hbm>>) target_semaphore(%run_scoped3A_639 : memref<!tpu.dma_semaphore, #tpu.memory_space<semaphore_mem>>)
      %dma_wait3A = tpu.memref_slice %arg5[%add3A_630] : memref<4734976xf32, #tpu.memory_space<hbm>> -> memref<16384xf32, #tpu.memory_space<hbm>>
      %dma_wait3A_641 = tpu.memref_slice %arg11[%add3A_625] : memref<1185792xf32, #tpu.memory_space<vmem_shared>> -> memref<16384xf32, #tpu.memory_space<vmem_shared>>
      tpu.wait_dma2 semaphore(%run_scoped3A_639 : memref<!tpu.dma_semaphore, #tpu.memory_space<semaphore_mem>>) src(%dma_wait3A_641 : memref<16384xf32, #tpu.memory_space<vmem_shared>>) dst(%dma_wait3A : memref<16384xf32, #tpu.memory_space<hbm>>)
      tpu.yield
    }) : () -> ()
    %add3A_631 = arith.constant 65536 : i32
    %add3A_632 = arith.addi %mul3A_602, %add3A_631 : i32
    %mul3A_633 = arith.constant 1183744 : i32
    %mul3A_634 = arith.muli %add3A_574, %mul3A_633 : i32
    %add3A_635 = arith.addi %mul3A_634, %mul3A_602 : i32
    %add3A_636 = arith.constant 65536 : i32
    %add3A_637 = arith.addi %add3A_635, %add3A_636 : i32
    "tpu.region"() ({
      %run_scoped3A_639 = tpu.sem_alloc : memref<!tpu.dma_semaphore, #tpu.memory_space<semaphore_mem>>
      %dma_start3A = tpu.memref_slice %arg5[%add3A_637] : memref<4734976xf32, #tpu.memory_space<hbm>> -> memref<8448xf32, #tpu.memory_space<hbm>>
      %dma_start3A_640 = tpu.memref_slice %arg11[%add3A_632] : memref<1185792xf32, #tpu.memory_space<vmem_shared>> -> memref<8448xf32, #tpu.memory_space<vmem_shared>>
      tpu.enqueue_dma source(%dma_start3A_640 : memref<8448xf32, #tpu.memory_space<vmem_shared>>) target(%dma_start3A : memref<8448xf32, #tpu.memory_space<hbm>>) target_semaphore(%run_scoped3A_639 : memref<!tpu.dma_semaphore, #tpu.memory_space<semaphore_mem>>)
      %dma_wait3A = tpu.memref_slice %arg5[%add3A_637] : memref<4734976xf32, #tpu.memory_space<hbm>> -> memref<8448xf32, #tpu.memory_space<hbm>>
      %dma_wait3A_641 = tpu.memref_slice %arg11[%add3A_632] : memref<1185792xf32, #tpu.memory_space<vmem_shared>> -> memref<8448xf32, #tpu.memory_space<vmem_shared>>
      tpu.wait_dma2 semaphore(%run_scoped3A_639 : memref<!tpu.dma_semaphore, #tpu.memory_space<semaphore_mem>>) src(%dma_wait3A_641 : memref<8448xf32, #tpu.memory_space<vmem_shared>>) dst(%dma_wait3A : memref<8448xf32, #tpu.memory_space<hbm>>)
      tpu.yield
    }) : () -> ()
    %barrier3A_638 = arith.constant 0 : index
    tpu.barrier barrier_id(%barrier3A_638)
    return
  }
}

module attributes {stable_mosaic.version = 14 : i64} {
  func.func @body(%arg0: i32, %arg1: memref<128x2176xf32, #tpu.memory_space<vmem>>, %arg2: memref<2176x2xf32, #tpu.memory_space<vmem>>, %arg3: memref<2x512xf32, #tpu.memory_space<vmem>>, %arg4: memref<1x512xf32, #tpu.memory_space<vmem>>, %arg5: memref<512x512xf32, #tpu.memory_space<vmem>>, %arg6: memref<512x512xf32, #tpu.memory_space<vmem>>, %arg7: memref<1x512xf32, #tpu.memory_space<vmem>>, %arg8: memref<512x512xf32, #tpu.memory_space<vmem>>, %arg9: memref<1024x256xf32, #tpu.memory_space<vmem>>, %arg10: memref<128xi32, #tpu.memory_space<smem>>, %arg11: memref<128xi32, #tpu.memory_space<smem>>, %arg12: memref<128xi32, #tpu.memory_space<smem>>, %arg13: memref<1x128xi32, #tpu.memory_space<vmem>>, %arg14: memref<2176x512xf32, #tpu.memory_space<vmem>>, %arg15: memref<2176x512xf32, #tpu.memory_space<vmem>>, %arg16: memref<1024x256xf32, #tpu.memory_space<vmem>>) attributes {dimension_semantics = [#tpu.dimension_semantics<arbitrary>], iteration_bounds = array<i64: 18>, scalar_prefetch = 0 : i64, scratch_operands = 3 : i64, tpu.core_type = #tpu.core_type<tc>, window_params = [{transform_indices = @transform_0, window_bounds = array<i64: 128, 2176>}, {pipeline_mode = #tpu.pipeline_mode<synchronous>, transform_indices = @transform_1, window_bounds = array<i64: 2176, 2>}, {pipeline_mode = #tpu.pipeline_mode<synchronous>, transform_indices = @transform_2, window_bounds = array<i64: 2, 512>}, {pipeline_mode = #tpu.pipeline_mode<synchronous>, transform_indices = @transform_3, window_bounds = array<i64: 1, 512>}, {pipeline_mode = #tpu.pipeline_mode<synchronous>, transform_indices = @transform_4, window_bounds = array<i64: 512, 512>}, {pipeline_mode = #tpu.pipeline_mode<synchronous>, transform_indices = @transform_5, window_bounds = array<i64: 512, 512>}, {pipeline_mode = #tpu.pipeline_mode<synchronous>, transform_indices = @transform_6, window_bounds = array<i64: 1, 512>}, {pipeline_mode = #tpu.pipeline_mode<synchronous>, transform_indices = @transform_7, window_bounds = array<i64: 512, 512>}, {pipeline_mode = #tpu.pipeline_mode<synchronous>, transform_indices = @transform_8, window_bounds = array<i64: 1024, 256>}, {transform_indices = @transform_9, window_bounds = array<i64: 128>}, {transform_indices = @transform_10, window_bounds = array<i64: 128>}, {transform_indices = @transform_11, window_bounds = array<i64: 128>}, {pipeline_mode = #tpu.pipeline_mode<synchronous>, transform_indices = @transform_12, window_bounds = array<i64: 1, 128>}]} {
    %eq3A = arith.constant 0 : i32
    %eq3A_0 = arith.cmpi eq, %arg0, %eq3A : i32
    %convert_element_type3A = arith.extui %eq3A_0 : i1 to i32
    %cond3A = arith.constant 0 : i32
    %cond3A_1 = arith.cmpi ne, %convert_element_type3A, %cond3A : i32
    scf.if %cond3A_1 {
      %get3A = arith.constant 0 : index
      %get3A_11 = arith.constant 0 : index
      %get3A_12 = vector.load %arg2[%get3A, %get3A_11] : memref<2176x2xf32, #tpu.memory_space<vmem>>, vector<2176x1xf32>
      %convert_element_type3A_13 = arith.truncf %get3A_12 : vector<2176x1xf32> to vector<2176x1xbf16>
      %convert_element_type3A_14 = arith.extf %convert_element_type3A_13 : vector<2176x1xbf16> to vector<2176x1xf32>
      %get3A_15 = arith.constant 0 : index
      %get3A_16 = arith.constant 1 : index
      %get3A_17 = vector.load %arg2[%get3A_15, %get3A_16] : memref<2176x2xf32, #tpu.memory_space<vmem>>, vector<2176x1xf32>
      %convert_element_type3A_18 = arith.truncf %get3A_17 : vector<2176x1xf32> to vector<2176x1xbf16>
      %convert_element_type3A_19 = arith.extf %convert_element_type3A_18 : vector<2176x1xbf16> to vector<2176x1xf32>
      %get3A_20 = arith.constant 0 : index
      %get3A_21 = arith.constant 0 : index
      %get3A_22 = vector.load %arg3[%get3A_20, %get3A_21] : memref<2x512xf32, #tpu.memory_space<vmem>>, vector<1x512xf32>
      %convert_element_type3A_23 = arith.truncf %get3A_22 : vector<1x512xf32> to vector<1x512xbf16>
      %convert_element_type3A_24 = arith.extf %convert_element_type3A_23 : vector<1x512xbf16> to vector<1x512xf32>
      %get3A_25 = arith.constant 1 : index
      %get3A_26 = arith.constant 0 : index
      %get3A_27 = vector.load %arg3[%get3A_25, %get3A_26] : memref<2x512xf32, #tpu.memory_space<vmem>>, vector<1x512xf32>
      %convert_element_type3A_28 = arith.truncf %get3A_27 : vector<1x512xf32> to vector<1x512xbf16>
      %convert_element_type3A_29 = arith.extf %convert_element_type3A_28 : vector<1x512xbf16> to vector<1x512xf32>
      %mul3A = vector.broadcast %convert_element_type3A_14 : vector<2176x1xf32> to vector<2176x512xf32>
      %mul3A_30 = vector.broadcast %convert_element_type3A_24 : vector<1x512xf32> to vector<2176x512xf32>
      %mul3A_31 = arith.mulf %mul3A, %mul3A_30 : vector<2176x512xf32>
      %mul3A_32 = vector.broadcast %convert_element_type3A_19 : vector<2176x1xf32> to vector<2176x512xf32>
      %mul3A_33 = vector.broadcast %convert_element_type3A_29 : vector<1x512xf32> to vector<2176x512xf32>
      %mul3A_34 = arith.mulf %mul3A_32, %mul3A_33 : vector<2176x512xf32>
      %add3A = arith.addf %mul3A_31, %mul3A_34 : vector<2176x512xf32>
      %get3A_35 = arith.constant 0 : index
      %get3A_36 = arith.constant 0 : index
      %get3A_37 = vector.load %arg4[%get3A_35, %get3A_36] : memref<1x512xf32, #tpu.memory_space<vmem>>, vector<1x512xf32>
      %add3A_38 = vector.broadcast %get3A_37 : vector<1x512xf32> to vector<2176x512xf32>
      %add3A_39 = arith.addf %add3A, %add3A_38 : vector<2176x512xf32>
      %swap3A = arith.constant 0 : index
      %swap3A_40 = arith.constant 0 : index
      %swap3A_41 = vector.load %arg14[%swap3A, %swap3A_40] : memref<2176x512xf32, #tpu.memory_space<vmem>>, vector<2176x512xf32>
      tpu.vector_store %arg14[%swap3A, %swap3A_40], %add3A_39 {strides = array<i32>} : memref<2176x512xf32, #tpu.memory_space<vmem>>, vector<2176x512xf32>,
    } else {
    }
    %lt3A = arith.constant 17 : i32
    %lt3A_2 = arith.cmpi slt, %arg0, %lt3A : i32
    %convert_element_type3A_3 = arith.extui %lt3A_2 : i1 to i32
    %cond3A_4 = arith.constant 0 : i32
    %cond3A_5 = arith.cmpi ne, %convert_element_type3A_3, %cond3A_4 : i32
    scf.if %cond3A_5 {
      %get3A = arith.constant 0 : index
      %get3A_11 = arith.constant 0 : index
      %get3A_12 = vector.load %arg1[%get3A, %get3A_11] : memref<128x2176xf32, #tpu.memory_space<vmem>>, vector<128x2176xf32>
      %reduce_sum3A = arith.constant dense<0.000000e+00> : vector<128xf32>
      %reduce_sum3A_13 = vector.multi_reduction <add>, %get3A_12, %reduce_sum3A [1] : vector<128x2176xf32> to vector<128xf32>
      %broadcast_in_dim3A = vector.shape_cast %reduce_sum3A_13 : vector<128xf32> to vector<128x1xf32>
      %get3A_14 = arith.constant 0 : index
      %get3A_15 = arith.constant 0 : index
      %get3A_16 = vector.load %arg14[%get3A_14, %get3A_15] : memref<2176x512xf32, #tpu.memory_space<vmem>>, vector<2176x512xf32>
      %dot_general3A = arith.constant dense<0.000000e+00> : vector<128x512xf32>
      %dot_general3A_17 = tpu.matmul %get3A_12, %get3A_16, %dot_general3A {dimension_numbers = #tpu.dot_dimension_numbers<[1], [0], [0], [1], [0, 0, 1, 1], [], []>, precision = #tpu.contract_precision<fp32>, transpose_lhs_hint = false} : vector<128x2176xf32>, vector<2176x512xf32>, vector<128x512xf32> -> vector<128x512xf32>
      %max3A = arith.constant 1.000000e+00 : f32
      %max3A_18 = vector.broadcast %max3A : f32 to vector<128x1xf32>
      %max3A_19 = arith.maximumf %broadcast_in_dim3A, %max3A_18 : vector<128x1xf32>
      %div3A = vector.broadcast %max3A_19 : vector<128x1xf32> to vector<128x512xf32>
      %div3A_20 = arith.divf %dot_general3A_17, %div3A : vector<128x512xf32>
      %mul3A = arith.constant 128 : i32
      %mul3A_21 = arith.muli %arg0, %mul3A : i32
      %get3A_22 = arith.index_cast %mul3A_21 : i32 to index
      %get3A_23 = arith.constant 0 : index
      %get3A_24 = vector.load %arg14[%get3A_22, %get3A_23] : memref<2176x512xf32, #tpu.memory_space<vmem>>, vector<128x512xf32>
      %get3A_25 = arith.constant 0 : index
      %get3A_26 = arith.constant 0 : index
      %get3A_27 = vector.load %arg5[%get3A_25, %get3A_26] : memref<512x512xf32, #tpu.memory_space<vmem>>, vector<512x512xf32>
      %dot_general3A_28 = arith.constant dense<0.000000e+00> : vector<128x512xf32>
      %dot_general3A_29 = tpu.matmul %get3A_24, %get3A_27, %dot_general3A_28 {dimension_numbers = #tpu.dot_dimension_numbers<[1], [0], [0], [1], [0, 0, 1, 1], [], []>, transpose_lhs_hint = false} : vector<128x512xf32>, vector<512x512xf32>, vector<128x512xf32> -> vector<128x512xf32>
      %get3A_30 = arith.constant 0 : index
      %get3A_31 = arith.constant 0 : index
      %get3A_32 = vector.load %arg6[%get3A_30, %get3A_31] : memref<512x512xf32, #tpu.memory_space<vmem>>, vector<512x512xf32>
      %dot_general3A_33 = arith.constant dense<0.000000e+00> : vector<128x512xf32>
      %dot_general3A_34 = tpu.matmul %div3A_20, %get3A_32, %dot_general3A_33 {dimension_numbers = #tpu.dot_dimension_numbers<[1], [0], [0], [1], [0, 0, 1, 1], [], []>, transpose_lhs_hint = false} : vector<128x512xf32>, vector<512x512xf32>, vector<128x512xf32> -> vector<128x512xf32>
      %add3A = arith.addf %dot_general3A_29, %dot_general3A_34 : vector<128x512xf32>
      %get3A_35 = arith.constant 0 : index
      %get3A_36 = arith.constant 0 : index
      %get3A_37 = vector.load %arg7[%get3A_35, %get3A_36] : memref<1x512xf32, #tpu.memory_space<vmem>>, vector<1x512xf32>
      %add3A_38 = vector.broadcast %get3A_37 : vector<1x512xf32> to vector<128x512xf32>
      %add3A_39 = arith.addf %add3A, %add3A_38 : vector<128x512xf32>
      %max3A_40 = arith.constant 0.000000e+00 : f32
      %max3A_41 = vector.broadcast %max3A_40 : f32 to vector<128x512xf32>
      %max3A_42 = arith.maximumf %add3A_39, %max3A_41 : vector<128x512xf32>
      %add3A_43 = arith.addf %max3A_42, %get3A_24 : vector<128x512xf32>
      %mul3A_44 = arith.constant 128 : i32
      %mul3A_45 = arith.muli %arg0, %mul3A_44 : i32
      %swap3A = arith.index_cast %mul3A_45 : i32 to index
      %swap3A_46 = arith.constant 0 : index
      %swap3A_47 = vector.load %arg15[%swap3A, %swap3A_46] : memref<2176x512xf32, #tpu.memory_space<vmem>>, vector<128x512xf32>
      tpu.vector_store %arg15[%swap3A, %swap3A_46], %add3A_43 {strides = array<i32>} : memref<2176x512xf32, #tpu.memory_space<vmem>>, vector<128x512xf32>,
    } else {
    }
    %eq3A_6 = arith.constant 17 : i32
    %eq3A_7 = arith.cmpi eq, %arg0, %eq3A_6 : i32
    %convert_element_type3A_8 = arith.extui %eq3A_7 : i1 to i32
    %cond3A_9 = arith.constant 0 : i32
    %cond3A_10 = arith.cmpi ne, %convert_element_type3A_8, %cond3A_9 : i32
    scf.if %cond3A_10 {
      %get3A = arith.constant 0 : index
      %get3A_11 = arith.constant 0 : index
      %get3A_12 = vector.load %arg15[%get3A, %get3A_11] : memref<2176x512xf32, #tpu.memory_space<vmem>>, vector<128x512xf32>
      %get3A_13 = arith.constant 128 : index
      %get3A_14 = arith.constant 0 : index
      %get3A_15 = vector.load %arg15[%get3A_13, %get3A_14] : memref<2176x512xf32, #tpu.memory_space<vmem>>, vector<2048x512xf32>
      %get3A_16 = arith.constant 0 : index
      %get3A_17 = arith.constant 0 : index
      %get3A_18 = vector.load %arg8[%get3A_16, %get3A_17] : memref<512x512xf32, #tpu.memory_space<vmem>>, vector<512x512xf32>
      %dot_general3A = arith.constant dense<0.000000e+00> : vector<128x512xf32>
      %dot_general3A_19 = tpu.matmul %get3A_12, %get3A_18, %dot_general3A {dimension_numbers = #tpu.dot_dimension_numbers<[1], [0], [0], [1], [0, 0, 1, 1], [], []>, transpose_lhs_hint = false} : vector<128x512xf32>, vector<512x512xf32>, vector<128x512xf32> -> vector<128x512xf32>
      %dot_general3A_20 = arith.constant dense<0.000000e+00> : vector<128x2048xf32>
      %dot_general3A_21 = tpu.matmul %dot_general3A_19, %get3A_15, %dot_general3A_20 {dimension_numbers = #tpu.dot_dimension_numbers<[1], [1], [0], [0], [0, 0, 1, 0], [], []>, transpose_lhs_hint = false} : vector<128x512xf32>, vector<2048x512xf32>, vector<128x2048xf32> -> vector<128x2048xf32>
      %reduce_max3A = arith.constant dense<0xFF800000> : vector<128xf32>
      %reduce_max3A_22 = vector.multi_reduction <maximumf>, %dot_general3A_21, %reduce_max3A [1] : vector<128x2048xf32> to vector<128xf32>
      %broadcast_in_dim3A = vector.shape_cast %reduce_max3A_22 : vector<128xf32> to vector<128x1xf32>
      %sub3A = vector.broadcast %broadcast_in_dim3A : vector<128x1xf32> to vector<128x2048xf32>
      %sub3A_23 = arith.subf %dot_general3A_21, %sub3A : vector<128x2048xf32>
      %exp3A = math.exp %sub3A_23 : vector<128x2048xf32>
      %reduce_sum3A = arith.constant dense<0.000000e+00> : vector<128xf32>
      %reduce_sum3A_24 = vector.multi_reduction <add>, %exp3A, %reduce_sum3A [1] : vector<128x2048xf32> to vector<128xf32>
      %broadcast_in_dim3A_25 = vector.shape_cast %reduce_sum3A_24 : vector<128xf32> to vector<128x1xf32>
      %div3A = vector.broadcast %broadcast_in_dim3A_25 : vector<128x1xf32> to vector<128x2048xf32>
      %div3A_26 = arith.divf %exp3A, %div3A : vector<128x2048xf32>
      %iota3A = tpu.iota {dimensions = array<i32: 1>} : vector<128x2048xi32>
      %eq3A_27 = arith.constant 2047 : i32
      %eq3A_28 = vector.broadcast %eq3A_27 : i32 to vector<128x2048xi32>
      %eq3A_29 = arith.cmpi eq, %iota3A, %eq3A_28 : vector<128x2048xi32>
      %jit3A = arith.constant 9.99999974E-6 : f32
      %broadcast_in_dim3A_30 = vector.broadcast %jit3A : f32 to vector<128x2048xf32>
      %select_n3A = arith.select %eq3A_29, %broadcast_in_dim3A_30, %div3A_26 : vector<128x2048xi1>, vector<128x2048xf32>
      %add3A = arith.constant 9.99999996E-13 : f32
      %add3A_31 = vector.broadcast %add3A : f32 to vector<128x2048xf32>
      %add3A_32 = arith.addf %select_n3A, %add3A_31 : vector<128x2048xf32>
      %log3A = math.log %add3A_32 : vector<128x2048xf32>
      %reshape3A = vector.shape_cast %log3A : vector<128x2048xf32> to vector<1024x256xf32>
      %swap3A = arith.constant 0 : index
      %swap3A_33 = arith.constant 0 : index
      %swap3A_34 = vector.load %arg16[%swap3A, %swap3A_33] : memref<1024x256xf32, #tpu.memory_space<vmem>>, vector<1024x256xf32>
      tpu.vector_store %arg16[%swap3A, %swap3A_33], %reshape3A {strides = array<i32>} : memref<1024x256xf32, #tpu.memory_space<vmem>>, vector<1024x256xf32>,
      %log3A_35 = arith.constant 9.99999996E-13 : f32
      %log3A_36 = math.log %log3A_35 : f32
      %iota3A_37 = tpu.iota {dimensions = array<i32: 0>} : vector<8x256xi32>
      %mul3A = arith.constant 256 : i32
      %mul3A_38 = vector.broadcast %mul3A : i32 to vector<8x256xi32>
      %mul3A_39 = arith.muli %iota3A_37, %mul3A_38 : vector<8x256xi32>
      %iota3A_40 = tpu.iota {dimensions = array<i32: 1>} : vector<8x256xi32>
      %add3A_41 = arith.addi %mul3A_39, %iota3A_40 : vector<8x256xi32>
      %iota3A_42 = tpu.iota {dimensions = array<i32: 1>} : vector<1x128xi32>
      %broadcast_in_dim3A_43 = arith.constant 0 : i32
      %broadcast_in_dim3A_44 = vector.broadcast %broadcast_in_dim3A_43 : i32 to vector<8x256xi32>
      %broadcast_in_dim3A_45 = arith.constant 0 : i32
      %broadcast_in_dim3A_46 = vector.broadcast %broadcast_in_dim3A_45 : i32 to vector<1x128xi32>
      %scan3A = arith.constant 0 : i32
      %scan3A_47 = arith.constant 128 : i32
      %scan3A_48 = arith.addi %scan3A, %scan3A_47 : i32
      %scan3A_49 = arith.constant 1 : i32
      %scan3A_50:2 = scf.for %scan3A_55 = %scan3A to %scan3A_48 step %scan3A_49 iter_args(%scan3A_56 = %broadcast_in_dim3A_44, %scan3A_57 = %broadcast_in_dim3A_46) -> (vector<8x256xi32>, vector<1x128xi32>)  : i32 {
        %get3A_58 = arith.index_cast %scan3A_55 : i32 to index
        %get3A_59 = memref.load %arg10[%get3A_58] : memref<128xi32, #tpu.memory_space<smem>>
        %mul3A_60 = arith.constant 8 : i32
        %mul3A_61 = arith.muli %get3A_59, %mul3A_60 : i32
        %get3A_62 = arith.index_cast %mul3A_61 : i32 to index
        %get3A_63 = arith.constant 0 : index
        %get3A_64 = vector.load %arg16[%get3A_62, %get3A_63] : memref<1024x256xf32, #tpu.memory_space<vmem>>, vector<8x256xf32>
        %mul3A_65 = arith.constant 8 : i32
        %mul3A_66 = arith.muli %scan3A_55, %mul3A_65 : i32
        %get3A_67 = arith.index_cast %mul3A_66 : i32 to index
        %get3A_68 = arith.constant 0 : index
        %get3A_69 = vector.load %arg9[%get3A_67, %get3A_68] : memref<1024x256xf32, #tpu.memory_space<vmem>>, vector<8x256xf32>
        %ne3A = arith.constant 0 : i32
        %ne3A_70 = vector.broadcast %ne3A : i32 to vector<8x256xi32>
        %ne3A_71 = arith.cmpi ne, %scan3A_56, %ne3A_70 : vector<8x256xi32>
        %broadcast_in_dim3A_72 = vector.broadcast %log3A_36 : f32 to vector<8x256xf32>
        %select_n3A_73 = arith.select %ne3A_71, %broadcast_in_dim3A_72, %get3A_64 : vector<8x256xi1>, vector<8x256xf32>
        %add3A_74 = arith.addf %select_n3A_73, %get3A_69 : vector<8x256xf32>
        %reduce_max3A_75 = vector.shape_cast %add3A_74 : vector<8x256xf32> to vector<1x8x256xf32>
        %reduce_max3A_76 = arith.constant dense<0xFF800000> : vector<1xf32>
        %reduce_max3A_77 = vector.multi_reduction <maximumf>, %reduce_max3A_75, %reduce_max3A_76 [1, 2] : vector<1x8x256xf32> to vector<1xf32>
        %reduce_max3A_78 = vector.shape_cast %reduce_max3A_77 : vector<1xf32> to vector<1x1x1xf32>
        %reduce_max3A_79 = vector.extract %reduce_max3A_78[0, 0, 0] : f32 from vector<1x1x1xf32>
        %eq3A_80 = vector.broadcast %reduce_max3A_79 : f32 to vector<8x256xf32>
        %eq3A_81 = arith.cmpf oeq, %add3A_74, %eq3A_80 : vector<8x256xf32>
        %jit3A_82 = arith.constant 2048 : i32
        %broadcast_in_dim3A_83 = vector.broadcast %jit3A_82 : i32 to vector<8x256xi32>
        %select_n3A_84 = arith.select %eq3A_81, %add3A_41, %broadcast_in_dim3A_83 : vector<8x256xi1>, vector<8x256xi32>
        %reduce_min3A = vector.shape_cast %select_n3A_84 : vector<8x256xi32> to vector<1x8x256xi32>
        %reduce_min3A_85 = arith.constant dense<2147483647> : vector<1xi32>
        %reduce_min3A_86 = vector.multi_reduction <minsi>, %reduce_min3A, %reduce_min3A_85 [1, 2] : vector<1x8x256xi32> to vector<1xi32>
        %reduce_min3A_87 = vector.shape_cast %reduce_min3A_86 : vector<1xi32> to vector<1x1x1xi32>
        %reduce_min3A_88 = vector.extract %reduce_min3A_87[0, 0, 0] : i32 from vector<1x1x1xi32>
        %get3A_89 = arith.index_cast %get3A_59 : i32 to index
        %get3A_90 = memref.load %arg11[%get3A_89] : memref<128xi32, #tpu.memory_space<smem>>
        %ne3A_91 = arith.constant 0 : i32
        %ne3A_92 = arith.cmpi ne, %get3A_90, %ne3A_91 : i32
        %get3A_93 = arith.index_cast %get3A_59 : i32 to index
        %get3A_94 = memref.load %arg12[%get3A_93] : memref<128xi32, #tpu.memory_space<smem>>
        %select_n3A_95 = arith.select %ne3A_92, %get3A_94, %reduce_min3A_88 : i32
        %eq3A_96 = vector.broadcast %select_n3A_95 : i32 to vector<8x256xi32>
        %eq3A_97 = arith.cmpi eq, %add3A_41, %eq3A_96 : vector<8x256xi32>
        %ne3A_98 = arith.constant 2047 : i32
        %ne3A_99 = arith.cmpi ne, %select_n3A_95, %ne3A_98 : i32
        %and3A = vector.broadcast %ne3A_99 : i1 to vector<8x256xi1>
        %and3A_100 = arith.andi %eq3A_97, %and3A : vector<8x256xi1>
        %convert_element_type3A_101 = arith.extui %and3A_100 : vector<8x256xi1> to vector<8x256xi32>
        %or3A = arith.ori %scan3A_56, %convert_element_type3A_101 : vector<8x256xi32>
        %eq3A_102 = vector.broadcast %scan3A_55 : i32 to vector<1x128xi32>
        %eq3A_103 = arith.cmpi eq, %iota3A_42, %eq3A_102 : vector<1x128xi32>
        %broadcast_in_dim3A_104 = vector.broadcast %select_n3A_95 : i32 to vector<1x128xi32>
        %select_n3A_105 = arith.select %eq3A_103, %broadcast_in_dim3A_104, %scan3A_57 : vector<1x128xi1>, vector<1x128xi32>
        scf.yield %or3A, %select_n3A_105 : vector<8x256xi32>, vector<1x128xi32>
      }
      %scan3A_51 = arith.constant 128 : i32
      %swap3A_52 = arith.constant 0 : index
      %swap3A_53 = arith.constant 0 : index
      %swap3A_54 = vector.load %arg13[%swap3A_52, %swap3A_53] : memref<1x128xi32, #tpu.memory_space<vmem>>, vector<1x128xi32>
      tpu.vector_store %arg13[%swap3A_52, %swap3A_53], %scan3A_50#1 {strides = array<i32>} : memref<1x128xi32, #tpu.memory_space<vmem>>, vector<1x128xi32>,
    } else {
    }
    return
  }
  func.func @transform_0(%arg0: i32) -> (i32, i32) {
    %min3A = arith.constant 16 : i32
    %min3A_0 = arith.minsi %arg0, %min3A : i32
    %c0_i32 = arith.constant 0 : i32
    %c0_i32_1 = arith.constant 0 : i32
    return %min3A_0, %c0_i32 : i32, i32
  }
  func.func @transform_1(%arg0: i32) -> (i32, i32) {
    %c0_i32 = arith.constant 0 : i32
    %c0_i32_0 = arith.constant 0 : i32
    %c0_i32_1 = arith.constant 0 : i32
    return %c0_i32, %c0_i32_0 : i32, i32
  }
  func.func @transform_2(%arg0: i32) -> (i32, i32) {
    %c0_i32 = arith.constant 0 : i32
    %c0_i32_0 = arith.constant 0 : i32
    %c0_i32_1 = arith.constant 0 : i32
    return %c0_i32, %c0_i32_0 : i32, i32
  }
  func.func @transform_3(%arg0: i32) -> (i32, i32) {
    %c0_i32 = arith.constant 0 : i32
    %c0_i32_0 = arith.constant 0 : i32
    %c0_i32_1 = arith.constant 0 : i32
    return %c0_i32, %c0_i32_0 : i32, i32
  }
  func.func @transform_4(%arg0: i32) -> (i32, i32) {
    %c0_i32 = arith.constant 0 : i32
    %c0_i32_0 = arith.constant 0 : i32
    %c0_i32_1 = arith.constant 0 : i32
    return %c0_i32, %c0_i32_0 : i32, i32
  }
  func.func @transform_5(%arg0: i32) -> (i32, i32) {
    %c0_i32 = arith.constant 0 : i32
    %c0_i32_0 = arith.constant 0 : i32
    %c0_i32_1 = arith.constant 0 : i32
    return %c0_i32, %c0_i32_0 : i32, i32
  }
  func.func @transform_6(%arg0: i32) -> (i32, i32) {
    %c0_i32 = arith.constant 0 : i32
    %c0_i32_0 = arith.constant 0 : i32
    %c0_i32_1 = arith.constant 0 : i32
    return %c0_i32, %c0_i32_0 : i32, i32
  }
  func.func @transform_7(%arg0: i32) -> (i32, i32) {
    %c0_i32 = arith.constant 0 : i32
    %c0_i32_0 = arith.constant 0 : i32
    %c0_i32_1 = arith.constant 0 : i32
    return %c0_i32, %c0_i32_0 : i32, i32
  }
  func.func @transform_8(%arg0: i32) -> (i32, i32) {
    %c0_i32 = arith.constant 0 : i32
    %c0_i32_0 = arith.constant 0 : i32
    %c0_i32_1 = arith.constant 0 : i32
    return %c0_i32, %c0_i32_0 : i32, i32
  }
  func.func @transform_9(%arg0: i32) -> i32 {
    %c0_i32 = arith.constant 0 : i32
    %c0_i32_0 = arith.constant 0 : i32
    return %c0_i32 : i32
  }
  func.func @transform_10(%arg0: i32) -> i32 {
    %c0_i32 = arith.constant 0 : i32
    %c0_i32_0 = arith.constant 0 : i32
    return %c0_i32 : i32
  }
  func.func @transform_11(%arg0: i32) -> i32 {
    %c0_i32 = arith.constant 0 : i32
    %c0_i32_0 = arith.constant 0 : i32
    return %c0_i32 : i32
  }
  func.func @transform_12(%arg0: i32) -> (i32, i32) {
    %c0_i32 = arith.constant 0 : i32
    %c0_i32_0 = arith.constant 0 : i32
    %c0_i32_1 = arith.constant 0 : i32
    return %c0_i32, %c0_i32_0 : i32, i32
  }
}

</mosaic_0001>

<sc_bundles>
// kernel: kernel.4.cloned.1.call-start
scs
__scs_entry_jumppad:
0x0: {  	(pc) =	sbr.rel $0x88, $3  }
0x1: {  	(tag) =	ssettag $0x0;
	lr =	simm.s32 $0x1  }
0x2: {  	[smem:$0x3F96] =	sst lr;
	_ =	strace $0xD0000000  }
0x3: {  	_ = 	snop  }
0x4: {  	_ = 	snop  }
0x5: {  	_ = 	snop  }
0x6: {  	_ = 	snop  }
0x7: {  	_ = 	snop  }
__scs_overlays_trampoline_lowered:
0x8: {  	[smem:$0x3FA5] =	sst s0  }
0x9: {  	[smem:$0x3FA6] =	sst s1  }
0xa: {  	[smem:$0x3FA7] =	sst s2  }
0xb: {  	[smem:$0x3FA8] =	sst s3  }
0xc: {  	[smem:$0x3FA9] =	sst s4  }
0xd: {  	[smem:$0x3FAA] =	sst s5  }
0xe: {  	[smem:$0x3FAB] =	sst s6  }
0xf: {  	[smem:$0x3FAC] =	sst s7  }
0x10: {  	[smem:$0x3FAD] =	sst s8  }
0x11: {  	[smem:$0x3FAE] =	sst s9;
	s0 =	simm.s32 @!p0 $0x0  }
0x12: {  	s1 =	sld [smem:$0x3F94];
	s0 =	simm.s32 @p0 $0x1  }
0x13: {  	[smem:$0x3FAF] =	sst s0;
	s0 =	simm.s32 @!p1 $0x0  }
0x14: {  	s2 =	sld [smem:$0x3F93];
	s0 =	simm.s32 @p1 $0x1  }
0x15: {  	[smem:$0x3FB0] =	sst s0;
	s0 =	simm.s32 @!p2 $0x0  }
0x16: {  	s3 =	sld [smem:$0x3FDB];
	s0 =	simm.s32 @p2 $0x1  }
0x17: {  	s4 =	simm.s32 $0x1BF5;
	[smem:$0x3FB2] =	sst s0  }
0x18: {  	s0 =	sld [smem:$0x3F95];
	_ =	swait.ge [sflag:s4], $0x0  }
0x19: {  	s7 =	sld [smem:$0x3F96]  }
0x1a: {  	s8 =	sadd.s32 $0xFFFFE003, lr  }
0x1b: {  	s9 =	sadd.s32 $0xFFFFFEF7, lr;
	s5 =	simm.s32 $0xFFFFFFFF;
	p2 =	slt.u32 s8, $0xFFFFF086  }
0x1c: {  	p1 =	slt.u32 s9, $0xF7A;
	s5 =	simm.s32 @!p2 $0x0  }
0x1d: {  	s5 =	simm.s32 @p1 $0x1;
	p0 =	seq.s32 s7, s2  }
0x1e: {  	s7 =	smul.u32 @!p0 $0xF7A, s2;
	p2 =	seq.s32 @!p0 s5, $0x0  }
0x1f: {  	s9 =	smul.u32 $0xF7A, s1;
	s8 =	simm.s32 @!p0 $0x1BF5;
	p2 =	por !p2, p0  }
0x20: {  	[sflag:s8] =	ssyncset.s32 @!p0 $0xFFFFF086;
	s6 =	sadd.s32 @!p0 s3, s7;
	s7 =	simm.s32 @!p0 $0x108  }
0x21: {  	s3 =	sadd.s32 s3, s9;
	s6 =	sadd.s32 @!p0 $0x88, s6;
	s7 =	simm.s32 @p2 $0x1082  }
0x22: {  	[simem:s7], [sflag:s8] =	dma.local @!p0 [hbm:s6], $0xF7A  }
0x23: {  	s9 =	sor.u32 $0xD0000000, s2;
	s6 =	simm.s32 $0x108;
	_ =	swait.ge @!p0 [sflag:s8], $0x0  }
0x24: {  	s3 =	sadd.s32 $0x88, s3;
	s6 =	simm.s32 @!p1 $0x1082;
	[sflag:s4] =	ssyncset.s32 $0xFFFFF086  }
0x25: {  	[simem:s6], [sflag:s4] =	dma.local [hbm:s3], $0xF7A  }
0x26: {  	[smem:$0x3F96] =	sst s1;
	(tag) =	ssettag s2;
	_ =	strace s9  }
0x27: {  	s1 =	sld [smem:$0x3FA6]  }
0x28: {  	s2 =	sld [smem:$0x3FA7]  }
0x29: {  	s4 =	sld [smem:$0x3FA9]  }
0x2a: {  	p0 =	seq.s32 s5, $0x0;
	s5 =	sld [smem:$0x3FAA]  }
0x2b: {  	s6 =	sld [smem:$0x3FAB]  }
0x2c: {  	s7 =	sld [smem:$0x3FAC]  }
0x2d: {  	s3 =	simm.s32 $0x108;
	s8 =	sld [smem:$0x3FAD]  }
0x2e: {  	s3 =	simm.s32 @!p0 $0x1082;
	s9 =	sld [smem:$0x3FAE]  }
0x2f: {  	lr =	sadd.s32 s0, s3;
	s0 =	sld [smem:$0x3FA5]  }
0x30: {  	s3 =	sld [smem:$0x3FA8]  }
0x31: {  	[smem:$0x3FB1] =	sst s10  }
0x32: {  	s10 =	sld [smem:$0x3FAF];
	_ =	sdelay $0x3  }
0x33: {  	p0 =	seq.s32 s10, $0x1;
	s10 =	sld [smem:$0x3FB1];
	_ =	sdelay $0x3  }
0x34: {  	[smem:$0x3FB1] =	sst s10  }
0x35: {  	s10 =	sld [smem:$0x3FB0];
	_ =	sdelay $0x3  }
0x36: {  	p1 =	seq.s32 s10, $0x1;
	s10 =	sld [smem:$0x3FB1];
	_ =	sdelay $0x3  }
0x37: {  	[smem:$0x3FB1] =	sst s10  }
0x38: {  	s10 =	sld [smem:$0x3FB2]  }
0x39: {  	_ = 	snop;
	(pc) =	sbr.ind lr, $3  }
0x3a: {  	_ = 	snop  }
0x3b: {  	_ = 	snop  }
0x3c: {  	p2 =	seq.s32 s10, $0x1;
	s10 =	sld [smem:$0x3FB1]  }
0x3d: {  	_ =	shalt  }
0x3e: {  	_ =	shalt  }
0x3f: {  	_ =	shalt  }
0x40: {  	_ =	shalt  }
0x41: {  	_ =	shalt  }
0x42: {  	_ =	shalt  }
0x43: {  	_ =	shalt  }
0x44: {  	_ =	shalt  }
0x45: {  	_ =	shalt  }
0x46: {  	_ =	shalt  }
0x47: {  	_ =	shalt  }
0x48: {  	_ =	shalt  }
0x49: {  	_ =	shalt  }
0x4a: {  	_ =	shalt  }
0x4b: {  	_ =	shalt  }
0x4c: {  	_ =	shalt  }
0x4d: {  	_ =	shalt  }
0x4e: {  	_ =	shalt  }
0x4f: {  	_ =	shalt  }
0x50: {  	_ =	shalt  }
0x51: {  	_ =	shalt  }
0x52: {  	_ =	shalt  }
0x53: {  	_ =	shalt  }
0x54: {  	_ =	shalt  }
0x55: {  	_ =	shalt  }
0x56: {  	_ =	shalt  }
0x57: {  	_ =	shalt  }
0x58: {  	_ =	shalt  }
0x59: {  	_ =	shalt  }
0x5a: {  	_ =	shalt  }
0x5b: {  	_ =	shalt  }
0x5c: {  	_ =	shalt  }
0x5d: {  	_ =	shalt  }
0x5e: {  	_ =	shalt  }
0x5f: {  	_ =	shalt  }
0x60: {  	_ =	shalt  }
0x61: {  	_ =	shalt  }
0x62: {  	_ =	shalt  }
0x63: {  	_ =	shalt  }
0x64: {  	_ =	shalt  }
0x65: {  	_ =	shalt  }
0x66: {  	_ =	shalt  }
0x67: {  	_ =	shalt  }
0x68: {  	_ =	shalt  }
0x69: {  	_ =	shalt  }
0x6a: {  	_ =	shalt  }
0x6b: {  	_ =	shalt  }
0x6c: {  	_ =	shalt  }
0x6d: {  	_ =	shalt  }
0x6e: {  	_ =	shalt  }
0x6f: {  	_ =	shalt  }
0x70: {  	_ =	shalt  }
0x71: {  	_ =	shalt  }
0x72: {  	_ =	shalt  }
0x73: {  	_ =	shalt  }
0x74: {  	_ =	shalt  }
0x75: {  	_ =	shalt  }
0x76: {  	_ =	shalt  }
0x77: {  	_ =	shalt  }
0x78: {  	_ =	shalt  }
0x79: {  	_ =	shalt  }
0x7a: {  	_ =	shalt  }
0x7b: {  	_ =	shalt  }
0x7c: {  	_ =	shalt  }
0x7d: {  	_ =	shalt  }
0x7e: {  	_ =	shalt  }
0x7f: {  	_ =	shalt  }
0x80: {  	_ =	shalt  }
0x81: {  	_ =	shalt  }
0x82: {  	_ =	shalt  }
0x83: {  	_ =	shalt  }
0x84: {  	_ =	shalt  }
0x85: {  	_ =	shalt  }
0x86: {  	_ =	shalt  }
0x87: {  	_ =	shalt  }
.Lfunc_end0:
.L_simem_size_0:
called_computation_lowered:
.L_overlay_start_0:
0x88: {  	s2 =	sld [smem:$0x3FD9]  }
0x89: {  	s3 =	sld [smem:$0x3FFE];
	_ =	sdelay $0x1  }
0x8a: {  	s1 =	srdreg.scid  }
0x8b: {  	s0 =	sand.u32 $0x1, s1  }
0x8c: {  	s16 =	sshll.u32 s0, $0xA;
	s2 =	sadd.s32 s3, s2  }
0x8d: {  	s2 =	sadd.s32 s2, s16  }
0x8e: {  	[smem:$0x3FBD] =	sst s2  }
0x8f: {  	_ = 	snop  }
0x90: {  	(tm) =	ssettm $0x1  }
0x91: {  	s17 =	sld [smem:$0x3FFB];
	_ =	sdelay $0x3  }
0x92: {  	_ =	strace s17  }
0x93: {  	s2 =	sld [smem:$0x3FFC];
	_ =	sdelay $0x3  }
0x94: {  	_ =	strace s2  }
0x95: {  	s2 =	sld [smem:$0x3FFD];
	_ =	sdelay $0x3  }
0x96: {  	_ =	strace s2  }
0x97: {  	_ =	strace $0x8FFFFFFF  }
0x98: {  	s18 =	sld [smem:$0x3FDB];
	_ =	sdelay $0x1  }
0x99: {  	s19 =	simm.s32 $_scs_section_size  }
0x9a: {  	s4 =	simm.s32 $_size__tile_overlayer_lowered;
	s5 =	simm.s32 $_tile_overlayer_lowered  }
0x9b: {  	s22 =	simm.s32 $0x1BFF;
	s21 =	sshll.u32 s5, $0x1;
	s2 =	sadd.s32 s19, s18  }
0x9c: {  	s6 =	simm.s32 $0x0;
	s20 =	sshll.u32 s4, $0x1;
	s4 =	sadd.s32 s21, s2  }
0x9d: {  	[timem:s6], [sflag:s22] =	dma.local [hbm:s4], s20  }
0x9e: {  	_ =	swait.ge [sflag:s22], s20  }
0x9f: {  	s3 =	ssub.s32 $0x0, s20;
	[sflag:s22] =	ssyncset.done $0x0  }
0xa0: {  	[sflag:s22] =	ssyncadd.s32 s3;
	_ =	sdelay $0x1  }
0xa1: {  	s23 =	simm.s32 $0x1B8B  }
0xa2: {  	_ =	swait.ge [sflag:s23], $0x1  }
0xa3: {  	[sflag:s23] =	ssyncset.done $0x0  }
0xa4: {  	s25 =	simm.s32 $0x1B8E;
	s24 =	sld [smem:$0x3FFE];
	[sflag:s23] =	ssyncadd.s32 $0xFFFFFFFF  }
0xa5: {  	s26 =	simm.s32 $execute0_lowered;
	[smem:$0x3FD2] =	sst s25  }
0xa6: {  	s4 =	sshll.u32 s26, $0x1;
	_ =	strace $0x80000046;
	[dreg:$0x1] =	wrdreg $0xFFFFFFFF  }
0xa7: {  	s28 =	simm.s32 $_size_execute0_lowered;
	s2 =	sadd.s32 s2, s4;
	[dreg:$0x0] =	wrdreg $0x0  }
0xa8: {  	s4 =	sshll.u32 s28, $0x1;
	[dreg:$0x2] =	wrdreg s2  }
0xa9: {  	[dreg:$0x3] =	wrdreg s4  }
0xaa: {  	[dreg:$0x4] =	wrdreg $0xC0  }
0xab: {  	_ =	task [dreg:s6], $0x5FFFF  }
0xac: {  	[dreg:$0x1] =	wrdreg $0xFFFFFFFF  }
0xad: {  	[dreg:$0x0] =	wrdreg $0x60  }
0xae: {  	[dreg:$0x2] =	wrdreg s24  }
0xaf: {  	[dreg:$0x3] =	wrdreg $0xC4800  }
0xb0: {  	[dreg:$0x4] =	wrdreg $0x9  }
0xb1: {  	_ =	task.clear_ibuf [dreg:s6], $0x5FFFF;
	_ =	strace $0x90000046  }
0xb2: {  	s29 =	simm.s32 $0x9;
	_ =	strace $0x80000048  }
0xb3: {  	_ =	swait.ge [sflag:s29], $0x1  }
0xb4: {  	[sflag:s29] =	ssyncadd.s32 $0xFFFFFFFF  }
0xb5: {  	_ =	strace $0x90000048  }
0xb6: {  	_ =	sfence  }
0xb7: {  	s30 =	sld [smem:$0x0];
	_ =	sdelay $0x2  }
0xb8: {  	s31 =	sshll.u32 s1, $0xD;
	s1 =	sshrl.u32 s1, $0x2  }
0xb9: {  	s3 =	sand.u32 $0x4000, s31;
	s1 =	sadd.s32 s1, s30  }
0xba: {  	s0 =	sor.u32 s3, s0;
	s1 =	sshll.u32 s1, $0x11  }
0xbb: {  	s0 =	sor.u32 s1, s0  }
0xbc: {  	s0 =	sadd.s32 $0x8F2B, s0  }
0xbd: {  	[sflag:s0] =	ssyncadd.remote.s32 $0x1  }
0xbe: {  	_ =	sfence.sel $0xFFFF  }
0xbf: {  	[dreg:$0x0] =	wrdreg $0xFFFFFFFF;
	(pc) =	sbr.abs _section_cstart, $3  }
0xc0: {  	[dreg:$0x1] =	wrdreg $0xFFFFFFFF  }
0xc1: {  	_ =	task.clear_ibuf [dreg:s6], $0x2FFFF;
	_ =	strace $0x9FFFFFFF  }
0xc2: {  	(tm) =	ssettm $0x7FFFFFFF  }
0xc3: {  	_ =	shalt  }
tec
execute0_lowered:
.L_overlay_start_1:
0x0: {  	(tag) =	ssettag $0x1  }
0x1: {  	s0 =	rddreg [dreg:$0x0]  }
0x2: {  	s2 =	rddreg [dreg:$0x1]  }
0x3: {  	s9 =	stileid.u32;
	s4 =	simm.s32 $0x0;
	s18 =	srdreg.scid  }
0x4: {  	s29 =	simm.s32 $0xC000;
	s30 =	simm.s32 $0xC080;
	s31 =	simm.s32 $0xC100  }
0x5: {  	s28 =	simm.s32 $0xC280;
	s1 =	sshll.u32 s9, $0xE;
	s5 =	smul.u32 $0x12180, s9  }
0x6: {  	s3 =	sshll.u32 s9, $0x7;
	[smem:$0x7FF] =	sst s4;
	s20 =	smul.u32 $0x12100, s9  }
0x7: {  	s4 =	sand.u32 $0x1, s18;
	_ =	strace $0x80000047;
	s11 =	sor.u32 $0x121010, s3  }
0x8: {  	s10 =	sor.u32 $0x121000, s3;
	s21 =	smul.u32 $0x242000, s4;
	s12 =	sor.u32 $0x121020, s3  }
0x9: {  	s1 =	sor.u32 s3, s1;
	s14 =	sor.u32 $0x121030, s3;
	s15 =	sor.u32 $0x121040, s3  }
0xa: {  	s6 =	ssub.s32 $0x2, s4;
	s16 =	sor.u32 $0x121050, s3;
	s17 =	sor.u32 $0x121060, s3  }
0xb: {  	s18 =	sor.u32 $0x121070, s3;
	s1 =	sand.u32 $0x20380, s1;
	s7 =	sshrl.u32 s5, $0x3  }
0xc: {  	v8 =	vlaneseq.u32;
	s8 =	sshrl.u32 s6, $0x1;
	s5 =	sadd.s32 s5, s2;
	s9 =	sadd.s32 s20, s2  }
0xd: {  	v1 =	vor.u32 s10, v8;
	v2 =	vor.u32 s11, v8;
	v3 =	vor.u32 s12, v8;
	s10 =	simm.s32 $0xC400;
	s11 =	simm.s32 $0xBF00;
	s12 =	simm.s32 $0xBF80  }
0xe: {  	v4 =	vor.u32 s14, v8;
	s14 =	simm.s32 $0x0;
	s1 =	sshrl.u32 s1, $0x3;
	s7 =	sadd.s32 s7, s0  }
0xf: {  	s6 =	ssub.s32 s6, s8;
	[dreg:$0x5] =	wrdreg s5;
	s8 =	sadd.s32 s20, s21  }
0x10: {  	s25 =	sadd.s32 $0x4000, s9;
	s1 =	sadd.s32 s1, s0;
	s0 =	sadd.s32 $0x35600, s0  }
0x11: {  	s7 =	sadd.s32 $0x11200, s7;
	[dreg:$0x7] =	wrdreg s25;
	s5 =	smax.u32 s6, $0x1  }
0x12: {  	s8 =	sshrl.u32 s8, $0x3;
	s19 =	sadd.s32 $0x1200, s1;
	[dreg:$0xa] =	wrdreg s5  }
0x13: {  	s1 =	sadd.s32 $0x9200, s1;
	s8 =	sadd.s32 s0, s8;
	[dreg:$0x3] =	wrdreg s19  }
0x14: {  	[dreg:$0x4] =	wrdreg s1;
	s1 =	smul.u32 $0x440, s4;
	s24 =	sadd.s32 $0x800, s8  }
0x15: {  	s4 =	sshllo.u32 s4, $0x1;
	s26 =	sadd.s32 $0x1000, s8;
	[dreg:$0x6] =	wrdreg s24  }
0x16: {  	s6 =	sadd.s32 $0x1800, s8;
	s22 =	smul.u32 $0x121000, s4;
	[dreg:$0x8] =	wrdreg s26  }
0x17: {  	s5 =	simm.s32 $0x1;
	s21 =	sadd.s32 $0x2000, s8;
	[dreg:$0xb] =	wrdreg s6  }
0x18: {  	[dreg:$0xd] =	wrdreg s21;
	s23 =	sadd.s32 s20, s22;
	s20 =	sadd.s32 $0xC000, s9  }
0x19: {  	s22 =	sadd.s32 $0x10000, s9;
	s3 =	sshrl.u32 s23, $0x3;
	[dreg:$0xc] =	wrdreg s20  }
0x1a: {  	[dreg:$0xe] =	wrdreg s22;
	s13 =	sadd.s32 s0, s3;
	s3 =	sadd.s32 $0x8000, s9  }
0x1b: {  	s19 =	smul.u32 $0x220, s4;
	[dreg:$0x9] =	wrdreg s3;
	s23 =	sadd.s32 $0x800, s13  }
0x1c: {  	s4 =	simm.s32 $0xC380;
	s24 =	sadd.s32 $0x1000, s13;
	[dreg:$0xf] =	wrdreg s23  }
0x1d: {  	v0 =	vmov s1;
	s1 =	simm.s32 $0xC300;
	s25 =	sadd.s32 $0x1800, s13;
	[dreg:$0x10] =	wrdreg s24  }
0x1e: {  	s22 =	simm.s32 $0xBE00;
	s26 =	sadd.s32 $0x2000, s13;
	[dreg:$0x11] =	wrdreg s25  }
0x1f: {  	v10 =	vimm.f32 $1.000000000e+00;
	v5 =	vor.u32 s15, v8;
	v6 =	vor.u32 s16, v8;
	s0 =	simm.s32 $0xC180;
	s3 =	simm.s32 $0xC200;
	[dreg:$0x12] =	wrdreg s26  }
0x20: {  	v7 =	vor.u32 s17, v8;
	v8 =	vor.u32 s18, v8;
	v9 =	vmov s19;
	s24 =	simm.s32 $0x80;
	s26 =	simm.s32 $0x2;
	s23 =	simm.s32 $0xBE80  }
.LBB2_1:
0x21: {  	s6 =	simm.s32 $0x0;
	s15 =	rddreg [dreg:$0x3];
	s16 =	simm.s32 $0x400  }
0x22: {  	[tilespmem:s6], [sflag:$0x2] =	stream.strided.gather [hbm4b:s15+s24], $0x4000, s16, s24, $0x38;
	[tilespmem:$0x1E600] =	vst v63  }
0x23: {  	_ =	swait.ge [sflag:s26], $0x4000  }
0x24: {  	[sflag:s26] =	ssyncset.done $0x0  }
0x25: {  	s20 =	simm.s32 $0x4000;
	s19 =	rddreg [dreg:$0x4];
	[sflag:s26] =	ssyncadd.s32 $0xFFFFC000  }
0x26: {  	[tilespmem:s20], [sflag:$0x2] =	stream.strided.gather [hbm4b:s19+s24], $0x4000, s16, s24, $0x38;
	[tilespmem:$0x1E600] =	vst v63  }
0x27: {  	_ =	swait.ge [sflag:s26], $0x4000  }
0x28: {  	[sflag:s26] =	ssyncset.done $0x0  }
0x29: {  	[sflag:s26] =	ssyncadd.s32 $0xFFFFC000  }
0x2a: {  	[tilespmem:$0xC000] =	vst v10  }
0x2b: {  	[tilespmem:$0xC010] =	vst v10  }
0x2c: {  	[tilespmem:$0xC020] =	vst v10  }
0x2d: {  	[tilespmem:$0xC030] =	vst v10  }
0x2e: {  	[tilespmem:$0xC040] =	vst v10  }
0x2f: {  	[tilespmem:$0xC050] =	vst v10  }
0x30: {  	[tilespmem:$0xC060] =	vst v10  }
0x31: {  	[tilespmem:$0xC070] =	vst v10  }
0x32: {  	[tilespmem:$0xC080] =	vst v10  }
0x33: {  	[tilespmem:$0xC090] =	vst v10  }
0x34: {  	[tilespmem:$0xC0A0] =	vst v10  }
0x35: {  	[tilespmem:$0xC0B0] =	vst v10  }
0x36: {  	[tilespmem:$0xC0C0] =	vst v10  }
0x37: {  	[tilespmem:$0xC0D0] =	vst v10  }
0x38: {  	[tilespmem:$0xC0E0] =	vst v10  }
0x39: {  	[tilespmem:$0xC0F0] =	vst v10  }
0x3a: {  	[tilespmem:$0xC100] =	vst v10  }
0x3b: {  	[tilespmem:$0xC110] =	vst v10  }
0x3c: {  	[tilespmem:$0xC120] =	vst v10  }
0x3d: {  	[tilespmem:$0xC130] =	vst v10  }
0x3e: {  	[tilespmem:$0xC140] =	vst v10  }
0x3f: {  	[tilespmem:$0xC150] =	vst v10  }
0x40: {  	[tilespmem:$0xC160] =	vst v10  }
0x41: {  	[tilespmem:$0xC170] =	vst v10  }
0x42: {  	[tilespmem:$0xC180] =	vst v10  }
0x43: {  	[tilespmem:$0xC190] =	vst v10  }
0x44: {  	[tilespmem:$0xC1A0] =	vst v10  }
0x45: {  	[tilespmem:$0xC1B0] =	vst v10  }
0x46: {  	[tilespmem:$0xC1C0] =	vst v10  }
0x47: {  	[tilespmem:$0xC1D0] =	vst v10  }
0x48: {  	[tilespmem:$0xC1E0] =	vst v10  }
0x49: {  	[tilespmem:$0xC1F0] =	vst v10  }
0x4a: {  	[tilespmem:$0xC200] =	vst v10  }
0x4b: {  	[tilespmem:$0xC210] =	vst v10  }
0x4c: {  	[tilespmem:$0xC220] =	vst v10  }
0x4d: {  	[tilespmem:$0xC230] =	vst v10  }
0x4e: {  	[tilespmem:$0xC240] =	vst v10  }
0x4f: {  	[tilespmem:$0xC250] =	vst v10  }
0x50: {  	[tilespmem:$0xC260] =	vst v10  }
0x51: {  	[tilespmem:$0xC270] =	vst v10  }
0x52: {  	[tilespmem:$0xC280] =	vst v10  }
0x53: {  	[tilespmem:$0xC290] =	vst v10  }
0x54: {  	[tilespmem:$0xC2A0] =	vst v10  }
0x55: {  	[tilespmem:$0xC2B0] =	vst v10  }
0x56: {  	[tilespmem:$0xC2C0] =	vst v10  }
0x57: {  	[tilespmem:$0xC2D0] =	vst v10  }
0x58: {  	[tilespmem:$0xC2E0] =	vst v10  }
0x59: {  	[tilespmem:$0xC2F0] =	vst v10  }
0x5a: {  	[tilespmem:$0xC300] =	vst v10  }
0x5b: {  	[tilespmem:$0xC310] =	vst v10  }
0x5c: {  	[tilespmem:$0xC320] =	vst v10  }
0x5d: {  	[tilespmem:$0xC330] =	vst v10  }
0x5e: {  	[tilespmem:$0xC340] =	vst v10  }
0x5f: {  	[tilespmem:$0xC350] =	vst v10  }
0x60: {  	[tilespmem:$0xC360] =	vst v10  }
0x61: {  	[tilespmem:$0xC370] =	vst v10  }
0x62: {  	[tilespmem:$0xC380] =	vst v10  }
0x63: {  	[tilespmem:$0xC390] =	vst v10  }
0x64: {  	[tilespmem:$0xC3A0] =	vst v10  }
0x65: {  	[tilespmem:$0xC3B0] =	vst v10  }
0x66: {  	[tilespmem:$0xC3C0] =	vst v10  }
0x67: {  	s21 =	stileid.u32;
	[tilespmem:$0xC3D0] =	vst v10  }
0x68: {  	s6 =	sshll.u32 s21, $0x6;
	s25 =	rddreg [dreg:$0x5];
	[tilespmem:$0xC3E0] =	vst v10  }
0x69: {  	s15 =	sor.u32 $0x1C02, s6;
	s16 =	sshrl.u32 s25, $0x3;
	[tilespmem:$0xC3F0] =	vst v10  }
0x6a: {  	[spmem:s16], [sflag:s15] =	dma.local [hbm:s7], $0x2430  }
0x6b: {  	_ =	swait.ge [sflag:s26], $0x2430  }
0x6c: {  	[sflag:s26] =	ssyncset.done $0x0  }
0x6d: {  	[sflag:s26] =	ssyncadd.s32 $0xFFFFDBD0  }
0x6e: {  	s17 =	simm.s32 $0x0;
	[bflag:$0x0] =	sbarrier.arrive $0xFFFF  }
0x6f: {  	v11 =	vld [tilespmem:s17+$0x4070]  }
0x70: {  	v12 =	vld [tilespmem:s17+$0x4000]  }
0x71: {  	v13 =	vld [tilespmem:s17+$0x4010]  }
0x72: {  	v14 =	vld [tilespmem:s17+$0x70]  }
0x73: {  	v15 =	vld [tilespmem:s17+$0x4020]  }
0x74: {  	v21 =	vld [tilespmem:s17+$0x4060]  }
0x75: {  	v16 =	vld [tilespmem:s17+$0x4030]  }
0x76: {  	v17 =	vld [tilespmem:s17+$0x4040];
	v11 =	vsub.s32 v11, v0;
	v12 =	vsub.s32 v12, v0  }
0x77: {  	v19 =	vld [tilespmem:s17+$0x4050];
	v18 =	vmul.u32 $0x880, v11;
	vm6 =	vlt.u32 v12, $0x220;
	v20 =	vmul.u32 $0x880, v12  }
0x78: {  	v22 =	vld [tilespmem:s17+$0x0];
	v12 =	vsub.s32 v13, v0;
	vm0 =	vlt.u32 v11, $0x220;
	v13 =	vsub.s32 v15, v0  }
0x79: {  	v15 =	vsub.s32 v21, v0;
	v23 =	vmul.u32 $0x880, v12;
	vm4 =	vlt.u32 v12, $0x220  }
0x7a: {  	v24 =	vld [tilespmem:s17+$0x10];
	v12 =	vsub.s32 v16, v0;
	vm5 =	vlt.u32 v15, $0x220;
	v11 =	vadd.s32 v14, v18  }
0x7b: {  	v16 =	vld [tilespmem:s17+$0x20];
	v15 =	vmul.u32 $0x880, v15;
	vm1 =	vlt.u32 v12, $0x220;
	v11 =	vsel vm0, v11, v8  }
0x7c: {  	vm0 =	vlt.u32 v13, $0x220;
	[tilespmem:s17+$0x8070] =	vst v11;
	v11 =	vmul.u32 $0x880, v13;
	v13 =	vsub.s32 v17, v0;
	v17 =	vld [tilespmem:s17+$0x30]  }
0x7d: {  	v12 =	vmul.u32 $0x880, v12;
	v14 =	vsub.s32 v19, v0;
	v18 =	vld [tilespmem:s17+$0x40];
	v20 =	vadd.s32 v22, v20  }
0x7e: {  	v19 =	vld [tilespmem:s17+$0x50];
	vm3 =	vlt.u32 v14, $0x220;
	v14 =	vmul.u32 $0x880, v14;
	v21 =	vsel vm6, v20, v1  }
0x7f: {  	s18 =	simm.s32 $0x80;
	s19 =	simm.s32 $0x400;
	v22 =	vadd.s32 v24, v23;
	v20 =	vld [tilespmem:s17+$0x60];
	vm2 =	vlt.u32 v13, $0x220;
	v13 =	vmul.u32 $0x880, v13  }
.LBB2_2:
0x80: {  	p0 =	sne.s32 s19, $0xFE00;
	v23 =	vld [tilespmem:s18+$0x4070];
	[tilespmem:s17+$0x8000] =	vst v21;
	v21 =	vsel vm4, v22, v2;
	v11 =	vadd.s32 v16, v11  }
0x81: {  	v16 =	vld [tilespmem:s18+$0x4000];
	[tilespmem:s17+$0x8010] =	vst v21;
	v11 =	vsel vm0, v11, v3;
	v12 =	vadd.s32 v17, v12  }
0x82: {  	v17 =	vld [tilespmem:s18+$0x4010];
	[tilespmem:s17+$0x8020] =	vst v11;
	v11 =	vsel vm1, v12, v4;
	v12 =	vadd.s32 v18, v13  }
0x83: {  	v13 =	vld [tilespmem:s18+$0x70];
	[tilespmem:s17+$0x8030] =	vst v11;
	v11 =	vsel vm2, v12, v5;
	v12 =	vadd.s32 v19, v14  }
0x84: {  	v14 =	vld [tilespmem:s18+$0x4020];
	[tilespmem:s17+$0x8040] =	vst v11;
	v11 =	vsel vm3, v12, v6;
	v12 =	vadd.s32 v20, v15  }
0x85: {  	v15 =	vld [tilespmem:s18+$0x4030];
	v18 =	vsub.s32 v23, v0;
	[tilespmem:s17+$0x8050] =	vst v11;
	v11 =	vsel vm5, v12, v7  }
0x86: {  	v12 =	vsub.s32 v16, v0;
	v19 =	vld [tilespmem:s18+$0x4040];
	v16 =	vmul.u32 $0x880, v18;
	[tilespmem:s17+$0x8060] =	vst v11;
	s17 =	smov.u32 s18  }
0x87: {  	vm6 =	vlt.u32 v12, $0x220;
	v20 =	vmul.u32 $0x880, v12;
	v11 =	vsub.s32 v17, v0;
	v21 =	vld [tilespmem:s17+$0x4050]  }
0x88: {  	vm0 =	vlt.u32 v18, $0x220;
	v22 =	vmul.u32 $0x880, v11;
	v23 =	vld [tilespmem:s17+$0x4060];
	v12 =	vadd.s32 v13, v16  }
0x89: {  	vm4 =	vlt.u32 v11, $0x220;
	v24 =	vld [tilespmem:s17+$0x0];
	v11 =	vsub.s32 v14, v0;
	v12 =	vsel vm0, v12, v8  }
0x8a: {  	v25 =	vld [tilespmem:s17+$0x10];
	vm0 =	vlt.u32 v11, $0x220;
	v11 =	vmul.u32 $0x880, v11;
	v13 =	vsub.s32 v15, v0;
	[tilespmem:s17+$0x8070] =	vst v12  }
.Ltmp0:
0x8b: {  	v16 =	vld [tilespmem:s17+$0x20];
	vm1 =	vlt.u32 v13, $0x220;
	v12 =	vmul.u32 $0x880, v13;
	v13 =	vsub.s32 v19, v0;
	(pc) =	sbr.rel @p0 .LBB2_2-.Ltmp0, $4  }
0x8c: {  	v17 =	vld [tilespmem:s17+$0x30];
	vm2 =	vlt.u32 v13, $0x220;
	v13 =	vmul.u32 $0x880, v13;
	v14 =	vsub.s32 v21, v0  }
0x8d: {  	v18 =	vld [tilespmem:s17+$0x40];
	vm3 =	vlt.u32 v14, $0x220;
	v14 =	vmul.u32 $0x880, v14;
	v15 =	vsub.s32 v23, v0  }
0x8e: {  	v20 =	vadd.s32 v24, v20;
	v19 =	vld [tilespmem:s17+$0x50];
	vm5 =	vlt.u32 v15, $0x220;
	v15 =	vmul.u32 $0x880, v15  }
0x8f: {  	s18 =	sshra.s32 s19, $0x2;
	s19 =	sadd.s32 $0x200, s19;
	v21 =	vsel vm6, v20, v1;
	v22 =	vadd.s32 v25, v22;
	v20 =	vld [tilespmem:s17+$0x60]  }
0x90: {  	v23 =	vld [tilespmem:s18+$0x4070];
	[tilespmem:s17+$0x8000] =	vst v21;
	v39 =	vsel vm4, v22, v2;
	v11 =	vadd.s32 v16, v11  }
0x91: {  	v40 =	vld [tilespmem:s18+$0x4000];
	[tilespmem:s17+$0x8010] =	vst v39;
	v11 =	vsel vm0, v11, v3;
	v12 =	vadd.s32 v17, v12  }
0x92: {  	v41 =	vld [tilespmem:s18+$0x4010];
	[tilespmem:s17+$0x8020] =	vst v11;
	v11 =	vsel vm1, v12, v4;
	v13 =	vadd.s32 v18, v13  }
0x93: {  	v42 =	vld [tilespmem:s18+$0x70];
	[tilespmem:s17+$0x8030] =	vst v11;
	v11 =	vsel vm2, v13, v5;
	v14 =	vadd.s32 v19, v14  }
0x94: {  	v43 =	vld [tilespmem:s18+$0x4020];
	[tilespmem:s17+$0x8040] =	vst v11;
	v11 =	vsel vm3, v14, v6;
	v15 =	vadd.s32 v20, v15  }
0x95: {  	v44 =	vld [tilespmem:s18+$0x4030];
	[tilespmem:s17+$0x8050] =	vst v11;
	v11 =	vsel vm5, v15, v7  }
0x96: {  	v46 =	vsub.s32 v23, v0;
	v45 =	vld [tilespmem:s18+$0x4040];
	[tilespmem:s17+$0x8060] =	vst v11  }
0x97: {  	v11 =	vmul.u32 $0x880, v46;
	v47 =	vld [tilespmem:s18+$0x4050]  }
0x98: {  	v50 =	vsub.s32 v40, v0;
	v48 =	vld [tilespmem:s18+$0x4060]  }
0x99: {  	vm8 =	vlt.u32 v46, $0x220;
	v49 =	vld [tilespmem:s18+$0x0];
	vm9 =	vlt.u32 v50, $0x220;
	v11 =	vadd.s32 v42, v11  }
0x9a: {  	v51 =	vld [tilespmem:s18+$0x10];
	v17 =	vmul.u32 $0x880, v50;
	v16 =	vsub.s32 v41, v0;
	v11 =	vsel vm8, v11, v8  }
0x9b: {  	v52 =	vld [tilespmem:s18+$0x20];
	vm10 =	vlt.u32 v16, $0x220;
	v13 =	vsub.s32 v43, v0;
	[tilespmem:s18+$0x8070] =	vst v11;
	v11 =	vmul.u32 $0x880, v16  }
0x9c: {  	v21 =	vld [tilespmem:s18+$0x30];
	vm11 =	vlt.u32 v13, $0x220;
	v13 =	vmul.u32 $0x880, v13;
	v14 =	vsub.s32 v44, v0  }
0x9d: {  	v53 =	vld [tilespmem:s18+$0x40];
	vm12 =	vlt.u32 v14, $0x220;
	v14 =	vmul.u32 $0x880, v14;
	v15 =	vsub.s32 v45, v0  }
0x9e: {  	v54 =	vld [tilespmem:s18+$0x50];
	vm13 =	vlt.u32 v15, $0x220;
	v15 =	vmul.u32 $0x880, v15;
	v12 =	vadd.s32 v49, v17  }
0x9f: {  	v55 =	vld [tilespmem:s18+$0x60];
	v18 =	vsub.s32 v47, v0;
	v11 =	vadd.s32 v51, v11;
	v12 =	vsel vm9, v12, v1  }
0xa0: {  	v57 =	vadd.s32 v52, v13;
	v58 =	vsub.s32 v48, v0;
	v11 =	vsel vm10, v11, v2;
	[tilespmem:s18+$0x8000] =	vst v12  }
0xa1: {  	v56 =	vmul.u32 $0x880, v18;
	v59 =	vadd.s32 v21, v14;
	[tilespmem:s18+$0x8010] =	vst v11;
	v11 =	vsel vm11, v57, v3  }
0xa2: {  	v60 =	vmul.u32 $0x880, v58;
	v61 =	vadd.s32 v53, v15;
	[tilespmem:s18+$0x8020] =	vst v11;
	v11 =	vsel vm12, v59, v4  }
0xa3: {  	vm14 =	vlt.u32 v18, $0x220;
	v62 =	vadd.s32 v54, v56;
	[tilespmem:s18+$0x8030] =	vst v11;
	v11 =	vsel vm13, v61, v5  }
0xa4: {  	vm15 =	vlt.u32 v58, $0x220;
	v63 =	vadd.s32 v55, v60;
	[tilespmem:s18+$0x8040] =	vst v11;
	v11 =	vsel vm14, v62, v6  }
0xa5: {  	[tilespmem:s18+$0x8050] =	vst v11;
	v11 =	vsel vm15, v63, v7  }
0xa6: {  	s6 =	simm.s32 $0x8000;
	[tilespmem:s18+$0x8060] =	vst v11  }
0xa7: {  	[spmem:s2] =	stream.indirect.scatter.add.f32 [tilespmem:s29], [sflag:$0x1], $0x1, s6, s24, $0xb8;
	[tilespmem:$0x1E600] =	vst v63  }
0xa8: {  	s25 =	simm.s32 $0x8080  }
0xa9: {  	[spmem:s2] =	stream.indirect.scatter.add.f32 [tilespmem:s30], [sflag:$0x1], $0x1, s25, s24, $0xb8;
	[tilespmem:$0x1E600] =	vst v63  }
0xaa: {  	s17 =	simm.s32 $0x8100  }
0xab: {  	[spmem:s2] =	stream.indirect.scatter.add.f32 [tilespmem:s31], [sflag:$0x1], $0x1, s17, s24, $0xb8;
	[tilespmem:$0x1E600] =	vst v63  }
0xac: {  	s18 =	simm.s32 $0x8180  }
0xad: {  	[spmem:s2] =	stream.indirect.scatter.add.f32 [tilespmem:s0], [sflag:$0x1], $0x1, s18, s24, $0xb8;
	[tilespmem:$0x1E600] =	vst v63  }
0xae: {  	s19 =	simm.s32 $0x8200  }
0xaf: {  	[spmem:s2] =	stream.indirect.scatter.add.f32 [tilespmem:s3], [sflag:$0x1], $0x1, s19, s24, $0xb8;
	[tilespmem:$0x1E600] =	vst v63  }
0xb0: {  	s20 =	simm.s32 $0x8280  }
0xb1: {  	[spmem:s2] =	stream.indirect.scatter.add.f32 [tilespmem:s28], [sflag:$0x1], $0x1, s20, s24, $0xb8;
	[tilespmem:$0x1E600] =	vst v63  }
0xb2: {  	s21 =	simm.s32 $0x8300  }
0xb3: {  	[spmem:s2] =	stream.indirect.scatter.add.f32 [tilespmem:s1], [sflag:$0x1], $0x1, s21, s24, $0xb8;
	[tilespmem:$0x1E600] =	vst v63  }
0xb4: {  	s25 =	simm.s32 $0x8380  }
0xb5: {  	[spmem:s2] =	stream.indirect.scatter.add.f32 [tilespmem:s4], [sflag:$0x1], $0x1, s25, s24, $0xb8;
	[tilespmem:$0x1E600] =	vst v63  }
0xb6: {  	_ =	swait.ge [sflag:s5], $0x80  }
0xb7: {  	[sflag:s5] =	ssyncset.done $0x0  }
0xb8: {  	[sflag:s5] =	ssyncadd.s32 $0xFFFFFF80  }
0xb9: {  	_ =	swait.ge [sflag:s5], $0x80  }
0xba: {  	[sflag:s5] =	ssyncset.done $0x0  }
0xbb: {  	[sflag:s5] =	ssyncadd.s32 $0xFFFFFF80  }
0xbc: {  	_ =	swait.ge [sflag:s5], $0x80  }
0xbd: {  	[sflag:s5] =	ssyncset.done $0x0  }
0xbe: {  	[sflag:s5] =	ssyncadd.s32 $0xFFFFFF80  }
0xbf: {  	_ =	swait.ge [sflag:s5], $0x80  }
0xc0: {  	[sflag:s5] =	ssyncset.done $0x0  }
0xc1: {  	[sflag:s5] =	ssyncadd.s32 $0xFFFFFF80  }
0xc2: {  	_ =	swait.ge [sflag:s5], $0x80  }
0xc3: {  	[sflag:s5] =	ssyncset.done $0x0  }
0xc4: {  	[sflag:s5] =	ssyncadd.s32 $0xFFFFFF80  }
0xc5: {  	_ =	swait.ge [sflag:s5], $0x80  }
0xc6: {  	[sflag:s5] =	ssyncset.done $0x0  }
0xc7: {  	[sflag:s5] =	ssyncadd.s32 $0xFFFFFF80  }
0xc8: {  	_ =	swait.ge [sflag:s5], $0x80  }
0xc9: {  	[sflag:s5] =	ssyncset.done $0x0  }
0xca: {  	[sflag:s5] =	ssyncadd.s32 $0xFFFFFF80  }
0xcb: {  	_ =	swait.ge [sflag:s5], $0x80  }
0xcc: {  	s19 =	simm.s32 $0x400;
	s20 =	simm.s32 $0x2000;
	[sflag:s5] =	ssyncset.done $0x0  }
.LBB2_4:
0xcd: {  	s6 =	sadd.s32 $0x8000, s19  }
0xce: {  	[sflag:s5] =	ssyncadd.s32 $0xFFFFFF80;
	s18 =	smov.u32 s20;
	s17 =	sadd.s32 $0x1000, s20  }
0xcf: {  	[spmem:s2] =	stream.indirect.scatter.add.f32 [tilespmem:s29], [sflag:$0x1], $0x1, s6, s24, $0xb8;
	[tilespmem:$0x1E600] =	vst v63  }
0xd0: {  	p0 =	sne.s32 s20, $0xF000;
	s6 =	sadd.s32 $0x8080, s19  }
0xd1: {  	[spmem:s2] =	stream.indirect.scatter.add.f32 [tilespmem:s30], [sflag:$0x1], $0x1, s6, s24, $0xb8;
	[tilespmem:$0x1E600] =	vst v63  }
0xd2: {  	s6 =	sadd.s32 $0x8100, s19  }
0xd3: {  	[spmem:s2] =	stream.indirect.scatter.add.f32 [tilespmem:s31], [sflag:$0x1], $0x1, s6, s24, $0xb8;
	[tilespmem:$0x1E600] =	vst v63  }
0xd4: {  	s6 =	sadd.s32 $0x8180, s19  }
0xd5: {  	[spmem:s2] =	stream.indirect.scatter.add.f32 [tilespmem:s0], [sflag:$0x1], $0x1, s6, s24, $0xb8;
	[tilespmem:$0x1E600] =	vst v63  }
0xd6: {  	s6 =	sadd.s32 $0x8200, s19  }
0xd7: {  	[spmem:s2] =	stream.indirect.scatter.add.f32 [tilespmem:s3], [sflag:$0x1], $0x1, s6, s24, $0xb8;
	[tilespmem:$0x1E600] =	vst v63  }
0xd8: {  	s6 =	sadd.s32 $0x8280, s19  }
0xd9: {  	[spmem:s2] =	stream.indirect.scatter.add.f32 [tilespmem:s28], [sflag:$0x1], $0x1, s6, s24, $0xb8;
	[tilespmem:$0x1E600] =	vst v63  }
0xda: {  	s6 =	sadd.s32 $0x8300, s19  }
0xdb: {  	[spmem:s2] =	stream.indirect.scatter.add.f32 [tilespmem:s1], [sflag:$0x1], $0x1, s6, s24, $0xb8;
	[tilespmem:$0x1E600] =	vst v63  }
0xdc: {  	s6 =	sadd.s32 $0x8380, s19  }
0xdd: {  	[spmem:s2] =	stream.indirect.scatter.add.f32 [tilespmem:s4], [sflag:$0x1], $0x1, s6, s24, $0xb8;
	[tilespmem:$0x1E600] =	vst v63  }
0xde: {  	_ =	swait.ge [sflag:s5], $0x80  }
0xdf: {  	[sflag:s5] =	ssyncset.done $0x0  }
0xe0: {  	[sflag:s5] =	ssyncadd.s32 $0xFFFFFF80  }
0xe1: {  	_ =	swait.ge [sflag:s5], $0x80  }
0xe2: {  	[sflag:s5] =	ssyncset.done $0x0  }
0xe3: {  	[sflag:s5] =	ssyncadd.s32 $0xFFFFFF80  }
0xe4: {  	_ =	swait.ge [sflag:s5], $0x80  }
0xe5: {  	[sflag:s5] =	ssyncset.done $0x0  }
0xe6: {  	[sflag:s5] =	ssyncadd.s32 $0xFFFFFF80  }
0xe7: {  	_ =	swait.ge [sflag:s5], $0x80  }
0xe8: {  	[sflag:s5] =	ssyncset.done $0x0  }
0xe9: {  	[sflag:s5] =	ssyncadd.s32 $0xFFFFFF80  }
0xea: {  	_ =	swait.ge [sflag:s5], $0x80  }
0xeb: {  	[sflag:s5] =	ssyncset.done $0x0  }
0xec: {  	[sflag:s5] =	ssyncadd.s32 $0xFFFFFF80  }
0xed: {  	_ =	swait.ge [sflag:s5], $0x80  }
0xee: {  	[sflag:s5] =	ssyncset.done $0x0  }
0xef: {  	[sflag:s5] =	ssyncadd.s32 $0xFFFFFF80  }
.Ltmp1:
0xf0: {  	_ =	swait.ge [sflag:s5], $0x80;
	(pc) =	sbr.rel @p0 .LBB2_4-.Ltmp1, $4  }
0xf1: {  	[sflag:s5] =	ssyncset.done $0x0  }
0xf2: {  	[sflag:s5] =	ssyncadd.s32 $0xFFFFFF80  }
0xf3: {  	_ =	swait.ge [sflag:s5], $0x80  }
0xf4: {  	s20 =	smov.u32 s17;
	s19 =	sshra.s32 s18, $0x2;
	[sflag:s5] =	ssyncset.done $0x0  }
0xf5: {  	s6 =	sadd.s32 $0x8000, s19;
	[sflag:s5] =	ssyncadd.s32 $0xFFFFFF80  }
0xf6: {  	[spmem:s2] =	stream.indirect.scatter.add.f32 [tilespmem:s29], [sflag:$0x1], $0x1, s6, s24, $0xb8;
	[tilespmem:$0x1E600] =	vst v63  }
0xf7: {  	s20 =	sadd.s32 $0x8080, s19  }
0xf8: {  	[spmem:s2] =	stream.indirect.scatter.add.f32 [tilespmem:s30], [sflag:$0x1], $0x1, s20, s24, $0xb8;
	[tilespmem:$0x1E600] =	vst v63  }
0xf9: {  	s21 =	sadd.s32 $0x8100, s19  }
0xfa: {  	[spmem:s2] =	stream.indirect.scatter.add.f32 [tilespmem:s31], [sflag:$0x1], $0x1, s21, s24, $0xb8;
	[tilespmem:$0x1E600] =	vst v63  }
0xfb: {  	s25 =	sadd.s32 $0x8180, s19  }
0xfc: {  	[spmem:s2] =	stream.indirect.scatter.add.f32 [tilespmem:s0], [sflag:$0x1], $0x1, s25, s24, $0xb8;
	[tilespmem:$0x1E600] =	vst v63  }
0xfd: {  	s17 =	sadd.s32 $0x8200, s19  }
0xfe: {  	[spmem:s2] =	stream.indirect.scatter.add.f32 [tilespmem:s3], [sflag:$0x1], $0x1, s17, s24, $0xb8;
	[tilespmem:$0x1E600] =	vst v63  }
0xff: {  	s18 =	sadd.s32 $0x8280, s19  }
0x100: {  	[spmem:s2] =	stream.indirect.scatter.add.f32 [tilespmem:s28], [sflag:$0x1], $0x1, s18, s24, $0xb8;
	[tilespmem:$0x1E600] =	vst v63  }
0x101: {  	s20 =	sadd.s32 $0x8300, s19  }
0x102: {  	[spmem:s2] =	stream.indirect.scatter.add.f32 [tilespmem:s1], [sflag:$0x1], $0x1, s20, s24, $0xb8;
	[tilespmem:$0x1E600] =	vst v63  }
0x103: {  	s21 =	sadd.s32 $0x8380, s19  }
0x104: {  	[spmem:s2] =	stream.indirect.scatter.add.f32 [tilespmem:s4], [sflag:$0x1], $0x1, s21, s24, $0xb8;
	[tilespmem:$0x1E600] =	vst v63  }
0x105: {  	_ =	swait.ge [sflag:s5], $0x80  }
0x106: {  	[sflag:s5] =	ssyncset.done $0x0  }
0x107: {  	[sflag:s5] =	ssyncadd.s32 $0xFFFFFF80  }
0x108: {  	_ =	swait.ge [sflag:s5], $0x80  }
0x109: {  	[sflag:s5] =	ssyncset.done $0x0  }
0x10a: {  	[sflag:s5] =	ssyncadd.s32 $0xFFFFFF80  }
0x10b: {  	_ =	swait.ge [sflag:s5], $0x80  }
0x10c: {  	[sflag:s5] =	ssyncset.done $0x0  }
0x10d: {  	[sflag:s5] =	ssyncadd.s32 $0xFFFFFF80  }
0x10e: {  	_ =	swait.ge [sflag:s5], $0x80  }
0x10f: {  	[sflag:s5] =	ssyncset.done $0x0  }
0x110: {  	[sflag:s5] =	ssyncadd.s32 $0xFFFFFF80  }
0x111: {  	_ =	swait.ge [sflag:s5], $0x80  }
0x112: {  	[sflag:s5] =	ssyncset.done $0x0  }
0x113: {  	[sflag:s5] =	ssyncadd.s32 $0xFFFFFF80  }
0x114: {  	_ =	swait.ge [sflag:s5], $0x80  }
0x115: {  	[sflag:s5] =	ssyncset.done $0x0  }
0x116: {  	[sflag:s5] =	ssyncadd.s32 $0xFFFFFF80  }
0x117: {  	_ =	swait.ge [sflag:s5], $0x80  }
0x118: {  	[sflag:s5] =	ssyncset.done $0x0  }
0x119: {  	[sflag:s5] =	ssyncadd.s32 $0xFFFFFF80  }
0x11a: {  	_ =	swait.ge [sflag:s5], $0x80  }
0x11b: {  	[sflag:s5] =	ssyncset.done $0x0  }
0x11c: {  	[sflag:s5] =	ssyncadd.s32 $0xFFFFFF80  }
0x11d: {  	[tilespmem:s10], [sflag:$0x2] =	stream.indirect.gather [spmem:s2], $0x1, s22, s24, $0xb8;
	[tilespmem:$0x1E600] =	vst v63  }
0x11e: {  	_ =	swait.ge [sflag:s26], $0x80  }
0x11f: {  	[sflag:s26] =	ssyncset.done $0x0  }
0x120: {  	[sflag:s26] =	ssyncadd.s32 $0xFFFFFF80  }
0x121: {  	[tilespmem:s10], [sflag:$0x2] =	stream.indirect.gather [spmem:s2], $0x1, s23, s24, $0xb8;
	[tilespmem:$0x1E600] =	vst v63  }
0x122: {  	_ =	swait.ge [sflag:s26], $0x80  }
0x123: {  	[sflag:s26] =	ssyncset.done $0x0  }
0x124: {  	[sflag:s26] =	ssyncadd.s32 $0xFFFFFF80  }
0x125: {  	[tilespmem:s10], [sflag:$0x2] =	stream.indirect.gather [spmem:s2], $0x1, s11, s24, $0xb8;
	[tilespmem:$0x1E600] =	vst v63  }
0x126: {  	_ =	swait.ge [sflag:s26], $0x80  }
0x127: {  	[sflag:s26] =	ssyncset.done $0x0  }
0x128: {  	[sflag:s26] =	ssyncadd.s32 $0xFFFFFF80  }
0x129: {  	[tilespmem:s10], [sflag:$0x2] =	stream.indirect.gather [spmem:s2], $0x1, s12, s24, $0xb8;
	[tilespmem:$0x1E600] =	vst v63  }
0x12a: {  	_ =	swait.ge [sflag:s26], $0x80  }
0x12b: {  	[sflag:s26] =	ssyncset.done $0x0  }
0x12c: {  	[sflag:s26] =	ssyncadd.s32 $0xFFFFFF80  }
0x12d: {  	[bflag:$0x0] =	sbarrier.arrive $0xFFFF  }
0x12e: {  	_ =	sdelay $0x7ff  }
0x12f: {  	_ =	sdelay $0x7ff  }
0x130: {  	s17 =	sshrl.u32 s9, $0x3;
	_ =	sdelay $0x5ad  }
0x131: {  	[hbm:s8], [sflag:s15] =	dma.local [spmem:s17], $0x800  }
0x132: {  	_ =	swait.ge [sflag:s26], $0x800  }
0x133: {  	[sflag:s26] =	ssyncset.done $0x0;
	s23 =	rddreg [dreg:$0x7]  }
0x134: {  	s25 =	rddreg [dreg:$0x6];
	[sflag:s26] =	ssyncadd.s32 $0xFFFFF800;
	s18 =	sshrl.u32 s23, $0x3  }
0x135: {  	[hbm:s25], [sflag:s15] =	dma.local [spmem:s18], $0x800  }
0x136: {  	_ =	swait.ge [sflag:s26], $0x800  }
0x137: {  	[sflag:s26] =	ssyncset.done $0x0;
	s19 =	rddreg [dreg:$0x9]  }
0x138: {  	s20 =	rddreg [dreg:$0x8];
	[sflag:s26] =	ssyncadd.s32 $0xFFFFF800;
	s19 =	sshrl.u32 s19, $0x3  }
0x139: {  	[hbm:s20], [sflag:s15] =	dma.local [spmem:s19], $0x800  }
0x13a: {  	_ =	swait.ge [sflag:s26], $0x800  }
0x13b: {  	[sflag:s26] =	ssyncset.done $0x0;
	s21 =	rddreg [dreg:$0xc]  }
0x13c: {  	s22 =	rddreg [dreg:$0xb];
	[sflag:s26] =	ssyncadd.s32 $0xFFFFF800;
	s20 =	sshrl.u32 s21, $0x3  }
0x13d: {  	[hbm:s22], [sflag:s15] =	dma.local [spmem:s20], $0x800  }
0x13e: {  	_ =	swait.ge [sflag:s26], $0x800  }
0x13f: {  	[sflag:s26] =	ssyncset.done $0x0;
	s23 =	rddreg [dreg:$0xe]  }
0x140: {  	s25 =	rddreg [dreg:$0xd];
	[sflag:s26] =	ssyncadd.s32 $0xFFFFF800;
	s21 =	sshrl.u32 s23, $0x3  }
0x141: {  	[hbm:s25], [sflag:s15] =	dma.local [spmem:s21], $0x420  }
0x142: {  	_ =	swait.ge [sflag:s26], $0x420  }
0x143: {  	[sflag:s26] =	ssyncset.done $0x0  }
0x144: {  	[sflag:s26] =	ssyncadd.s32 $0xFFFFFBE0  }
0x145: {  	[bflag:$0x0] =	sbarrier.arrive $0xFFFF  }
0x146: {  	[spmem:s16], [sflag:s15] =	dma.local [hbm:s7], $0x2430  }
0x147: {  	_ =	swait.ge [sflag:s26], $0x2430  }
0x148: {  	[sflag:s26] =	ssyncset.done $0x0  }
0x149: {  	[sflag:s26] =	ssyncadd.s32 $0xFFFFDBD0  }
0x14a: {  	s16 =	simm.s32 $0x0;
	[bflag:$0x0] =	sbarrier.arrive $0xFFFF  }
0x14b: {  	v11 =	vld [tilespmem:s16+$0x4070]  }
0x14c: {  	v12 =	vld [tilespmem:s16+$0x4000]  }
0x14d: {  	v13 =	vld [tilespmem:s16+$0x4010]  }
0x14e: {  	v14 =	vld [tilespmem:s16+$0x70]  }
0x14f: {  	v15 =	vld [tilespmem:s16+$0x4020]  }
0x150: {  	v21 =	vld [tilespmem:s16+$0x4060]  }
0x151: {  	v16 =	vld [tilespmem:s16+$0x4030]  }
0x152: {  	v17 =	vld [tilespmem:s16+$0x4040];
	v11 =	vsub.s32 v11, v9;
	v12 =	vsub.s32 v12, v9  }
0x153: {  	v19 =	vld [tilespmem:s16+$0x4050];
	v18 =	vmul.u32 $0x880, v11;
	vm6 =	vlt.u32 v12, $0x220;
	v20 =	vmul.u32 $0x880, v12  }
0x154: {  	v22 =	vld [tilespmem:s16+$0x0];
	v12 =	vsub.s32 v13, v9;
	vm0 =	vlt.u32 v11, $0x220;
	v13 =	vsub.s32 v15, v9  }
0x155: {  	v15 =	vsub.s32 v21, v9;
	v23 =	vmul.u32 $0x880, v12;
	vm4 =	vlt.u32 v12, $0x220  }
0x156: {  	v24 =	vld [tilespmem:s16+$0x10];
	v12 =	vsub.s32 v16, v9;
	vm5 =	vlt.u32 v15, $0x220;
	v11 =	vadd.s32 v14, v18  }
0x157: {  	v16 =	vld [tilespmem:s16+$0x20];
	v15 =	vmul.u32 $0x880, v15;
	vm1 =	vlt.u32 v12, $0x220;
	v11 =	vsel vm0, v11, v8  }
0x158: {  	vm0 =	vlt.u32 v13, $0x220;
	[tilespmem:s16+$0x8070] =	vst v11;
	v11 =	vmul.u32 $0x880, v13;
	v13 =	vsub.s32 v17, v9;
	v17 =	vld [tilespmem:s16+$0x30]  }
0x159: {  	v12 =	vmul.u32 $0x880, v12;
	v14 =	vsub.s32 v19, v9;
	v18 =	vld [tilespmem:s16+$0x40];
	v20 =	vadd.s32 v22, v20  }
0x15a: {  	v19 =	vld [tilespmem:s16+$0x50];
	vm3 =	vlt.u32 v14, $0x220;
	v14 =	vmul.u32 $0x880, v14;
	v21 =	vsel vm6, v20, v1  }
0x15b: {  	s22 =	simm.s32 $0x80;
	s23 =	simm.s32 $0x400;
	v22 =	vadd.s32 v24, v23;
	v20 =	vld [tilespmem:s16+$0x60];
	vm2 =	vlt.u32 v13, $0x220;
	v13 =	vmul.u32 $0x880, v13  }
.LBB2_6:
0x15c: {  	p0 =	sne.s32 s23, $0xFE00;
	v23 =	vld [tilespmem:s22+$0x4070];
	[tilespmem:s16+$0x8000] =	vst v21;
	v21 =	vsel vm4, v22, v2;
	v11 =	vadd.s32 v16, v11  }
0x15d: {  	v16 =	vld [tilespmem:s22+$0x4000];
	[tilespmem:s16+$0x8010] =	vst v21;
	v11 =	vsel vm0, v11, v3;
	v12 =	vadd.s32 v17, v12  }
0x15e: {  	v17 =	vld [tilespmem:s22+$0x4010];
	[tilespmem:s16+$0x8020] =	vst v11;
	v11 =	vsel vm1, v12, v4;
	v12 =	vadd.s32 v18, v13  }
0x15f: {  	v13 =	vld [tilespmem:s22+$0x70];
	[tilespmem:s16+$0x8030] =	vst v11;
	v11 =	vsel vm2, v12, v5;
	v12 =	vadd.s32 v19, v14  }
0x160: {  	v14 =	vld [tilespmem:s22+$0x4020];
	[tilespmem:s16+$0x8040] =	vst v11;
	v11 =	vsel vm3, v12, v6;
	v12 =	vadd.s32 v20, v15  }
0x161: {  	v15 =	vld [tilespmem:s22+$0x4030];
	v18 =	vsub.s32 v23, v9;
	[tilespmem:s16+$0x8050] =	vst v11;
	v11 =	vsel vm5, v12, v7  }
0x162: {  	v12 =	vsub.s32 v16, v9;
	v19 =	vld [tilespmem:s22+$0x4040];
	v16 =	vmul.u32 $0x880, v18;
	[tilespmem:s16+$0x8060] =	vst v11;
	s16 =	smov.u32 s22  }
0x163: {  	vm6 =	vlt.u32 v12, $0x220;
	v20 =	vmul.u32 $0x880, v12;
	v11 =	vsub.s32 v17, v9;
	v21 =	vld [tilespmem:s16+$0x4050]  }
0x164: {  	vm0 =	vlt.u32 v18, $0x220;
	v22 =	vmul.u32 $0x880, v11;
	v23 =	vld [tilespmem:s16+$0x4060];
	v12 =	vadd.s32 v13, v16  }
0x165: {  	vm4 =	vlt.u32 v11, $0x220;
	v24 =	vld [tilespmem:s16+$0x0];
	v11 =	vsub.s32 v14, v9;
	v12 =	vsel vm0, v12, v8  }
0x166: {  	v25 =	vld [tilespmem:s16+$0x10];
	vm0 =	vlt.u32 v11, $0x220;
	v11 =	vmul.u32 $0x880, v11;
	v13 =	vsub.s32 v15, v9;
	[tilespmem:s16+$0x8070] =	vst v12  }
.Ltmp2:
0x167: {  	v16 =	vld [tilespmem:s16+$0x20];
	vm1 =	vlt.u32 v13, $0x220;
	v12 =	vmul.u32 $0x880, v13;
	v13 =	vsub.s32 v19, v9;
	(pc) =	sbr.rel @p0 .LBB2_6-.Ltmp2, $4  }
0x168: {  	v17 =	vld [tilespmem:s16+$0x30];
	vm2 =	vlt.u32 v13, $0x220;
	v13 =	vmul.u32 $0x880, v13;
	v14 =	vsub.s32 v21, v9  }
0x169: {  	v18 =	vld [tilespmem:s16+$0x40];
	vm3 =	vlt.u32 v14, $0x220;
	v14 =	vmul.u32 $0x880, v14;
	v15 =	vsub.s32 v23, v9  }
0x16a: {  	v20 =	vadd.s32 v24, v20;
	v19 =	vld [tilespmem:s16+$0x50];
	vm5 =	vlt.u32 v15, $0x220;
	v15 =	vmul.u32 $0x880, v15  }
0x16b: {  	s22 =	sshra.s32 s23, $0x2;
	s23 =	sadd.s32 $0x200, s23;
	v21 =	vsel vm6, v20, v1;
	v22 =	vadd.s32 v25, v22;
	v20 =	vld [tilespmem:s16+$0x60]  }
0x16c: {  	v23 =	vld [tilespmem:s22+$0x4070];
	[tilespmem:s16+$0x8000] =	vst v21;
	v39 =	vsel vm4, v22, v2;
	v11 =	vadd.s32 v16, v11  }
0x16d: {  	v40 =	vld [tilespmem:s22+$0x4000];
	[tilespmem:s16+$0x8010] =	vst v39;
	v11 =	vsel vm0, v11, v3;
	v12 =	vadd.s32 v17, v12  }
0x16e: {  	v41 =	vld [tilespmem:s22+$0x4010];
	[tilespmem:s16+$0x8020] =	vst v11;
	v11 =	vsel vm1, v12, v4;
	v13 =	vadd.s32 v18, v13  }
0x16f: {  	v42 =	vld [tilespmem:s22+$0x70];
	[tilespmem:s16+$0x8030] =	vst v11;
	v11 =	vsel vm2, v13, v5;
	v14 =	vadd.s32 v19, v14  }
0x170: {  	v43 =	vld [tilespmem:s22+$0x4020];
	[tilespmem:s16+$0x8040] =	vst v11;
	v11 =	vsel vm3, v14, v6;
	v15 =	vadd.s32 v20, v15  }
0x171: {  	v44 =	vld [tilespmem:s22+$0x4030];
	[tilespmem:s16+$0x8050] =	vst v11;
	v11 =	vsel vm5, v15, v7  }
0x172: {  	v46 =	vsub.s32 v23, v9;
	v45 =	vld [tilespmem:s22+$0x4040];
	[tilespmem:s16+$0x8060] =	vst v11  }
0x173: {  	v11 =	vmul.u32 $0x880, v46;
	v47 =	vld [tilespmem:s22+$0x4050]  }
0x174: {  	v50 =	vsub.s32 v40, v9;
	v48 =	vld [tilespmem:s22+$0x4060]  }
0x175: {  	vm8 =	vlt.u32 v46, $0x220;
	v49 =	vld [tilespmem:s22+$0x0];
	vm9 =	vlt.u32 v50, $0x220;
	v11 =	vadd.s32 v42, v11  }
0x176: {  	v51 =	vld [tilespmem:s22+$0x10];
	v17 =	vmul.u32 $0x880, v50;
	v16 =	vsub.s32 v41, v9;
	v11 =	vsel vm8, v11, v8  }
0x177: {  	v52 =	vld [tilespmem:s22+$0x20];
	vm10 =	vlt.u32 v16, $0x220;
	v13 =	vsub.s32 v43, v9;
	[tilespmem:s22+$0x8070] =	vst v11;
	v11 =	vmul.u32 $0x880, v16  }
0x178: {  	v21 =	vld [tilespmem:s22+$0x30];
	vm11 =	vlt.u32 v13, $0x220;
	v13 =	vmul.u32 $0x880, v13;
	v14 =	vsub.s32 v44, v9  }
0x179: {  	v53 =	vld [tilespmem:s22+$0x40];
	vm12 =	vlt.u32 v14, $0x220;
	v14 =	vmul.u32 $0x880, v14;
	v15 =	vsub.s32 v45, v9  }
0x17a: {  	v54 =	vld [tilespmem:s22+$0x50];
	vm13 =	vlt.u32 v15, $0x220;
	v15 =	vmul.u32 $0x880, v15;
	v12 =	vadd.s32 v49, v17  }
0x17b: {  	v55 =	vld [tilespmem:s22+$0x60];
	v18 =	vsub.s32 v47, v9;
	v11 =	vadd.s32 v51, v11;
	v12 =	vsel vm9, v12, v1  }
0x17c: {  	v57 =	vadd.s32 v52, v13;
	v58 =	vsub.s32 v48, v9;
	v11 =	vsel vm10, v11, v2;
	[tilespmem:s22+$0x8000] =	vst v12  }
0x17d: {  	v56 =	vmul.u32 $0x880, v18;
	v59 =	vadd.s32 v21, v14;
	[tilespmem:s22+$0x8010] =	vst v11;
	v11 =	vsel vm11, v57, v3  }
0x17e: {  	v60 =	vmul.u32 $0x880, v58;
	v61 =	vadd.s32 v53, v15;
	[tilespmem:s22+$0x8020] =	vst v11;
	v11 =	vsel vm12, v59, v4  }
0x17f: {  	vm14 =	vlt.u32 v18, $0x220;
	v62 =	vadd.s32 v54, v56;
	[tilespmem:s22+$0x8030] =	vst v11;
	v11 =	vsel vm13, v61, v5  }
0x180: {  	vm15 =	vlt.u32 v58, $0x220;
	v63 =	vadd.s32 v55, v60;
	[tilespmem:s22+$0x8040] =	vst v11;
	v11 =	vsel vm14, v62, v6  }
0x181: {  	[tilespmem:s22+$0x8050] =	vst v11;
	v11 =	vsel vm15, v63, v7  }
0x182: {  	s6 =	simm.s32 $0x8000;
	[tilespmem:s22+$0x8060] =	vst v11  }
0x183: {  	[spmem:s2] =	stream.indirect.scatter.add.f32 [tilespmem:s29], [sflag:$0x1], $0x1, s6, s24, $0xb8;
	[tilespmem:$0x1E600] =	vst v63  }
0x184: {  	s22 =	simm.s32 $0x8080  }
0x185: {  	[spmem:s2] =	stream.indirect.scatter.add.f32 [tilespmem:s30], [sflag:$0x1], $0x1, s22, s24, $0xb8;
	[tilespmem:$0x1E600] =	vst v63  }
0x186: {  	s23 =	simm.s32 $0x8100  }
0x187: {  	[spmem:s2] =	stream.indirect.scatter.add.f32 [tilespmem:s31], [sflag:$0x1], $0x1, s23, s24, $0xb8;
	[tilespmem:$0x1E600] =	vst v63  }
0x188: {  	s25 =	simm.s32 $0x8180  }
0x189: {  	[spmem:s2] =	stream.indirect.scatter.add.f32 [tilespmem:s0], [sflag:$0x1], $0x1, s25, s24, $0xb8;
	[tilespmem:$0x1E600] =	vst v63  }
0x18a: {  	s16 =	simm.s32 $0x8200  }
0x18b: {  	[spmem:s2] =	stream.indirect.scatter.add.f32 [tilespmem:s3], [sflag:$0x1], $0x1, s16, s24, $0xb8;
	[tilespmem:$0x1E600] =	vst v63  }
0x18c: {  	s22 =	simm.s32 $0x8280  }
0x18d: {  	[spmem:s2] =	stream.indirect.scatter.add.f32 [tilespmem:s28], [sflag:$0x1], $0x1, s22, s24, $0xb8;
	[tilespmem:$0x1E600] =	vst v63  }
0x18e: {  	s23 =	simm.s32 $0x8300  }
0x18f: {  	[spmem:s2] =	stream.indirect.scatter.add.f32 [tilespmem:s1], [sflag:$0x1], $0x1, s23, s24, $0xb8;
	[tilespmem:$0x1E600] =	vst v63  }
0x190: {  	s25 =	simm.s32 $0x8380  }
0x191: {  	[spmem:s2] =	stream.indirect.scatter.add.f32 [tilespmem:s4], [sflag:$0x1], $0x1, s25, s24, $0xb8;
	[tilespmem:$0x1E600] =	vst v63  }
0x192: {  	_ =	swait.ge [sflag:s5], $0x80  }
0x193: {  	[sflag:s5] =	ssyncset.done $0x0  }
0x194: {  	[sflag:s5] =	ssyncadd.s32 $0xFFFFFF80  }
0x195: {  	_ =	swait.ge [sflag:s5], $0x80  }
0x196: {  	[sflag:s5] =	ssyncset.done $0x0  }
0x197: {  	[sflag:s5] =	ssyncadd.s32 $0xFFFFFF80  }
0x198: {  	_ =	swait.ge [sflag:s5], $0x80  }
0x199: {  	[sflag:s5] =	ssyncset.done $0x0  }
0x19a: {  	[sflag:s5] =	ssyncadd.s32 $0xFFFFFF80  }
0x19b: {  	_ =	swait.ge [sflag:s5], $0x80  }
0x19c: {  	[sflag:s5] =	ssyncset.done $0x0  }
0x19d: {  	[sflag:s5] =	ssyncadd.s32 $0xFFFFFF80  }
0x19e: {  	_ =	swait.ge [sflag:s5], $0x80  }
0x19f: {  	[sflag:s5] =	ssyncset.done $0x0  }
0x1a0: {  	[sflag:s5] =	ssyncadd.s32 $0xFFFFFF80  }
0x1a1: {  	_ =	swait.ge [sflag:s5], $0x80  }
0x1a2: {  	[sflag:s5] =	ssyncset.done $0x0  }
0x1a3: {  	[sflag:s5] =	ssyncadd.s32 $0xFFFFFF80  }
0x1a4: {  	_ =	swait.ge [sflag:s5], $0x80  }
0x1a5: {  	[sflag:s5] =	ssyncset.done $0x0  }
0x1a6: {  	[sflag:s5] =	ssyncadd.s32 $0xFFFFFF80  }
0x1a7: {  	_ =	swait.ge [sflag:s5], $0x80  }
0x1a8: {  	s16 =	simm.s32 $0x2000;
	s23 =	simm.s32 $0x400;
	[sflag:s5] =	ssyncset.done $0x0  }
.LBB2_8:
0x1a9: {  	s25 =	sadd.s32 $0x8000, s23  }
0x1aa: {  	[sflag:s5] =	ssyncadd.s32 $0xFFFFFF80;
	s22 =	smov.u32 s16;
	s6 =	sadd.s32 $0x1000, s16  }
0x1ab: {  	[spmem:s2] =	stream.indirect.scatter.add.f32 [tilespmem:s29], [sflag:$0x1], $0x1, s25, s24, $0xb8;
	[tilespmem:$0x1E600] =	vst v63  }
0x1ac: {  	p0 =	sne.s32 s16, $0xF000;
	s16 =	sadd.s32 $0x8080, s23  }
0x1ad: {  	[spmem:s2] =	stream.indirect.scatter.add.f32 [tilespmem:s30], [sflag:$0x1], $0x1, s16, s24, $0xb8;
	[tilespmem:$0x1E600] =	vst v63  }
0x1ae: {  	s16 =	sadd.s32 $0x8100, s23  }
0x1af: {  	[spmem:s2] =	stream.indirect.scatter.add.f32 [tilespmem:s31], [sflag:$0x1], $0x1, s16, s24, $0xb8;
	[tilespmem:$0x1E600] =	vst v63  }
0x1b0: {  	s16 =	sadd.s32 $0x8180, s23  }
0x1b1: {  	[spmem:s2] =	stream.indirect.scatter.add.f32 [tilespmem:s0], [sflag:$0x1], $0x1, s16, s24, $0xb8;
	[tilespmem:$0x1E600] =	vst v63  }
0x1b2: {  	s16 =	sadd.s32 $0x8200, s23  }
0x1b3: {  	[spmem:s2] =	stream.indirect.scatter.add.f32 [tilespmem:s3], [sflag:$0x1], $0x1, s16, s24, $0xb8;
	[tilespmem:$0x1E600] =	vst v63  }
0x1b4: {  	s16 =	sadd.s32 $0x8280, s23  }
0x1b5: {  	[spmem:s2] =	stream.indirect.scatter.add.f32 [tilespmem:s28], [sflag:$0x1], $0x1, s16, s24, $0xb8;
	[tilespmem:$0x1E600] =	vst v63  }
0x1b6: {  	s16 =	sadd.s32 $0x8300, s23  }
0x1b7: {  	[spmem:s2] =	stream.indirect.scatter.add.f32 [tilespmem:s1], [sflag:$0x1], $0x1, s16, s24, $0xb8;
	[tilespmem:$0x1E600] =	vst v63  }
0x1b8: {  	s16 =	sadd.s32 $0x8380, s23  }
0x1b9: {  	[spmem:s2] =	stream.indirect.scatter.add.f32 [tilespmem:s4], [sflag:$0x1], $0x1, s16, s24, $0xb8;
	[tilespmem:$0x1E600] =	vst v63  }
0x1ba: {  	_ =	swait.ge [sflag:s5], $0x80  }
0x1bb: {  	[sflag:s5] =	ssyncset.done $0x0  }
0x1bc: {  	[sflag:s5] =	ssyncadd.s32 $0xFFFFFF80  }
0x1bd: {  	_ =	swait.ge [sflag:s5], $0x80  }
0x1be: {  	[sflag:s5] =	ssyncset.done $0x0  }
0x1bf: {  	[sflag:s5] =	ssyncadd.s32 $0xFFFFFF80  }
0x1c0: {  	_ =	swait.ge [sflag:s5], $0x80  }
0x1c1: {  	[sflag:s5] =	ssyncset.done $0x0  }
0x1c2: {  	[sflag:s5] =	ssyncadd.s32 $0xFFFFFF80  }
0x1c3: {  	_ =	swait.ge [sflag:s5], $0x80  }
0x1c4: {  	[sflag:s5] =	ssyncset.done $0x0  }
0x1c5: {  	[sflag:s5] =	ssyncadd.s32 $0xFFFFFF80  }
0x1c6: {  	_ =	swait.ge [sflag:s5], $0x80  }
0x1c7: {  	[sflag:s5] =	ssyncset.done $0x0  }
0x1c8: {  	[sflag:s5] =	ssyncadd.s32 $0xFFFFFF80  }
0x1c9: {  	_ =	swait.ge [sflag:s5], $0x80  }
0x1ca: {  	[sflag:s5] =	ssyncset.done $0x0  }
0x1cb: {  	[sflag:s5] =	ssyncadd.s32 $0xFFFFFF80  }
.Ltmp3:
0x1cc: {  	_ =	swait.ge [sflag:s5], $0x80;
	(pc) =	sbr.rel @p0 .LBB2_8-.Ltmp3, $4  }
0x1cd: {  	[sflag:s5] =	ssyncset.done $0x0  }
0x1ce: {  	[sflag:s5] =	ssyncadd.s32 $0xFFFFFF80  }
0x1cf: {  	_ =	swait.ge [sflag:s5], $0x80  }
0x1d0: {  	s23 =	sshra.s32 s22, $0x2;
	s16 =	smov.u32 s6;
	[sflag:s5] =	ssyncset.done $0x0  }
0x1d1: {  	s6 =	sadd.s32 $0x8000, s23;
	[sflag:s5] =	ssyncadd.s32 $0xFFFFFF80  }
0x1d2: {  	[spmem:s2] =	stream.indirect.scatter.add.f32 [tilespmem:s29], [sflag:$0x1], $0x1, s6, s24, $0xb8;
	[tilespmem:$0x1E600] =	vst v63  }
0x1d3: {  	s16 =	sadd.s32 $0x8080, s23  }
0x1d4: {  	[spmem:s2] =	stream.indirect.scatter.add.f32 [tilespmem:s30], [sflag:$0x1], $0x1, s16, s24, $0xb8;
	[tilespmem:$0x1E600] =	vst v63  }
0x1d5: {  	s22 =	sadd.s32 $0x8100, s23  }
0x1d6: {  	[spmem:s2] =	stream.indirect.scatter.add.f32 [tilespmem:s31], [sflag:$0x1], $0x1, s22, s24, $0xb8;
	[tilespmem:$0x1E600] =	vst v63  }
0x1d7: {  	s25 =	sadd.s32 $0x8180, s23  }
0x1d8: {  	[spmem:s2] =	stream.indirect.scatter.add.f32 [tilespmem:s0], [sflag:$0x1], $0x1, s25, s24, $0xb8;
	[tilespmem:$0x1E600] =	vst v63  }
0x1d9: {  	s16 =	sadd.s32 $0x8200, s23  }
0x1da: {  	[spmem:s2] =	stream.indirect.scatter.add.f32 [tilespmem:s3], [sflag:$0x1], $0x1, s16, s24, $0xb8;
	[tilespmem:$0x1E600] =	vst v63  }
0x1db: {  	s22 =	sadd.s32 $0x8280, s23  }
0x1dc: {  	[spmem:s2] =	stream.indirect.scatter.add.f32 [tilespmem:s28], [sflag:$0x1], $0x1, s22, s24, $0xb8;
	[tilespmem:$0x1E600] =	vst v63  }
0x1dd: {  	s25 =	sadd.s32 $0x8300, s23  }
0x1de: {  	[spmem:s2] =	stream.indirect.scatter.add.f32 [tilespmem:s1], [sflag:$0x1], $0x1, s25, s24, $0xb8;
	[tilespmem:$0x1E600] =	vst v63  }
0x1df: {  	s16 =	sadd.s32 $0x8380, s23  }
0x1e0: {  	[spmem:s2] =	stream.indirect.scatter.add.f32 [tilespmem:s4], [sflag:$0x1], $0x1, s16, s24, $0xb8;
	[tilespmem:$0x1E600] =	vst v63  }
0x1e1: {  	_ =	swait.ge [sflag:s5], $0x80  }
0x1e2: {  	[sflag:s5] =	ssyncset.done $0x0  }
0x1e3: {  	[sflag:s5] =	ssyncadd.s32 $0xFFFFFF80  }
0x1e4: {  	_ =	swait.ge [sflag:s5], $0x80  }
0x1e5: {  	[sflag:s5] =	ssyncset.done $0x0  }
0x1e6: {  	[sflag:s5] =	ssyncadd.s32 $0xFFFFFF80  }
0x1e7: {  	_ =	swait.ge [sflag:s5], $0x80  }
0x1e8: {  	[sflag:s5] =	ssyncset.done $0x0  }
0x1e9: {  	[sflag:s5] =	ssyncadd.s32 $0xFFFFFF80  }
0x1ea: {  	_ =	swait.ge [sflag:s5], $0x80  }
0x1eb: {  	[sflag:s5] =	ssyncset.done $0x0  }
0x1ec: {  	[sflag:s5] =	ssyncadd.s32 $0xFFFFFF80  }
0x1ed: {  	_ =	swait.ge [sflag:s5], $0x80  }
0x1ee: {  	[sflag:s5] =	ssyncset.done $0x0  }
0x1ef: {  	[sflag:s5] =	ssyncadd.s32 $0xFFFFFF80  }
0x1f0: {  	_ =	swait.ge [sflag:s5], $0x80  }
0x1f1: {  	[sflag:s5] =	ssyncset.done $0x0  }
0x1f2: {  	[sflag:s5] =	ssyncadd.s32 $0xFFFFFF80  }
0x1f3: {  	_ =	swait.ge [sflag:s5], $0x80  }
0x1f4: {  	[sflag:s5] =	ssyncset.done $0x0  }
0x1f5: {  	[sflag:s5] =	ssyncadd.s32 $0xFFFFFF80  }
0x1f6: {  	_ =	swait.ge [sflag:s5], $0x80  }
0x1f7: {  	[sflag:s5] =	ssyncset.done $0x0  }
0x1f8: {  	s22 =	simm.s32 $0xBE00;
	[sflag:s5] =	ssyncadd.s32 $0xFFFFFF80  }
0x1f9: {  	[tilespmem:s10], [sflag:$0x2] =	stream.indirect.gather [spmem:s2], $0x1, s22, s24, $0xb8;
	[tilespmem:$0x1E600] =	vst v63  }
0x1fa: {  	_ =	swait.ge [sflag:s26], $0x80  }
0x1fb: {  	[sflag:s26] =	ssyncset.done $0x0  }
0x1fc: {  	s23 =	simm.s32 $0xBE80;
	[sflag:s26] =	ssyncadd.s32 $0xFFFFFF80  }
0x1fd: {  	[tilespmem:s10], [sflag:$0x2] =	stream.indirect.gather [spmem:s2], $0x1, s23, s24, $0xb8;
	[tilespmem:$0x1E600] =	vst v63  }
0x1fe: {  	_ =	swait.ge [sflag:s26], $0x80  }
0x1ff: {  	[sflag:s26] =	ssyncset.done $0x0  }
0x200: {  	[sflag:s26] =	ssyncadd.s32 $0xFFFFFF80  }
0x201: {  	[tilespmem:s10], [sflag:$0x2] =	stream.indirect.gather [spmem:s2], $0x1, s11, s24, $0xb8;
	[tilespmem:$0x1E600] =	vst v63  }
0x202: {  	_ =	swait.ge [sflag:s26], $0x80  }
0x203: {  	[sflag:s26] =	ssyncset.done $0x0  }
0x204: {  	[sflag:s26] =	ssyncadd.s32 $0xFFFFFF80  }
0x205: {  	[tilespmem:s10], [sflag:$0x2] =	stream.indirect.gather [spmem:s2], $0x1, s12, s24, $0xb8;
	[tilespmem:$0x1E600] =	vst v63  }
0x206: {  	_ =	swait.ge [sflag:s26], $0x80  }
0x207: {  	[sflag:s26] =	ssyncset.done $0x0  }
0x208: {  	[sflag:s26] =	ssyncadd.s32 $0xFFFFFF80  }
0x209: {  	[bflag:$0x0] =	sbarrier.arrive $0xFFFF  }
0x20a: {  	_ =	sdelay $0x7ff  }
0x20b: {  	_ =	sdelay $0x7ff  }
0x20c: {  	_ =	sdelay $0x5ad  }
0x20d: {  	[hbm:s13], [sflag:s15] =	dma.local [spmem:s17], $0x800  }
0x20e: {  	_ =	swait.ge [sflag:s26], $0x800  }
0x20f: {  	[sflag:s26] =	ssyncset.done $0x0  }
0x210: {  	s17 =	rddreg [dreg:$0xf];
	[sflag:s26] =	ssyncadd.s32 $0xFFFFF800  }
0x211: {  	[hbm:s17], [sflag:s15] =	dma.local [spmem:s18], $0x800  }
0x212: {  	_ =	swait.ge [sflag:s26], $0x800  }
0x213: {  	[sflag:s26] =	ssyncset.done $0x0  }
0x214: {  	s18 =	rddreg [dreg:$0x10];
	[sflag:s26] =	ssyncadd.s32 $0xFFFFF800  }
0x215: {  	[hbm:s18], [sflag:s15] =	dma.local [spmem:s19], $0x800  }
0x216: {  	_ =	swait.ge [sflag:s26], $0x800  }
0x217: {  	[sflag:s26] =	ssyncset.done $0x0  }
0x218: {  	s19 =	rddreg [dreg:$0x11];
	[sflag:s26] =	ssyncadd.s32 $0xFFFFF800  }
0x219: {  	[hbm:s19], [sflag:s15] =	dma.local [spmem:s20], $0x800  }
0x21a: {  	_ =	swait.ge [sflag:s26], $0x800  }
0x21b: {  	[sflag:s26] =	ssyncset.done $0x0  }
0x21c: {  	s20 =	rddreg [dreg:$0x12];
	[sflag:s26] =	ssyncadd.s32 $0xFFFFF800  }
0x21d: {  	[hbm:s20], [sflag:s15] =	dma.local [spmem:s21], $0x420  }
0x21e: {  	_ =	swait.ge [sflag:s26], $0x420  }
0x21f: {  	s14 =	sadd.s32 $0x1, s14;
	s25 =	rddreg [dreg:$0xa]  }
0x220: {  	p0 =	sne.s32 s14, s25  }
.Ltmp4:
0x221: {  	_ = 	snop;
	(pc) =	sbr.rel @p0 .LBB2_1-.Ltmp4, $3  }
0x222: {  	[sflag:s26] =	ssyncset.done $0x0  }
0x223: {  	[sflag:s26] =	ssyncadd.s32 $0xFFFFFBE0  }
0x224: {  	[bflag:$0x0] =	sbarrier.arrive $0xFFFF;
	_ =	sdelay $0x1  }
0x225: {  	_ =	sfence.sel $0x180000  }
0x226: {  	[bflag:$0x0] =	sbarrier.arrive $0xFFFF  }
0x227: {  	_ =	strace $0x90000047  }
0x228: {  	s0 =	stileid.u32;
	[bflag:$0x2] =	sbarrier.arrive $0xFFFF  }
0x229: {  	p0 =	sne.s32 s0, $0x0;
	s0 =	rddreg [dreg:$0x2]  }
0x22a: {  	s0 =	sadd.s32 @!p0 $0x100000, s0  }
0x22b: {  	[sflag:s0] =	ssyncadd.tile.s32 @!p0 $0x1;
	_ =	shalt  }
.Lfunc_end2:
_tile_overlayer_lowered:
.L_overlay_start_2:
0x22c: {  	(tag) =	ssettag $0x2  }
0x22d: {  	s0 =	rddreg [dreg:$0x0];
	s2 =	stileid.u32  }
0x22e: {  	s1 =	rddreg [dreg:$0x1];
	p0 =	sne.s32 s2, $0x0  }
0x22f: {  	s3 =	rddreg [dreg:$0x2];
	[bflag:$0x3] =	sbarrier.arrive $0xFFFF;
	s2 =	simm.s32 @!p0 $0x1C02  }
0x230: {  	[timem:s3], [sflag:s2] =	dma.local @!p0 [hbm:s0], s1  }
0x231: {  	s0 =	simm.s32 @!p0 $0x2  }
0x232: {  	_ =	swait.ge @!p0 [sflag:s0], s1  }
0x233: {  	s1 =	ssub.s32 @!p0 $0x0, s1;
	[sflag:s0] =	ssyncset.done @!p0 $0x0  }
0x234: {  	[sflag:s0] =	ssyncadd.s32 @!p0 s1  }
0x235: {  	[bflag:$0x3] =	sbarrier.arrive $0xFFFF  }
0x236: {  	_ =	shalt  }

</sc_bundles>
